<compile_context>
chip_gen: v7x
topology: tpu7x:2x2x1
jax: 0.10.2.dev20260603
libtpu: 0.0.44.dev20260713+nightly
codegen_flags: <defaults>
</compile_context>

<pallas_src>
import functools

import jax
import jax.numpy as jnp
from jax import lax
from jax.experimental import pallas as pl
from jax.experimental.pallas import tpu as pltpu
from jax.experimental.pallas import tpu_sc as plsc

N = 10000
D = 128
E = 320000

NC = 2
NS = 16
NW = NC * NS
CHUNK = 120
CPW = 84
EPAD = NW * CPW * CHUNK
NPAD = 10112
RPT = NPAD // NS
R = 3
I = 4
UNR = 12



def _make_sc_agg():
    mesh = plsc.VectorSubcoreMesh(core_axis_name="c", subcore_axis_name="s")

    @functools.partial(
        pl.kernel, mesh=mesh,
        out_type=jax.ShapeDtypeStruct((NC, NPAD, D), jnp.float32),
        scratch_types=[
            pltpu.VMEM((2 * I, CHUNK), jnp.int32),
            pltpu.VMEM((R, CHUNK, D), jnp.float32),
            pltpu.VMEM_SHARED((NPAD, D), jnp.float32),
        ] + [pltpu.SemaphoreType.DMA] * (2 * R + I),
    )
    def sc_agg(x_hbm, sd_hbm, out_hbm, sd_v, rows_v, agg_sh, *sems):
        cid = lax.axis_index("c")
        sid = lax.axis_index("s")
        wid = sid * NC + cid
        sg = sems[:R]
        ss = sems[R:2 * R]
        si = sems[2 * R:]
        zv = jnp.zeros((16,), jnp.float32)

        def zbody(r, c):
            for cc in range(8):
                rows_v[0, r, pl.ds(cc * 16, 16)] = zv
            return c

        lax.fori_loop(0, CHUNK, zbody, 0)
        for t in range(RPT // CHUNK):
            pltpu.sync_copy(rows_v.at[0],
                            agg_sh.at[pl.ds(sid * RPT + t * CHUNK, CHUNK)])
        REM = RPT - (RPT // CHUNK) * CHUNK
        pltpu.sync_copy(rows_v.at[0, pl.ds(0, REM)],
                        agg_sh.at[pl.ds(sid * RPT + RPT - REM, REM)])
        plsc.subcore_barrier()

        def _idx_load(j, bi):
            pltpu.async_copy(sd_hbm.at[wid, j], sd_v.at[pl.ds(2 * bi, 2)],
                             si[bi])

        def _idx_wait(bi):
            pltpu.make_async_copy(sd_hbm.at[wid, 0], sd_v.at[pl.ds(2 * bi, 2)],
                                  si[bi]).wait()

        def _gather(bi, br):
            pltpu.async_copy(x_hbm.at[sd_v.at[2 * bi]], rows_v.at[br], sg[br])

        def _gather_wait(bi, br):
            pltpu.make_async_copy(x_hbm.at[sd_v.at[2 * bi]], rows_v.at[br],
                                  sg[br]).wait()

        def _scatter(bi, br):
            pltpu.async_copy(rows_v.at[br], agg_sh.at[sd_v.at[2 * bi + 1]],
                             ss[br], add=True)

        def _scatter_wait(bi, br):
            pltpu.make_async_copy(rows_v.at[br], agg_sh.at[sd_v.at[2 * bi + 1]],
                                  ss[br]).wait()

        for p in range(R):
            _idx_load(p, p)
        for p in range(R - 1):
            _idx_wait(p)
            _gather(p, p)

        def body(i, carry):
            j = i * UNR
            for u in range(UNR):
                k = j + u
                br = u % R
                bi = u % I
                _gather_wait(bi, br)
                _scatter(bi, br)
                @pl.when(k >= 1)
                def _():
                    _scatter_wait((u + I - 1) % I, (u + R - 1) % R)
                @pl.when(k + R < CPW)
                def _():
                    _idx_load(k + R, (u + R) % I)
                @pl.when(k + R - 1 < CPW)
                def _():
                    _idx_wait((u + R - 1) % I)
                    _gather((u + R - 1) % I, (u + R - 1) % R)
            return carry

        lax.fori_loop(0, CPW // UNR, body, 0)
        _scatter_wait((CPW - 1) % I, (CPW - 1) % R)
        plsc.subcore_barrier()
        pltpu.sync_copy(agg_sh.at[pl.ds(sid * RPT, RPT)],
                        out_hbm.at[cid, pl.ds(sid * RPT, RPT)])

    return sc_agg


_sc_agg = _make_sc_agg()



def _proj_body(a_ref, w1_ref, b1_ref, w2_ref, b2_ref, o_ref):
    t = jnp.dot(a_ref[0] + a_ref[1], w1_ref[...],
                preferred_element_type=jnp.float32)
    h = jnp.maximum(t + b1_ref[...], 0.0)
    o_ref[...] = jnp.sum(h * w2_ref[...], axis=1, keepdims=True) + b2_ref[0, 0]


def _proj(agg2, W1, b1r, w2r, b2r):
    BLK = 2528
    return pl.pallas_call(
        _proj_body,
        grid=(NPAD // BLK,),
        in_specs=[pl.BlockSpec((NC, BLK, D), lambda i: (0, i, 0)),
                  pl.BlockSpec((D, D), lambda i: (0, 0)),
                  pl.BlockSpec((1, D), lambda i: (0, 0)),
                  pl.BlockSpec((1, D), lambda i: (0, 0)),
                  pl.BlockSpec((1, 1), lambda i: (0, 0))],
        out_specs=pl.BlockSpec((BLK, 1), lambda i: (i, 0)),
        out_shape=jax.ShapeDtypeStruct((NPAD, 1), jnp.float32),
    )(agg2, W1, b1r, w2r, b2r)


def kernel(x, edge_index, W1, b1, W2, b2):
    pad = EPAD - E
    pidx = jnp.arange(pad, dtype=jnp.int32)
    pads = jnp.stack([pidx % N, N + pidx % (NPAD - N)])
    pe = jnp.concatenate([edge_index.astype(jnp.int32), pads], axis=1)
    sd4 = pe.reshape(2, NW, CPW, CHUNK).transpose(1, 2, 0, 3)
    agg2 = _sc_agg(x, sd4)
    res = _proj(agg2, W1, b1.reshape(1, D), W2.reshape(1, D), b2.reshape(1, 1))
    return res[:N, 0]

# --- scband reference (transcript-rebuilt; emitter-appended) ---
"""Pipeline reference for scband-hca-gcn-24060406792215 (READ-ONLY COPY).

The authoritative reference and input builder live on the scoring server;
editing this copy changes nothing except your own understanding.
"""

import jax, jax.numpy as jnp
import numpy as np

N = 10000
E = 320000
D = 128

def setup_inputs(seed: int = 0) -> dict:
    key = jax.random.key(seed)
    k1, k2, k3, k4, k5, k6 = jax.random.split(key, 6)
    x = jax.random.normal(k1, (N, D), dtype=jnp.float32)
    edge_index = jax.random.randint(k2, (2, E), 0, N, dtype=jnp.int64)
    # GCNConv(128) weights
    W1 = jax.random.normal(k3, (D, 128), dtype=jnp.float32) * (1.0 / np.sqrt(D))
    b1 = jnp.zeros((128,), dtype=jnp.float32)
    # Dense(1) weights
    W2 = jax.random.normal(k4, (128, 1), dtype=jnp.float32) * (1.0 / np.sqrt(128))
    b2 = jnp.zeros((1,), dtype=jnp.float32)
    return {"x": x, "edge_index": edge_index, "W1": W1, "b1": b1, "W2": W2, "b2": b2}

def reference(x, edge_index, W1, b1, W2, b2):
    # GCNConv: out = A @ (X @ W) + b, activation=relu
    h = x @ W1                              # [N, 128]
    src = edge_index[0]
    dst = edge_index[1]
    msgs = jnp.take(h, src, axis=0)         # gather neighbor features [E, 128]
    agg = jnp.zeros_like(h).at[dst].add(msgs)  # scatter-add (A @ XW)
    h = jax.nn.relu(agg + b1)
    # Dense(1)
    out = h @ W2 + b2                       # [N, 1]
    return jnp.squeeze(out, axis=-1)        # [N]

if __name__ == "__main__":
    import jax
    _d = setup_inputs()
    print(jax.jit(kernel)(*tuple(_d.values())))

</pallas_src>

<mosaic_0001>
#map = affine_map<(d0, d1) -> (0, 0)>
#map1 = affine_map<(d0, d1) -> (0, 0, 0, 0)>
#map2 = affine_map<(d0, d1) -> (0, 0, 0)>
module attributes {stable_mosaic.version = 14 : i64} {
  func.func @sc_agg(%arg0: i32, %arg1: i32, %arg2: memref<10000x128xf32, #tpu.memory_space<hbm>>, %arg3: memref<32x84x2x120xi32, #tpu.memory_space<hbm>>, %arg4: memref<2x10112x128xf32, #tpu.memory_space<hbm>>, %arg5: memref<8x120xi32, #tpu.memory_space<vmem>>, %arg6: memref<3x120x128xf32, #tpu.memory_space<vmem>>, %arg7: memref<10112x128xf32, #tpu.memory_space<vmem_shared>>, %arg8: memref<!tpu.dma_semaphore, #tpu.memory_space<semaphore_mem>>, %arg9: memref<!tpu.dma_semaphore, #tpu.memory_space<semaphore_mem>>, %arg10: memref<!tpu.dma_semaphore, #tpu.memory_space<semaphore_mem>>, %arg11: memref<!tpu.dma_semaphore, #tpu.memory_space<semaphore_mem>>, %arg12: memref<!tpu.dma_semaphore, #tpu.memory_space<semaphore_mem>>, %arg13: memref<!tpu.dma_semaphore, #tpu.memory_space<semaphore_mem>>, %arg14: memref<!tpu.dma_semaphore, #tpu.memory_space<semaphore_mem>>, %arg15: memref<!tpu.dma_semaphore, #tpu.memory_space<semaphore_mem>>, %arg16: memref<!tpu.dma_semaphore, #tpu.memory_space<semaphore_mem>>, %arg17: memref<!tpu.dma_semaphore, #tpu.memory_space<semaphore_mem>>) attributes {dimension_semantics = [#tpu.dimension_semantics<core_parallel>, #tpu.dimension_semantics<subcore_parallel>], iteration_bounds = array<i64: 2, 16>, scalar_prefetch = 0 : i64, scratch_operands = 13 : i64, tpu.core_type = #tpu.core_type<sc_vector_subcore>, window_params = [{transform_indices = #map}, {transform_indices = #map1}, {transform_indices = #map2}]} {
    %mul3A = arith.constant 2 : i32
    %mul3A_0 = arith.muli %arg1, %mul3A : i32
    %add3A = arith.addi %mul3A_0, %arg0 : i32
    %broadcast_in_dim3A = arith.constant 0.000000e+00 : f32
    %broadcast_in_dim3A_1 = vector.broadcast %broadcast_in_dim3A : f32 to vector<16xf32>
    %scan3A = arith.constant 0 : i32
    %scan3A_2 = arith.constant 0 : i32
    %scan3A_3 = arith.constant 120 : i32
    %scan3A_4 = arith.addi %scan3A_2, %scan3A_3 : i32
    %scan3A_5 = arith.constant 1 : i32
    scf.for %scan3A_157 = %scan3A_2 to %scan3A_4 step %scan3A_5  : i32 {
      %swap3A = arith.constant 0 : i32
      %swap3A_158 = arith.index_cast %swap3A : i32 to index
      %swap3A_159 = arith.index_cast %scan3A_157 : i32 to index
      %swap3A_160 = arith.constant 0 : index
      %swap3A_161 = tpu.vector_load %arg6[%swap3A_158, %swap3A_159, %swap3A_160] {strides = array<i32>} : memref<3x120x128xf32, #tpu.memory_space<vmem>>, vector<1x1x16xf32>,
      %swap3A_162 = vector.shape_cast %swap3A_161 : vector<1x1x16xf32> to vector<16xf32>
      %swap3A_163 = vector.shape_cast %broadcast_in_dim3A_1 : vector<16xf32> to vector<1x1x16xf32>
      tpu.vector_store %arg6[%swap3A_158, %swap3A_159, %swap3A_160], %swap3A_163 {strides = array<i32>} : memref<3x120x128xf32, #tpu.memory_space<vmem>>, vector<1x1x16xf32>,
      %swap3A_164 = arith.constant 0 : i32
      %swap3A_165 = arith.index_cast %swap3A_164 : i32 to index
      %swap3A_166 = arith.index_cast %scan3A_157 : i32 to index
      %swap3A_167 = arith.constant 16 : index
      %swap3A_168 = tpu.vector_load %arg6[%swap3A_165, %swap3A_166, %swap3A_167] {strides = array<i32>} : memref<3x120x128xf32, #tpu.memory_space<vmem>>, vector<1x1x16xf32>,
      %swap3A_169 = vector.shape_cast %swap3A_168 : vector<1x1x16xf32> to vector<16xf32>
      %swap3A_170 = vector.shape_cast %broadcast_in_dim3A_1 : vector<16xf32> to vector<1x1x16xf32>
      tpu.vector_store %arg6[%swap3A_165, %swap3A_166, %swap3A_167], %swap3A_170 {strides = array<i32>} : memref<3x120x128xf32, #tpu.memory_space<vmem>>, vector<1x1x16xf32>,
      %swap3A_171 = arith.constant 0 : i32
      %swap3A_172 = arith.index_cast %swap3A_171 : i32 to index
      %swap3A_173 = arith.index_cast %scan3A_157 : i32 to index
      %swap3A_174 = arith.constant 32 : index
      %swap3A_175 = tpu.vector_load %arg6[%swap3A_172, %swap3A_173, %swap3A_174] {strides = array<i32>} : memref<3x120x128xf32, #tpu.memory_space<vmem>>, vector<1x1x16xf32>,
      %swap3A_176 = vector.shape_cast %swap3A_175 : vector<1x1x16xf32> to vector<16xf32>
      %swap3A_177 = vector.shape_cast %broadcast_in_dim3A_1 : vector<16xf32> to vector<1x1x16xf32>
      tpu.vector_store %arg6[%swap3A_172, %swap3A_173, %swap3A_174], %swap3A_177 {strides = array<i32>} : memref<3x120x128xf32, #tpu.memory_space<vmem>>, vector<1x1x16xf32>,
      %swap3A_178 = arith.constant 0 : i32
      %swap3A_179 = arith.index_cast %swap3A_178 : i32 to index
      %swap3A_180 = arith.index_cast %scan3A_157 : i32 to index
      %swap3A_181 = arith.constant 48 : index
      %swap3A_182 = tpu.vector_load %arg6[%swap3A_179, %swap3A_180, %swap3A_181] {strides = array<i32>} : memref<3x120x128xf32, #tpu.memory_space<vmem>>, vector<1x1x16xf32>,
      %swap3A_183 = vector.shape_cast %swap3A_182 : vector<1x1x16xf32> to vector<16xf32>
      %swap3A_184 = vector.shape_cast %broadcast_in_dim3A_1 : vector<16xf32> to vector<1x1x16xf32>
      tpu.vector_store %arg6[%swap3A_179, %swap3A_180, %swap3A_181], %swap3A_184 {strides = array<i32>} : memref<3x120x128xf32, #tpu.memory_space<vmem>>, vector<1x1x16xf32>,
      %swap3A_185 = arith.constant 0 : i32
      %swap3A_186 = arith.index_cast %swap3A_185 : i32 to index
      %swap3A_187 = arith.index_cast %scan3A_157 : i32 to index
      %swap3A_188 = arith.constant 64 : index
      %swap3A_189 = tpu.vector_load %arg6[%swap3A_186, %swap3A_187, %swap3A_188] {strides = array<i32>} : memref<3x120x128xf32, #tpu.memory_space<vmem>>, vector<1x1x16xf32>,
      %swap3A_190 = vector.shape_cast %swap3A_189 : vector<1x1x16xf32> to vector<16xf32>
      %swap3A_191 = vector.shape_cast %broadcast_in_dim3A_1 : vector<16xf32> to vector<1x1x16xf32>
      tpu.vector_store %arg6[%swap3A_186, %swap3A_187, %swap3A_188], %swap3A_191 {strides = array<i32>} : memref<3x120x128xf32, #tpu.memory_space<vmem>>, vector<1x1x16xf32>,
      %swap3A_192 = arith.constant 0 : i32
      %swap3A_193 = arith.index_cast %swap3A_192 : i32 to index
      %swap3A_194 = arith.index_cast %scan3A_157 : i32 to index
      %swap3A_195 = arith.constant 80 : index
      %swap3A_196 = tpu.vector_load %arg6[%swap3A_193, %swap3A_194, %swap3A_195] {strides = array<i32>} : memref<3x120x128xf32, #tpu.memory_space<vmem>>, vector<1x1x16xf32>,
      %swap3A_197 = vector.shape_cast %swap3A_196 : vector<1x1x16xf32> to vector<16xf32>
      %swap3A_198 = vector.shape_cast %broadcast_in_dim3A_1 : vector<16xf32> to vector<1x1x16xf32>
      tpu.vector_store %arg6[%swap3A_193, %swap3A_194, %swap3A_195], %swap3A_198 {strides = array<i32>} : memref<3x120x128xf32, #tpu.memory_space<vmem>>, vector<1x1x16xf32>,
      %swap3A_199 = arith.constant 0 : i32
      %swap3A_200 = arith.index_cast %swap3A_199 : i32 to index
      %swap3A_201 = arith.index_cast %scan3A_157 : i32 to index
      %swap3A_202 = arith.constant 96 : index
      %swap3A_203 = tpu.vector_load %arg6[%swap3A_200, %swap3A_201, %swap3A_202] {strides = array<i32>} : memref<3x120x128xf32, #tpu.memory_space<vmem>>, vector<1x1x16xf32>,
      %swap3A_204 = vector.shape_cast %swap3A_203 : vector<1x1x16xf32> to vector<16xf32>
      %swap3A_205 = vector.shape_cast %broadcast_in_dim3A_1 : vector<16xf32> to vector<1x1x16xf32>
      tpu.vector_store %arg6[%swap3A_200, %swap3A_201, %swap3A_202], %swap3A_205 {strides = array<i32>} : memref<3x120x128xf32, #tpu.memory_space<vmem>>, vector<1x1x16xf32>,
      %swap3A_206 = arith.constant 0 : i32
      %swap3A_207 = arith.index_cast %swap3A_206 : i32 to index
      %swap3A_208 = arith.index_cast %scan3A_157 : i32 to index
      %swap3A_209 = arith.constant 112 : index
      %swap3A_210 = tpu.vector_load %arg6[%swap3A_207, %swap3A_208, %swap3A_209] {strides = array<i32>} : memref<3x120x128xf32, #tpu.memory_space<vmem>>, vector<1x1x16xf32>,
      %swap3A_211 = vector.shape_cast %swap3A_210 : vector<1x1x16xf32> to vector<16xf32>
      %swap3A_212 = vector.shape_cast %broadcast_in_dim3A_1 : vector<16xf32> to vector<1x1x16xf32>
      tpu.vector_store %arg6[%swap3A_207, %swap3A_208, %swap3A_209], %swap3A_212 {strides = array<i32>} : memref<3x120x128xf32, #tpu.memory_space<vmem>>, vector<1x1x16xf32>,
    }
    %scan3A_6 = arith.constant 120 : i32
    %mul3A_7 = arith.constant 632 : i32
    %mul3A_8 = arith.muli %arg1, %mul3A_7 : i32
    %add3A_9 = arith.constant 0 : i32
    %add3A_10 = arith.addi %mul3A_8, %add3A_9 : i32
    %run_scoped3A = arith.constant 0 : i32
    "tpu.region"() ({
      %run_scoped3A_157 = tpu.sem_alloc : memref<!tpu.dma_semaphore, #tpu.memory_space<semaphore_mem>>
      %dma_start3A_158 = arith.constant 0 : i32
      %dma_start3A_159 = arith.constant 0 : i32
      %dma_start3A_160 = tpu.memref_slice %arg6[%run_scoped3A, %dma_start3A_158, %dma_start3A_159] : memref<3x120x128xf32, #tpu.memory_space<vmem>> -> memref<1x120x128xf32, #tpu.memory_space<vmem>>
      %dma_start3A_161 = tpu.memref_squeeze %dma_start3A_160 : memref<1x120x128xf32, #tpu.memory_space<vmem>> -> memref<120x128xf32, #tpu.memory_space<vmem>>
      %dma_start3A_162 = arith.constant 0 : i32
      %dma_start3A_163 = tpu.memref_slice %arg7[%add3A_10, %dma_start3A_162] : memref<10112x128xf32, #tpu.memory_space<vmem_shared>> -> memref<120x128xf32, #tpu.memory_space<vmem_shared>>
      %dma_start3A_164 = arith.constant 0 : i32
      %dma_start3A_165 = tpu.memref_slice %arg7[%add3A_10, %dma_start3A_164] : memref<10112x128xf32, #tpu.memory_space<vmem_shared>> -> memref<120x128xf32, #tpu.memory_space<vmem_shared>>
      %dma_start3A_166 = arith.constant 0 : i32
      %dma_start3A_167 = arith.constant 0 : i32
      %dma_start3A_168 = tpu.memref_slice %arg6[%run_scoped3A, %dma_start3A_166, %dma_start3A_167] : memref<3x120x128xf32, #tpu.memory_space<vmem>> -> memref<1x120x128xf32, #tpu.memory_space<vmem>>
      %dma_start3A_169 = tpu.memref_squeeze %dma_start3A_168 : memref<1x120x128xf32, #tpu.memory_space<vmem>> -> memref<120x128xf32, #tpu.memory_space<vmem>>
      tpu.enqueue_dma source(%dma_start3A_169 : memref<120x128xf32, #tpu.memory_space<vmem>>) target(%dma_start3A_165 : memref<120x128xf32, #tpu.memory_space<vmem_shared>>) target_semaphore(%run_scoped3A_157 : memref<!tpu.dma_semaphore, #tpu.memory_space<semaphore_mem>>)
      %dma_wait3A_170 = arith.constant 0 : i32
      %dma_wait3A_171 = arith.constant 0 : i32
      %dma_wait3A_172 = tpu.memref_slice %arg6[%run_scoped3A, %dma_wait3A_170, %dma_wait3A_171] : memref<3x120x128xf32, #tpu.memory_space<vmem>> -> memref<1x120x128xf32, #tpu.memory_space<vmem>>
      %dma_wait3A_173 = tpu.memref_squeeze %dma_wait3A_172 : memref<1x120x128xf32, #tpu.memory_space<vmem>> -> memref<120x128xf32, #tpu.memory_space<vmem>>
      %dma_wait3A_174 = arith.constant 0 : i32
      %dma_wait3A_175 = tpu.memref_slice %arg7[%add3A_10, %dma_wait3A_174] : memref<10112x128xf32, #tpu.memory_space<vmem_shared>> -> memref<120x128xf32, #tpu.memory_space<vmem_shared>>
      %dma_wait3A_176 = arith.constant 0 : i32
      %dma_wait3A_177 = tpu.memref_slice %arg7[%add3A_10, %dma_wait3A_176] : memref<10112x128xf32, #tpu.memory_space<vmem_shared>> -> memref<120x128xf32, #tpu.memory_space<vmem_shared>>
      %dma_wait3A_178 = arith.constant 0 : i32
      %dma_wait3A_179 = arith.constant 0 : i32
      %dma_wait3A_180 = tpu.memref_slice %arg6[%run_scoped3A, %dma_wait3A_178, %dma_wait3A_179] : memref<3x120x128xf32, #tpu.memory_space<vmem>> -> memref<1x120x128xf32, #tpu.memory_space<vmem>>
      %dma_wait3A_181 = tpu.memref_squeeze %dma_wait3A_180 : memref<1x120x128xf32, #tpu.memory_space<vmem>> -> memref<120x128xf32, #tpu.memory_space<vmem>>
      tpu.wait_dma2 semaphore(%run_scoped3A_157 : memref<!tpu.dma_semaphore, #tpu.memory_space<semaphore_mem>>) src(%dma_wait3A_181 : memref<120x128xf32, #tpu.memory_space<vmem>>) dst(%dma_wait3A_177 : memref<120x128xf32, #tpu.memory_space<vmem_shared>>)
      tpu.yield
    }) : () -> ()
    %mul3A_11 = arith.constant 632 : i32
    %mul3A_12 = arith.muli %arg1, %mul3A_11 : i32
    %add3A_13 = arith.constant 120 : i32
    %add3A_14 = arith.addi %mul3A_12, %add3A_13 : i32
    %run_scoped3A_15 = arith.constant 0 : i32
    "tpu.region"() ({
      %run_scoped3A_157 = tpu.sem_alloc : memref<!tpu.dma_semaphore, #tpu.memory_space<semaphore_mem>>
      %dma_start3A_158 = arith.constant 0 : i32
      %dma_start3A_159 = arith.constant 0 : i32
      %dma_start3A_160 = tpu.memref_slice %arg6[%run_scoped3A_15, %dma_start3A_158, %dma_start3A_159] : memref<3x120x128xf32, #tpu.memory_space<vmem>> -> memref<1x120x128xf32, #tpu.memory_space<vmem>>
      %dma_start3A_161 = tpu.memref_squeeze %dma_start3A_160 : memref<1x120x128xf32, #tpu.memory_space<vmem>> -> memref<120x128xf32, #tpu.memory_space<vmem>>
      %dma_start3A_162 = arith.constant 0 : i32
      %dma_start3A_163 = tpu.memref_slice %arg7[%add3A_14, %dma_start3A_162] : memref<10112x128xf32, #tpu.memory_space<vmem_shared>> -> memref<120x128xf32, #tpu.memory_space<vmem_shared>>
      %dma_start3A_164 = arith.constant 0 : i32
      %dma_start3A_165 = tpu.memref_slice %arg7[%add3A_14, %dma_start3A_164] : memref<10112x128xf32, #tpu.memory_space<vmem_shared>> -> memref<120x128xf32, #tpu.memory_space<vmem_shared>>
      %dma_start3A_166 = arith.constant 0 : i32
      %dma_start3A_167 = arith.constant 0 : i32
      %dma_start3A_168 = tpu.memref_slice %arg6[%run_scoped3A_15, %dma_start3A_166, %dma_start3A_167] : memref<3x120x128xf32, #tpu.memory_space<vmem>> -> memref<1x120x128xf32, #tpu.memory_space<vmem>>
      %dma_start3A_169 = tpu.memref_squeeze %dma_start3A_168 : memref<1x120x128xf32, #tpu.memory_space<vmem>> -> memref<120x128xf32, #tpu.memory_space<vmem>>
      tpu.enqueue_dma source(%dma_start3A_169 : memref<120x128xf32, #tpu.memory_space<vmem>>) target(%dma_start3A_165 : memref<120x128xf32, #tpu.memory_space<vmem_shared>>) target_semaphore(%run_scoped3A_157 : memref<!tpu.dma_semaphore, #tpu.memory_space<semaphore_mem>>)
      %dma_wait3A_170 = arith.constant 0 : i32
      %dma_wait3A_171 = arith.constant 0 : i32
      %dma_wait3A_172 = tpu.memref_slice %arg6[%run_scoped3A_15, %dma_wait3A_170, %dma_wait3A_171] : memref<3x120x128xf32, #tpu.memory_space<vmem>> -> memref<1x120x128xf32, #tpu.memory_space<vmem>>
      %dma_wait3A_173 = tpu.memref_squeeze %dma_wait3A_172 : memref<1x120x128xf32, #tpu.memory_space<vmem>> -> memref<120x128xf32, #tpu.memory_space<vmem>>
      %dma_wait3A_174 = arith.constant 0 : i32
      %dma_wait3A_175 = tpu.memref_slice %arg7[%add3A_14, %dma_wait3A_174] : memref<10112x128xf32, #tpu.memory_space<vmem_shared>> -> memref<120x128xf32, #tpu.memory_space<vmem_shared>>
      %dma_wait3A_176 = arith.constant 0 : i32
      %dma_wait3A_177 = tpu.memref_slice %arg7[%add3A_14, %dma_wait3A_176] : memref<10112x128xf32, #tpu.memory_space<vmem_shared>> -> memref<120x128xf32, #tpu.memory_space<vmem_shared>>
      %dma_wait3A_178 = arith.constant 0 : i32
      %dma_wait3A_179 = arith.constant 0 : i32
      %dma_wait3A_180 = tpu.memref_slice %arg6[%run_scoped3A_15, %dma_wait3A_178, %dma_wait3A_179] : memref<3x120x128xf32, #tpu.memory_space<vmem>> -> memref<1x120x128xf32, #tpu.memory_space<vmem>>
      %dma_wait3A_181 = tpu.memref_squeeze %dma_wait3A_180 : memref<1x120x128xf32, #tpu.memory_space<vmem>> -> memref<120x128xf32, #tpu.memory_space<vmem>>
      tpu.wait_dma2 semaphore(%run_scoped3A_157 : memref<!tpu.dma_semaphore, #tpu.memory_space<semaphore_mem>>) src(%dma_wait3A_181 : memref<120x128xf32, #tpu.memory_space<vmem>>) dst(%dma_wait3A_177 : memref<120x128xf32, #tpu.memory_space<vmem_shared>>)
      tpu.yield
    }) : () -> ()
    %mul3A_16 = arith.constant 632 : i32
    %mul3A_17 = arith.muli %arg1, %mul3A_16 : i32
    %add3A_18 = arith.constant 240 : i32
    %add3A_19 = arith.addi %mul3A_17, %add3A_18 : i32
    %run_scoped3A_20 = arith.constant 0 : i32
    "tpu.region"() ({
      %run_scoped3A_157 = tpu.sem_alloc : memref<!tpu.dma_semaphore, #tpu.memory_space<semaphore_mem>>
      %dma_start3A_158 = arith.constant 0 : i32
      %dma_start3A_159 = arith.constant 0 : i32
      %dma_start3A_160 = tpu.memref_slice %arg6[%run_scoped3A_20, %dma_start3A_158, %dma_start3A_159] : memref<3x120x128xf32, #tpu.memory_space<vmem>> -> memref<1x120x128xf32, #tpu.memory_space<vmem>>
      %dma_start3A_161 = tpu.memref_squeeze %dma_start3A_160 : memref<1x120x128xf32, #tpu.memory_space<vmem>> -> memref<120x128xf32, #tpu.memory_space<vmem>>
      %dma_start3A_162 = arith.constant 0 : i32
      %dma_start3A_163 = tpu.memref_slice %arg7[%add3A_19, %dma_start3A_162] : memref<10112x128xf32, #tpu.memory_space<vmem_shared>> -> memref<120x128xf32, #tpu.memory_space<vmem_shared>>
      %dma_start3A_164 = arith.constant 0 : i32
      %dma_start3A_165 = tpu.memref_slice %arg7[%add3A_19, %dma_start3A_164] : memref<10112x128xf32, #tpu.memory_space<vmem_shared>> -> memref<120x128xf32, #tpu.memory_space<vmem_shared>>
      %dma_start3A_166 = arith.constant 0 : i32
      %dma_start3A_167 = arith.constant 0 : i32
      %dma_start3A_168 = tpu.memref_slice %arg6[%run_scoped3A_20, %dma_start3A_166, %dma_start3A_167] : memref<3x120x128xf32, #tpu.memory_space<vmem>> -> memref<1x120x128xf32, #tpu.memory_space<vmem>>
      %dma_start3A_169 = tpu.memref_squeeze %dma_start3A_168 : memref<1x120x128xf32, #tpu.memory_space<vmem>> -> memref<120x128xf32, #tpu.memory_space<vmem>>
      tpu.enqueue_dma source(%dma_start3A_169 : memref<120x128xf32, #tpu.memory_space<vmem>>) target(%dma_start3A_165 : memref<120x128xf32, #tpu.memory_space<vmem_shared>>) target_semaphore(%run_scoped3A_157 : memref<!tpu.dma_semaphore, #tpu.memory_space<semaphore_mem>>)
      %dma_wait3A_170 = arith.constant 0 : i32
      %dma_wait3A_171 = arith.constant 0 : i32
      %dma_wait3A_172 = tpu.memref_slice %arg6[%run_scoped3A_20, %dma_wait3A_170, %dma_wait3A_171] : memref<3x120x128xf32, #tpu.memory_space<vmem>> -> memref<1x120x128xf32, #tpu.memory_space<vmem>>
      %dma_wait3A_173 = tpu.memref_squeeze %dma_wait3A_172 : memref<1x120x128xf32, #tpu.memory_space<vmem>> -> memref<120x128xf32, #tpu.memory_space<vmem>>
      %dma_wait3A_174 = arith.constant 0 : i32
      %dma_wait3A_175 = tpu.memref_slice %arg7[%add3A_19, %dma_wait3A_174] : memref<10112x128xf32, #tpu.memory_space<vmem_shared>> -> memref<120x128xf32, #tpu.memory_space<vmem_shared>>
      %dma_wait3A_176 = arith.constant 0 : i32
      %dma_wait3A_177 = tpu.memref_slice %arg7[%add3A_19, %dma_wait3A_176] : memref<10112x128xf32, #tpu.memory_space<vmem_shared>> -> memref<120x128xf32, #tpu.memory_space<vmem_shared>>
      %dma_wait3A_178 = arith.constant 0 : i32
      %dma_wait3A_179 = arith.constant 0 : i32
      %dma_wait3A_180 = tpu.memref_slice %arg6[%run_scoped3A_20, %dma_wait3A_178, %dma_wait3A_179] : memref<3x120x128xf32, #tpu.memory_space<vmem>> -> memref<1x120x128xf32, #tpu.memory_space<vmem>>
      %dma_wait3A_181 = tpu.memref_squeeze %dma_wait3A_180 : memref<1x120x128xf32, #tpu.memory_space<vmem>> -> memref<120x128xf32, #tpu.memory_space<vmem>>
      tpu.wait_dma2 semaphore(%run_scoped3A_157 : memref<!tpu.dma_semaphore, #tpu.memory_space<semaphore_mem>>) src(%dma_wait3A_181 : memref<120x128xf32, #tpu.memory_space<vmem>>) dst(%dma_wait3A_177 : memref<120x128xf32, #tpu.memory_space<vmem_shared>>)
      tpu.yield
    }) : () -> ()
    %mul3A_21 = arith.constant 632 : i32
    %mul3A_22 = arith.muli %arg1, %mul3A_21 : i32
    %add3A_23 = arith.constant 360 : i32
    %add3A_24 = arith.addi %mul3A_22, %add3A_23 : i32
    %run_scoped3A_25 = arith.constant 0 : i32
    "tpu.region"() ({
      %run_scoped3A_157 = tpu.sem_alloc : memref<!tpu.dma_semaphore, #tpu.memory_space<semaphore_mem>>
      %dma_start3A_158 = arith.constant 0 : i32
      %dma_start3A_159 = arith.constant 0 : i32
      %dma_start3A_160 = tpu.memref_slice %arg6[%run_scoped3A_25, %dma_start3A_158, %dma_start3A_159] : memref<3x120x128xf32, #tpu.memory_space<vmem>> -> memref<1x120x128xf32, #tpu.memory_space<vmem>>
      %dma_start3A_161 = tpu.memref_squeeze %dma_start3A_160 : memref<1x120x128xf32, #tpu.memory_space<vmem>> -> memref<120x128xf32, #tpu.memory_space<vmem>>
      %dma_start3A_162 = arith.constant 0 : i32
      %dma_start3A_163 = tpu.memref_slice %arg7[%add3A_24, %dma_start3A_162] : memref<10112x128xf32, #tpu.memory_space<vmem_shared>> -> memref<120x128xf32, #tpu.memory_space<vmem_shared>>
      %dma_start3A_164 = arith.constant 0 : i32
      %dma_start3A_165 = tpu.memref_slice %arg7[%add3A_24, %dma_start3A_164] : memref<10112x128xf32, #tpu.memory_space<vmem_shared>> -> memref<120x128xf32, #tpu.memory_space<vmem_shared>>
      %dma_start3A_166 = arith.constant 0 : i32
      %dma_start3A_167 = arith.constant 0 : i32
      %dma_start3A_168 = tpu.memref_slice %arg6[%run_scoped3A_25, %dma_start3A_166, %dma_start3A_167] : memref<3x120x128xf32, #tpu.memory_space<vmem>> -> memref<1x120x128xf32, #tpu.memory_space<vmem>>
      %dma_start3A_169 = tpu.memref_squeeze %dma_start3A_168 : memref<1x120x128xf32, #tpu.memory_space<vmem>> -> memref<120x128xf32, #tpu.memory_space<vmem>>
      tpu.enqueue_dma source(%dma_start3A_169 : memref<120x128xf32, #tpu.memory_space<vmem>>) target(%dma_start3A_165 : memref<120x128xf32, #tpu.memory_space<vmem_shared>>) target_semaphore(%run_scoped3A_157 : memref<!tpu.dma_semaphore, #tpu.memory_space<semaphore_mem>>)
      %dma_wait3A_170 = arith.constant 0 : i32
      %dma_wait3A_171 = arith.constant 0 : i32
      %dma_wait3A_172 = tpu.memref_slice %arg6[%run_scoped3A_25, %dma_wait3A_170, %dma_wait3A_171] : memref<3x120x128xf32, #tpu.memory_space<vmem>> -> memref<1x120x128xf32, #tpu.memory_space<vmem>>
      %dma_wait3A_173 = tpu.memref_squeeze %dma_wait3A_172 : memref<1x120x128xf32, #tpu.memory_space<vmem>> -> memref<120x128xf32, #tpu.memory_space<vmem>>
      %dma_wait3A_174 = arith.constant 0 : i32
      %dma_wait3A_175 = tpu.memref_slice %arg7[%add3A_24, %dma_wait3A_174] : memref<10112x128xf32, #tpu.memory_space<vmem_shared>> -> memref<120x128xf32, #tpu.memory_space<vmem_shared>>
      %dma_wait3A_176 = arith.constant 0 : i32
      %dma_wait3A_177 = tpu.memref_slice %arg7[%add3A_24, %dma_wait3A_176] : memref<10112x128xf32, #tpu.memory_space<vmem_shared>> -> memref<120x128xf32, #tpu.memory_space<vmem_shared>>
      %dma_wait3A_178 = arith.constant 0 : i32
      %dma_wait3A_179 = arith.constant 0 : i32
      %dma_wait3A_180 = tpu.memref_slice %arg6[%run_scoped3A_25, %dma_wait3A_178, %dma_wait3A_179] : memref<3x120x128xf32, #tpu.memory_space<vmem>> -> memref<1x120x128xf32, #tpu.memory_space<vmem>>
      %dma_wait3A_181 = tpu.memref_squeeze %dma_wait3A_180 : memref<1x120x128xf32, #tpu.memory_space<vmem>> -> memref<120x128xf32, #tpu.memory_space<vmem>>
      tpu.wait_dma2 semaphore(%run_scoped3A_157 : memref<!tpu.dma_semaphore, #tpu.memory_space<semaphore_mem>>) src(%dma_wait3A_181 : memref<120x128xf32, #tpu.memory_space<vmem>>) dst(%dma_wait3A_177 : memref<120x128xf32, #tpu.memory_space<vmem_shared>>)
      tpu.yield
    }) : () -> ()
    %mul3A_26 = arith.constant 632 : i32
    %mul3A_27 = arith.muli %arg1, %mul3A_26 : i32
    %add3A_28 = arith.constant 480 : i32
    %add3A_29 = arith.addi %mul3A_27, %add3A_28 : i32
    %run_scoped3A_30 = arith.constant 0 : i32
    "tpu.region"() ({
      %run_scoped3A_157 = tpu.sem_alloc : memref<!tpu.dma_semaphore, #tpu.memory_space<semaphore_mem>>
      %dma_start3A_158 = arith.constant 0 : i32
      %dma_start3A_159 = arith.constant 0 : i32
      %dma_start3A_160 = tpu.memref_slice %arg6[%run_scoped3A_30, %dma_start3A_158, %dma_start3A_159] : memref<3x120x128xf32, #tpu.memory_space<vmem>> -> memref<1x120x128xf32, #tpu.memory_space<vmem>>
      %dma_start3A_161 = tpu.memref_squeeze %dma_start3A_160 : memref<1x120x128xf32, #tpu.memory_space<vmem>> -> memref<120x128xf32, #tpu.memory_space<vmem>>
      %dma_start3A_162 = arith.constant 0 : i32
      %dma_start3A_163 = tpu.memref_slice %arg7[%add3A_29, %dma_start3A_162] : memref<10112x128xf32, #tpu.memory_space<vmem_shared>> -> memref<120x128xf32, #tpu.memory_space<vmem_shared>>
      %dma_start3A_164 = arith.constant 0 : i32
      %dma_start3A_165 = tpu.memref_slice %arg7[%add3A_29, %dma_start3A_164] : memref<10112x128xf32, #tpu.memory_space<vmem_shared>> -> memref<120x128xf32, #tpu.memory_space<vmem_shared>>
      %dma_start3A_166 = arith.constant 0 : i32
      %dma_start3A_167 = arith.constant 0 : i32
      %dma_start3A_168 = tpu.memref_slice %arg6[%run_scoped3A_30, %dma_start3A_166, %dma_start3A_167] : memref<3x120x128xf32, #tpu.memory_space<vmem>> -> memref<1x120x128xf32, #tpu.memory_space<vmem>>
      %dma_start3A_169 = tpu.memref_squeeze %dma_start3A_168 : memref<1x120x128xf32, #tpu.memory_space<vmem>> -> memref<120x128xf32, #tpu.memory_space<vmem>>
      tpu.enqueue_dma source(%dma_start3A_169 : memref<120x128xf32, #tpu.memory_space<vmem>>) target(%dma_start3A_165 : memref<120x128xf32, #tpu.memory_space<vmem_shared>>) target_semaphore(%run_scoped3A_157 : memref<!tpu.dma_semaphore, #tpu.memory_space<semaphore_mem>>)
      %dma_wait3A_170 = arith.constant 0 : i32
      %dma_wait3A_171 = arith.constant 0 : i32
      %dma_wait3A_172 = tpu.memref_slice %arg6[%run_scoped3A_30, %dma_wait3A_170, %dma_wait3A_171] : memref<3x120x128xf32, #tpu.memory_space<vmem>> -> memref<1x120x128xf32, #tpu.memory_space<vmem>>
      %dma_wait3A_173 = tpu.memref_squeeze %dma_wait3A_172 : memref<1x120x128xf32, #tpu.memory_space<vmem>> -> memref<120x128xf32, #tpu.memory_space<vmem>>
      %dma_wait3A_174 = arith.constant 0 : i32
      %dma_wait3A_175 = tpu.memref_slice %arg7[%add3A_29, %dma_wait3A_174] : memref<10112x128xf32, #tpu.memory_space<vmem_shared>> -> memref<120x128xf32, #tpu.memory_space<vmem_shared>>
      %dma_wait3A_176 = arith.constant 0 : i32
      %dma_wait3A_177 = tpu.memref_slice %arg7[%add3A_29, %dma_wait3A_176] : memref<10112x128xf32, #tpu.memory_space<vmem_shared>> -> memref<120x128xf32, #tpu.memory_space<vmem_shared>>
      %dma_wait3A_178 = arith.constant 0 : i32
      %dma_wait3A_179 = arith.constant 0 : i32
      %dma_wait3A_180 = tpu.memref_slice %arg6[%run_scoped3A_30, %dma_wait3A_178, %dma_wait3A_179] : memref<3x120x128xf32, #tpu.memory_space<vmem>> -> memref<1x120x128xf32, #tpu.memory_space<vmem>>
      %dma_wait3A_181 = tpu.memref_squeeze %dma_wait3A_180 : memref<1x120x128xf32, #tpu.memory_space<vmem>> -> memref<120x128xf32, #tpu.memory_space<vmem>>
      tpu.wait_dma2 semaphore(%run_scoped3A_157 : memref<!tpu.dma_semaphore, #tpu.memory_space<semaphore_mem>>) src(%dma_wait3A_181 : memref<120x128xf32, #tpu.memory_space<vmem>>) dst(%dma_wait3A_177 : memref<120x128xf32, #tpu.memory_space<vmem_shared>>)
      tpu.yield
    }) : () -> ()
    %mul3A_31 = arith.constant 632 : i32
    %mul3A_32 = arith.muli %arg1, %mul3A_31 : i32
    %add3A_33 = arith.constant 632 : i32
    %add3A_34 = arith.addi %mul3A_32, %add3A_33 : i32
    %sub3A = arith.constant 32 : i32
    %sub3A_35 = arith.subi %add3A_34, %sub3A : i32
    %run_scoped3A_36 = arith.constant 0 : i32
    "tpu.region"() ({
      %run_scoped3A_157 = tpu.sem_alloc : memref<!tpu.dma_semaphore, #tpu.memory_space<semaphore_mem>>
      %dma_start3A_158 = arith.constant 0 : i32
      %dma_start3A_159 = arith.constant 0 : i32
      %dma_start3A_160 = tpu.memref_slice %arg6[%run_scoped3A_36, %dma_start3A_158, %dma_start3A_159] : memref<3x120x128xf32, #tpu.memory_space<vmem>> -> memref<1x32x128xf32, #tpu.memory_space<vmem>>
      %dma_start3A_161 = tpu.memref_squeeze %dma_start3A_160 : memref<1x32x128xf32, #tpu.memory_space<vmem>> -> memref<32x128xf32, #tpu.memory_space<vmem>>
      %dma_start3A_162 = arith.constant 0 : i32
      %dma_start3A_163 = tpu.memref_slice %arg7[%sub3A_35, %dma_start3A_162] : memref<10112x128xf32, #tpu.memory_space<vmem_shared>> -> memref<32x128xf32, #tpu.memory_space<vmem_shared>>
      %dma_start3A_164 = arith.constant 0 : i32
      %dma_start3A_165 = tpu.memref_slice %arg7[%sub3A_35, %dma_start3A_164] : memref<10112x128xf32, #tpu.memory_space<vmem_shared>> -> memref<32x128xf32, #tpu.memory_space<vmem_shared>>
      %dma_start3A_166 = arith.constant 0 : i32
      %dma_start3A_167 = arith.constant 0 : i32
      %dma_start3A_168 = tpu.memref_slice %arg6[%run_scoped3A_36, %dma_start3A_166, %dma_start3A_167] : memref<3x120x128xf32, #tpu.memory_space<vmem>> -> memref<1x32x128xf32, #tpu.memory_space<vmem>>
      %dma_start3A_169 = tpu.memref_squeeze %dma_start3A_168 : memref<1x32x128xf32, #tpu.memory_space<vmem>> -> memref<32x128xf32, #tpu.memory_space<vmem>>
      tpu.enqueue_dma source(%dma_start3A_169 : memref<32x128xf32, #tpu.memory_space<vmem>>) target(%dma_start3A_165 : memref<32x128xf32, #tpu.memory_space<vmem_shared>>) target_semaphore(%run_scoped3A_157 : memref<!tpu.dma_semaphore, #tpu.memory_space<semaphore_mem>>)
      %dma_wait3A_170 = arith.constant 0 : i32
      %dma_wait3A_171 = arith.constant 0 : i32
      %dma_wait3A_172 = tpu.memref_slice %arg6[%run_scoped3A_36, %dma_wait3A_170, %dma_wait3A_171] : memref<3x120x128xf32, #tpu.memory_space<vmem>> -> memref<1x32x128xf32, #tpu.memory_space<vmem>>
      %dma_wait3A_173 = tpu.memref_squeeze %dma_wait3A_172 : memref<1x32x128xf32, #tpu.memory_space<vmem>> -> memref<32x128xf32, #tpu.memory_space<vmem>>
      %dma_wait3A_174 = arith.constant 0 : i32
      %dma_wait3A_175 = tpu.memref_slice %arg7[%sub3A_35, %dma_wait3A_174] : memref<10112x128xf32, #tpu.memory_space<vmem_shared>> -> memref<32x128xf32, #tpu.memory_space<vmem_shared>>
      %dma_wait3A_176 = arith.constant 0 : i32
      %dma_wait3A_177 = tpu.memref_slice %arg7[%sub3A_35, %dma_wait3A_176] : memref<10112x128xf32, #tpu.memory_space<vmem_shared>> -> memref<32x128xf32, #tpu.memory_space<vmem_shared>>
      %dma_wait3A_178 = arith.constant 0 : i32
      %dma_wait3A_179 = arith.constant 0 : i32
      %dma_wait3A_180 = tpu.memref_slice %arg6[%run_scoped3A_36, %dma_wait3A_178, %dma_wait3A_179] : memref<3x120x128xf32, #tpu.memory_space<vmem>> -> memref<1x32x128xf32, #tpu.memory_space<vmem>>
      %dma_wait3A_181 = tpu.memref_squeeze %dma_wait3A_180 : memref<1x32x128xf32, #tpu.memory_space<vmem>> -> memref<32x128xf32, #tpu.memory_space<vmem>>
      tpu.wait_dma2 semaphore(%run_scoped3A_157 : memref<!tpu.dma_semaphore, #tpu.memory_space<semaphore_mem>>) src(%dma_wait3A_181 : memref<32x128xf32, #tpu.memory_space<vmem>>) dst(%dma_wait3A_177 : memref<32x128xf32, #tpu.memory_space<vmem_shared>>)
      tpu.yield
    }) : () -> ()
    %barrier3A = arith.constant 0 : index
    tpu.barrier barrier_id(%barrier3A)
    %dma_start3A = arith.constant 0 : i32
    %dma_start3A_37 = arith.constant 0 : i32
    %dma_start3A_38 = arith.constant 0 : i32
    %dma_start3A_39 = tpu.memref_slice %arg5[%dma_start3A_37, %dma_start3A_38] : memref<8x120xi32, #tpu.memory_space<vmem>> -> memref<2x120xi32, #tpu.memory_space<vmem>>
    %dma_start3A_40 = arith.constant 0 : i32
    %dma_start3A_41 = arith.constant 0 : i32
    %dma_start3A_42 = tpu.memref_slice %arg3[%add3A, %dma_start3A, %dma_start3A_40, %dma_start3A_41] : memref<32x84x2x120xi32, #tpu.memory_space<hbm>> -> memref<1x1x2x120xi32, #tpu.memory_space<hbm>>
    %dma_start3A_43 = tpu.memref_squeeze %dma_start3A_42 : memref<1x1x2x120xi32, #tpu.memory_space<hbm>> -> memref<2x120xi32, #tpu.memory_space<hbm>>
    %dma_start3A_44 = arith.constant 0 : i32
    %dma_start3A_45 = arith.constant 0 : i32
    %dma_start3A_46 = tpu.memref_slice %arg5[%dma_start3A_44, %dma_start3A_45] : memref<8x120xi32, #tpu.memory_space<vmem>> -> memref<2x120xi32, #tpu.memory_space<vmem>>
    %dma_start3A_47 = arith.constant 0 : i32
    %dma_start3A_48 = arith.constant 0 : i32
    %dma_start3A_49 = tpu.memref_slice %arg3[%add3A, %dma_start3A, %dma_start3A_47, %dma_start3A_48] : memref<32x84x2x120xi32, #tpu.memory_space<hbm>> -> memref<1x1x2x120xi32, #tpu.memory_space<hbm>>
    %dma_start3A_50 = tpu.memref_squeeze %dma_start3A_49 : memref<1x1x2x120xi32, #tpu.memory_space<hbm>> -> memref<2x120xi32, #tpu.memory_space<hbm>>
    tpu.enqueue_dma source(%dma_start3A_50 : memref<2x120xi32, #tpu.memory_space<hbm>>) target(%dma_start3A_46 : memref<2x120xi32, #tpu.memory_space<vmem>>) target_semaphore(%arg14 : memref<!tpu.dma_semaphore, #tpu.memory_space<semaphore_mem>>)
    %dma_start3A_51 = arith.constant 1 : i32
    %dma_start3A_52 = arith.constant 2 : i32
    %dma_start3A_53 = arith.constant 0 : i32
    %dma_start3A_54 = tpu.memref_slice %arg5[%dma_start3A_52, %dma_start3A_53] : memref<8x120xi32, #tpu.memory_space<vmem>> -> memref<2x120xi32, #tpu.memory_space<vmem>>
    %dma_start3A_55 = arith.constant 0 : i32
    %dma_start3A_56 = arith.constant 0 : i32
    %dma_start3A_57 = tpu.memref_slice %arg3[%add3A, %dma_start3A_51, %dma_start3A_55, %dma_start3A_56] : memref<32x84x2x120xi32, #tpu.memory_space<hbm>> -> memref<1x1x2x120xi32, #tpu.memory_space<hbm>>
    %dma_start3A_58 = tpu.memref_squeeze %dma_start3A_57 : memref<1x1x2x120xi32, #tpu.memory_space<hbm>> -> memref<2x120xi32, #tpu.memory_space<hbm>>
    %dma_start3A_59 = arith.constant 2 : i32
    %dma_start3A_60 = arith.constant 0 : i32
    %dma_start3A_61 = tpu.memref_slice %arg5[%dma_start3A_59, %dma_start3A_60] : memref<8x120xi32, #tpu.memory_space<vmem>> -> memref<2x120xi32, #tpu.memory_space<vmem>>
    %dma_start3A_62 = arith.constant 0 : i32
    %dma_start3A_63 = arith.constant 0 : i32
    %dma_start3A_64 = tpu.memref_slice %arg3[%add3A, %dma_start3A_51, %dma_start3A_62, %dma_start3A_63] : memref<32x84x2x120xi32, #tpu.memory_space<hbm>> -> memref<1x1x2x120xi32, #tpu.memory_space<hbm>>
    %dma_start3A_65 = tpu.memref_squeeze %dma_start3A_64 : memref<1x1x2x120xi32, #tpu.memory_space<hbm>> -> memref<2x120xi32, #tpu.memory_space<hbm>>
    tpu.enqueue_dma source(%dma_start3A_65 : memref<2x120xi32, #tpu.memory_space<hbm>>) target(%dma_start3A_61 : memref<2x120xi32, #tpu.memory_space<vmem>>) target_semaphore(%arg15 : memref<!tpu.dma_semaphore, #tpu.memory_space<semaphore_mem>>)
    %dma_start3A_66 = arith.constant 2 : i32
    %dma_start3A_67 = arith.constant 4 : i32
    %dma_start3A_68 = arith.constant 0 : i32
    %dma_start3A_69 = tpu.memref_slice %arg5[%dma_start3A_67, %dma_start3A_68] : memref<8x120xi32, #tpu.memory_space<vmem>> -> memref<2x120xi32, #tpu.memory_space<vmem>>
    %dma_start3A_70 = arith.constant 0 : i32
    %dma_start3A_71 = arith.constant 0 : i32
    %dma_start3A_72 = tpu.memref_slice %arg3[%add3A, %dma_start3A_66, %dma_start3A_70, %dma_start3A_71] : memref<32x84x2x120xi32, #tpu.memory_space<hbm>> -> memref<1x1x2x120xi32, #tpu.memory_space<hbm>>
    %dma_start3A_73 = tpu.memref_squeeze %dma_start3A_72 : memref<1x1x2x120xi32, #tpu.memory_space<hbm>> -> memref<2x120xi32, #tpu.memory_space<hbm>>
    %dma_start3A_74 = arith.constant 4 : i32
    %dma_start3A_75 = arith.constant 0 : i32
    %dma_start3A_76 = tpu.memref_slice %arg5[%dma_start3A_74, %dma_start3A_75] : memref<8x120xi32, #tpu.memory_space<vmem>> -> memref<2x120xi32, #tpu.memory_space<vmem>>
    %dma_start3A_77 = arith.constant 0 : i32
    %dma_start3A_78 = arith.constant 0 : i32
    %dma_start3A_79 = tpu.memref_slice %arg3[%add3A, %dma_start3A_66, %dma_start3A_77, %dma_start3A_78] : memref<32x84x2x120xi32, #tpu.memory_space<hbm>> -> memref<1x1x2x120xi32, #tpu.memory_space<hbm>>
    %dma_start3A_80 = tpu.memref_squeeze %dma_start3A_79 : memref<1x1x2x120xi32, #tpu.memory_space<hbm>> -> memref<2x120xi32, #tpu.memory_space<hbm>>
    tpu.enqueue_dma source(%dma_start3A_80 : memref<2x120xi32, #tpu.memory_space<hbm>>) target(%dma_start3A_76 : memref<2x120xi32, #tpu.memory_space<vmem>>) target_semaphore(%arg16 : memref<!tpu.dma_semaphore, #tpu.memory_space<semaphore_mem>>)
    %dma_wait3A = arith.constant 0 : i32
    %dma_wait3A_81 = arith.constant 0 : i32
    %dma_wait3A_82 = arith.constant 0 : i32
    %dma_wait3A_83 = tpu.memref_slice %arg5[%dma_wait3A_81, %dma_wait3A_82] : memref<8x120xi32, #tpu.memory_space<vmem>> -> memref<2x120xi32, #tpu.memory_space<vmem>>
    %dma_wait3A_84 = arith.constant 0 : i32
    %dma_wait3A_85 = arith.constant 0 : i32
    %dma_wait3A_86 = tpu.memref_slice %arg3[%add3A, %dma_wait3A, %dma_wait3A_84, %dma_wait3A_85] : memref<32x84x2x120xi32, #tpu.memory_space<hbm>> -> memref<1x1x2x120xi32, #tpu.memory_space<hbm>>
    %dma_wait3A_87 = tpu.memref_squeeze %dma_wait3A_86 : memref<1x1x2x120xi32, #tpu.memory_space<hbm>> -> memref<2x120xi32, #tpu.memory_space<hbm>>
    %dma_wait3A_88 = arith.constant 0 : i32
    %dma_wait3A_89 = arith.constant 0 : i32
    %dma_wait3A_90 = tpu.memref_slice %arg5[%dma_wait3A_88, %dma_wait3A_89] : memref<8x120xi32, #tpu.memory_space<vmem>> -> memref<2x120xi32, #tpu.memory_space<vmem>>
    %dma_wait3A_91 = arith.constant 0 : i32
    %dma_wait3A_92 = arith.constant 0 : i32
    %dma_wait3A_93 = tpu.memref_slice %arg3[%add3A, %dma_wait3A, %dma_wait3A_91, %dma_wait3A_92] : memref<32x84x2x120xi32, #tpu.memory_space<hbm>> -> memref<1x1x2x120xi32, #tpu.memory_space<hbm>>
    %dma_wait3A_94 = tpu.memref_squeeze %dma_wait3A_93 : memref<1x1x2x120xi32, #tpu.memory_space<hbm>> -> memref<2x120xi32, #tpu.memory_space<hbm>>
    tpu.wait_dma2 semaphore(%arg14 : memref<!tpu.dma_semaphore, #tpu.memory_space<semaphore_mem>>) src(%dma_wait3A_94 : memref<2x120xi32, #tpu.memory_space<hbm>>) dst(%dma_wait3A_90 : memref<2x120xi32, #tpu.memory_space<vmem>>)
    %dma_start3A_95 = arith.constant 0 : i32
    %dma_start3A_96 = arith.constant 0 : i32
    %dma_start3A_97 = arith.constant 0 : i32
    %dma_start3A_98 = arith.constant 0 : i32
    %dma_start3A_99 = tpu.memref_slice %arg6[%dma_start3A_96, %dma_start3A_97, %dma_start3A_98] : memref<3x120x128xf32, #tpu.memory_space<vmem>> -> memref<1x120x128xf32, #tpu.memory_space<vmem>>
    %dma_start3A_100 = tpu.memref_squeeze %dma_start3A_99 : memref<1x120x128xf32, #tpu.memory_space<vmem>> -> memref<120x128xf32, #tpu.memory_space<vmem>>
    %dma_start3A_101 = arith.constant 0 : i32
    %dma_start3A_102 = tpu.memref_slice %arg5[%dma_start3A_95, %dma_start3A_101] : memref<8x120xi32, #tpu.memory_space<vmem>> -> memref<1x120xi32, #tpu.memory_space<vmem>>
    %dma_start3A_103 = tpu.memref_squeeze %dma_start3A_102 : memref<1x120xi32, #tpu.memory_space<vmem>> -> memref<120xi32, #tpu.memory_space<vmem>>
    %dma_start3A_104 = arith.constant 0 : i32
    %dma_start3A_105 = arith.constant 0 : i32
    %dma_start3A_106 = tpu.memref_slice %arg2[%dma_start3A_104, %dma_start3A_105] : memref<10000x128xf32, #tpu.memory_space<hbm>> -> memref<10000x128xf32, #tpu.memory_space<hbm>>
    tpu.enqueue_indirect_dma source(%dma_start3A_106 : memref<10000x128xf32, #tpu.memory_space<hbm>>) target(%dma_start3A_100 : memref<120x128xf32, #tpu.memory_space<vmem>>) offsets(%dma_start3A_103 : memref<120xi32, #tpu.memory_space<vmem>>) semaphore(%arg8 : memref<!tpu.dma_semaphore, #tpu.memory_space<semaphore_mem>>)
    %dma_wait3A_107 = arith.constant 0 : i32
    %dma_wait3A_108 = arith.constant 2 : i32
    %dma_wait3A_109 = arith.constant 0 : i32
    %dma_wait3A_110 = tpu.memref_slice %arg5[%dma_wait3A_108, %dma_wait3A_109] : memref<8x120xi32, #tpu.memory_space<vmem>> -> memref<2x120xi32, #tpu.memory_space<vmem>>
    %dma_wait3A_111 = arith.constant 0 : i32
    %dma_wait3A_112 = arith.constant 0 : i32
    %dma_wait3A_113 = tpu.memref_slice %arg3[%add3A, %dma_wait3A_107, %dma_wait3A_111, %dma_wait3A_112] : memref<32x84x2x120xi32, #tpu.memory_space<hbm>> -> memref<1x1x2x120xi32, #tpu.memory_space<hbm>>
    %dma_wait3A_114 = tpu.memref_squeeze %dma_wait3A_113 : memref<1x1x2x120xi32, #tpu.memory_space<hbm>> -> memref<2x120xi32, #tpu.memory_space<hbm>>
    %dma_wait3A_115 = arith.constant 2 : i32
    %dma_wait3A_116 = arith.constant 0 : i32
    %dma_wait3A_117 = tpu.memref_slice %arg5[%dma_wait3A_115, %dma_wait3A_116] : memref<8x120xi32, #tpu.memory_space<vmem>> -> memref<2x120xi32, #tpu.memory_space<vmem>>
    %dma_wait3A_118 = arith.constant 0 : i32
    %dma_wait3A_119 = arith.constant 0 : i32
    %dma_wait3A_120 = tpu.memref_slice %arg3[%add3A, %dma_wait3A_107, %dma_wait3A_118, %dma_wait3A_119] : memref<32x84x2x120xi32, #tpu.memory_space<hbm>> -> memref<1x1x2x120xi32, #tpu.memory_space<hbm>>
    %dma_wait3A_121 = tpu.memref_squeeze %dma_wait3A_120 : memref<1x1x2x120xi32, #tpu.memory_space<hbm>> -> memref<2x120xi32, #tpu.memory_space<hbm>>
    tpu.wait_dma2 semaphore(%arg15 : memref<!tpu.dma_semaphore, #tpu.memory_space<semaphore_mem>>) src(%dma_wait3A_121 : memref<2x120xi32, #tpu.memory_space<hbm>>) dst(%dma_wait3A_117 : memref<2x120xi32, #tpu.memory_space<vmem>>)
    %dma_start3A_122 = arith.constant 2 : i32
    %dma_start3A_123 = arith.constant 1 : i32
    %dma_start3A_124 = arith.constant 0 : i32
    %dma_start3A_125 = arith.constant 0 : i32
    %dma_start3A_126 = tpu.memref_slice %arg6[%dma_start3A_123, %dma_start3A_124, %dma_start3A_125] : memref<3x120x128xf32, #tpu.memory_space<vmem>> -> memref<1x120x128xf32, #tpu.memory_space<vmem>>
    %dma_start3A_127 = tpu.memref_squeeze %dma_start3A_126 : memref<1x120x128xf32, #tpu.memory_space<vmem>> -> memref<120x128xf32, #tpu.memory_space<vmem>>
    %dma_start3A_128 = arith.constant 0 : i32
    %dma_start3A_129 = tpu.memref_slice %arg5[%dma_start3A_122, %dma_start3A_128] : memref<8x120xi32, #tpu.memory_space<vmem>> -> memref<1x120xi32, #tpu.memory_space<vmem>>
    %dma_start3A_130 = tpu.memref_squeeze %dma_start3A_129 : memref<1x120xi32, #tpu.memory_space<vmem>> -> memref<120xi32, #tpu.memory_space<vmem>>
    %dma_start3A_131 = arith.constant 0 : i32
    %dma_start3A_132 = arith.constant 0 : i32
    %dma_start3A_133 = tpu.memref_slice %arg2[%dma_start3A_131, %dma_start3A_132] : memref<10000x128xf32, #tpu.memory_space<hbm>> -> memref<10000x128xf32, #tpu.memory_space<hbm>>
    tpu.enqueue_indirect_dma source(%dma_start3A_133 : memref<10000x128xf32, #tpu.memory_space<hbm>>) target(%dma_start3A_127 : memref<120x128xf32, #tpu.memory_space<vmem>>) offsets(%dma_start3A_130 : memref<120xi32, #tpu.memory_space<vmem>>) semaphore(%arg9 : memref<!tpu.dma_semaphore, #tpu.memory_space<semaphore_mem>>)
    %scan3A_134 = arith.constant 0 : i32
    %scan3A_135 = arith.constant 0 : i32
    %scan3A_136 = arith.constant 7 : i32
    %scan3A_137 = arith.addi %scan3A_135, %scan3A_136 : i32
    %scan3A_138 = arith.constant 1 : i32
    scf.for %scan3A_157 = %scan3A_135 to %scan3A_137 step %scan3A_138  : i32 {
      %mul3A_158 = arith.constant 12 : i32
      %mul3A_159 = arith.muli %scan3A_157, %mul3A_158 : i32
      %add3A_160 = arith.constant 0 : i32
      %add3A_161 = arith.addi %mul3A_159, %add3A_160 : i32
      %dma_wait3A_162 = arith.constant 0 : i32
      %dma_wait3A_163 = arith.constant 0 : i32
      %dma_wait3A_164 = arith.constant 0 : i32
      %dma_wait3A_165 = arith.constant 0 : i32
      %dma_wait3A_166 = tpu.memref_slice %arg6[%dma_wait3A_163, %dma_wait3A_164, %dma_wait3A_165] : memref<3x120x128xf32, #tpu.memory_space<vmem>> -> memref<1x120x128xf32, #tpu.memory_space<vmem>>
      %dma_wait3A_167 = tpu.memref_squeeze %dma_wait3A_166 : memref<1x120x128xf32, #tpu.memory_space<vmem>> -> memref<120x128xf32, #tpu.memory_space<vmem>>
      %dma_wait3A_168 = arith.constant 0 : i32
      %dma_wait3A_169 = tpu.memref_slice %arg5[%dma_wait3A_162, %dma_wait3A_168] : memref<8x120xi32, #tpu.memory_space<vmem>> -> memref<1x120xi32, #tpu.memory_space<vmem>>
      %dma_wait3A_170 = tpu.memref_squeeze %dma_wait3A_169 : memref<1x120xi32, #tpu.memory_space<vmem>> -> memref<120xi32, #tpu.memory_space<vmem>>
      %dma_wait3A_171 = arith.constant 0 : i32
      %dma_wait3A_172 = arith.constant 0 : i32
      %dma_wait3A_173 = tpu.memref_slice %arg2[%dma_wait3A_171, %dma_wait3A_172] : memref<10000x128xf32, #tpu.memory_space<hbm>> -> memref<10000x128xf32, #tpu.memory_space<hbm>>
      tpu.wait_indirect_dma semaphore(%arg8 : memref<!tpu.dma_semaphore, #tpu.memory_space<semaphore_mem>>) src(%dma_wait3A_173 : memref<10000x128xf32, #tpu.memory_space<hbm>>) dst(%dma_wait3A_167 : memref<120x128xf32, #tpu.memory_space<vmem>>)
      %dma_start3A_174 = arith.constant 0 : i32
      %dma_start3A_175 = arith.constant 1 : i32
      %dma_start3A_176 = arith.constant 0 : i32
      %dma_start3A_177 = arith.constant 0 : i32
      %dma_start3A_178 = tpu.memref_slice %arg6[%dma_start3A_174, %dma_start3A_176, %dma_start3A_177] : memref<3x120x128xf32, #tpu.memory_space<vmem>> -> memref<1x120x128xf32, #tpu.memory_space<vmem>>
      %dma_start3A_179 = tpu.memref_squeeze %dma_start3A_178 : memref<1x120x128xf32, #tpu.memory_space<vmem>> -> memref<120x128xf32, #tpu.memory_space<vmem>>
      %dma_start3A_180 = arith.constant 0 : i32
      %dma_start3A_181 = tpu.memref_slice %arg5[%dma_start3A_175, %dma_start3A_180] : memref<8x120xi32, #tpu.memory_space<vmem>> -> memref<1x120xi32, #tpu.memory_space<vmem>>
      %dma_start3A_182 = tpu.memref_squeeze %dma_start3A_181 : memref<1x120xi32, #tpu.memory_space<vmem>> -> memref<120xi32, #tpu.memory_space<vmem>>
      %dma_start3A_183 = arith.constant 0 : i32
      %dma_start3A_184 = arith.constant 0 : i32
      %dma_start3A_185 = tpu.memref_slice %arg7[%dma_start3A_183, %dma_start3A_184] : memref<10112x128xf32, #tpu.memory_space<vmem_shared>> -> memref<10112x128xf32, #tpu.memory_space<vmem_shared>>
      tpu.enqueue_indirect_dma source(%dma_start3A_179 : memref<120x128xf32, #tpu.memory_space<vmem>>) target(%dma_start3A_185 : memref<10112x128xf32, #tpu.memory_space<vmem_shared>>) offsets(%dma_start3A_182 : memref<120xi32, #tpu.memory_space<vmem>>) semaphore(%arg11 : memref<!tpu.dma_semaphore, #tpu.memory_space<semaphore_mem>>) {add = true}
      %ge3A = arith.constant 1 : i32
      %ge3A_186 = arith.cmpi sge, %add3A_161, %ge3A : i32
      %convert_element_type3A = arith.extui %ge3A_186 : i1 to i32
      %cond3A = arith.constant 0 : i32
      %cond3A_187 = arith.cmpi ne, %convert_element_type3A, %cond3A : i32
      scf.if %cond3A_187 {
        %dma_wait3A_720 = arith.constant 2 : i32
        %dma_wait3A_721 = arith.constant 7 : i32
        %dma_wait3A_722 = arith.constant 0 : i32
        %dma_wait3A_723 = arith.constant 0 : i32
        %dma_wait3A_724 = tpu.memref_slice %arg6[%dma_wait3A_720, %dma_wait3A_722, %dma_wait3A_723] : memref<3x120x128xf32, #tpu.memory_space<vmem>> -> memref<1x120x128xf32, #tpu.memory_space<vmem>>
        %dma_wait3A_725 = tpu.memref_squeeze %dma_wait3A_724 : memref<1x120x128xf32, #tpu.memory_space<vmem>> -> memref<120x128xf32, #tpu.memory_space<vmem>>
        %dma_wait3A_726 = arith.constant 0 : i32
        %dma_wait3A_727 = tpu.memref_slice %arg5[%dma_wait3A_721, %dma_wait3A_726] : memref<8x120xi32, #tpu.memory_space<vmem>> -> memref<1x120xi32, #tpu.memory_space<vmem>>
        %dma_wait3A_728 = tpu.memref_squeeze %dma_wait3A_727 : memref<1x120xi32, #tpu.memory_space<vmem>> -> memref<120xi32, #tpu.memory_space<vmem>>
        %dma_wait3A_729 = arith.constant 0 : i32
        %dma_wait3A_730 = arith.constant 0 : i32
        %dma_wait3A_731 = tpu.memref_slice %arg7[%dma_wait3A_729, %dma_wait3A_730] : memref<10112x128xf32, #tpu.memory_space<vmem_shared>> -> memref<10112x128xf32, #tpu.memory_space<vmem_shared>>
        tpu.wait_indirect_dma semaphore(%arg13 : memref<!tpu.dma_semaphore, #tpu.memory_space<semaphore_mem>>) src(%dma_wait3A_725 : memref<120x128xf32, #tpu.memory_space<vmem>>) dst(%dma_wait3A_731 : memref<10112x128xf32, #tpu.memory_space<vmem_shared>>)
      } else {
      }
      %add3A_188 = arith.constant 3 : i32
      %add3A_189 = arith.addi %add3A_161, %add3A_188 : i32
      %lt3A = arith.constant 84 : i32
      %lt3A_190 = arith.cmpi slt, %add3A_189, %lt3A : i32
      %convert_element_type3A_191 = arith.extui %lt3A_190 : i1 to i32
      %cond3A_192 = arith.constant 0 : i32
      %cond3A_193 = arith.cmpi ne, %convert_element_type3A_191, %cond3A_192 : i32
      scf.if %cond3A_193 {
        %add3A_720 = arith.constant 3 : i32
        %add3A_721 = arith.addi %add3A_161, %add3A_720 : i32
        %dma_start3A_722 = arith.constant 6 : i32
        %dma_start3A_723 = arith.constant 0 : i32
        %dma_start3A_724 = tpu.memref_slice %arg5[%dma_start3A_722, %dma_start3A_723] : memref<8x120xi32, #tpu.memory_space<vmem>> -> memref<2x120xi32, #tpu.memory_space<vmem>>
        %dma_start3A_725 = arith.constant 0 : i32
        %dma_start3A_726 = arith.constant 0 : i32
        %dma_start3A_727 = tpu.memref_slice %arg3[%add3A, %add3A_721, %dma_start3A_725, %dma_start3A_726] : memref<32x84x2x120xi32, #tpu.memory_space<hbm>> -> memref<1x1x2x120xi32, #tpu.memory_space<hbm>>
        %dma_start3A_728 = tpu.memref_squeeze %dma_start3A_727 : memref<1x1x2x120xi32, #tpu.memory_space<hbm>> -> memref<2x120xi32, #tpu.memory_space<hbm>>
        %dma_start3A_729 = arith.constant 6 : i32
        %dma_start3A_730 = arith.constant 0 : i32
        %dma_start3A_731 = tpu.memref_slice %arg5[%dma_start3A_729, %dma_start3A_730] : memref<8x120xi32, #tpu.memory_space<vmem>> -> memref<2x120xi32, #tpu.memory_space<vmem>>
        %dma_start3A_732 = arith.constant 0 : i32
        %dma_start3A_733 = arith.constant 0 : i32
        %dma_start3A_734 = tpu.memref_slice %arg3[%add3A, %add3A_721, %dma_start3A_732, %dma_start3A_733] : memref<32x84x2x120xi32, #tpu.memory_space<hbm>> -> memref<1x1x2x120xi32, #tpu.memory_space<hbm>>
        %dma_start3A_735 = tpu.memref_squeeze %dma_start3A_734 : memref<1x1x2x120xi32, #tpu.memory_space<hbm>> -> memref<2x120xi32, #tpu.memory_space<hbm>>
        tpu.enqueue_dma source(%dma_start3A_735 : memref<2x120xi32, #tpu.memory_space<hbm>>) target(%dma_start3A_731 : memref<2x120xi32, #tpu.memory_space<vmem>>) target_semaphore(%arg17 : memref<!tpu.dma_semaphore, #tpu.memory_space<semaphore_mem>>)
      } else {
      }
      %add3A_194 = arith.constant 3 : i32
      %add3A_195 = arith.addi %add3A_161, %add3A_194 : i32
      %sub3A_196 = arith.constant 1 : i32
      %sub3A_197 = arith.subi %add3A_195, %sub3A_196 : i32
      %lt3A_198 = arith.constant 84 : i32
      %lt3A_199 = arith.cmpi slt, %sub3A_197, %lt3A_198 : i32
      %convert_element_type3A_200 = arith.extui %lt3A_199 : i1 to i32
      %cond3A_201 = arith.constant 0 : i32
      %cond3A_202 = arith.cmpi ne, %convert_element_type3A_200, %cond3A_201 : i32
      scf.if %cond3A_202 {
        %dma_wait3A_720 = arith.constant 0 : i32
        %dma_wait3A_721 = arith.constant 4 : i32
        %dma_wait3A_722 = arith.constant 0 : i32
        %dma_wait3A_723 = tpu.memref_slice %arg5[%dma_wait3A_721, %dma_wait3A_722] : memref<8x120xi32, #tpu.memory_space<vmem>> -> memref<2x120xi32, #tpu.memory_space<vmem>>
        %dma_wait3A_724 = arith.constant 0 : i32
        %dma_wait3A_725 = arith.constant 0 : i32
        %dma_wait3A_726 = tpu.memref_slice %arg3[%add3A, %dma_wait3A_720, %dma_wait3A_724, %dma_wait3A_725] : memref<32x84x2x120xi32, #tpu.memory_space<hbm>> -> memref<1x1x2x120xi32, #tpu.memory_space<hbm>>
        %dma_wait3A_727 = tpu.memref_squeeze %dma_wait3A_726 : memref<1x1x2x120xi32, #tpu.memory_space<hbm>> -> memref<2x120xi32, #tpu.memory_space<hbm>>
        %dma_wait3A_728 = arith.constant 4 : i32
        %dma_wait3A_729 = arith.constant 0 : i32
        %dma_wait3A_730 = tpu.memref_slice %arg5[%dma_wait3A_728, %dma_wait3A_729] : memref<8x120xi32, #tpu.memory_space<vmem>> -> memref<2x120xi32, #tpu.memory_space<vmem>>
        %dma_wait3A_731 = arith.constant 0 : i32
        %dma_wait3A_732 = arith.constant 0 : i32
        %dma_wait3A_733 = tpu.memref_slice %arg3[%add3A, %dma_wait3A_720, %dma_wait3A_731, %dma_wait3A_732] : memref<32x84x2x120xi32, #tpu.memory_space<hbm>> -> memref<1x1x2x120xi32, #tpu.memory_space<hbm>>
        %dma_wait3A_734 = tpu.memref_squeeze %dma_wait3A_733 : memref<1x1x2x120xi32, #tpu.memory_space<hbm>> -> memref<2x120xi32, #tpu.memory_space<hbm>>
        tpu.wait_dma2 semaphore(%arg16 : memref<!tpu.dma_semaphore, #tpu.memory_space<semaphore_mem>>) src(%dma_wait3A_734 : memref<2x120xi32, #tpu.memory_space<hbm>>) dst(%dma_wait3A_730 : memref<2x120xi32, #tpu.memory_space<vmem>>)
        %dma_start3A_735 = arith.constant 4 : i32
        %dma_start3A_736 = arith.constant 2 : i32
        %dma_start3A_737 = arith.constant 0 : i32
        %dma_start3A_738 = arith.constant 0 : i32
        %dma_start3A_739 = tpu.memref_slice %arg6[%dma_start3A_736, %dma_start3A_737, %dma_start3A_738] : memref<3x120x128xf32, #tpu.memory_space<vmem>> -> memref<1x120x128xf32, #tpu.memory_space<vmem>>
        %dma_start3A_740 = tpu.memref_squeeze %dma_start3A_739 : memref<1x120x128xf32, #tpu.memory_space<vmem>> -> memref<120x128xf32, #tpu.memory_space<vmem>>
        %dma_start3A_741 = arith.constant 0 : i32
        %dma_start3A_742 = tpu.memref_slice %arg5[%dma_start3A_735, %dma_start3A_741] : memref<8x120xi32, #tpu.memory_space<vmem>> -> memref<1x120xi32, #tpu.memory_space<vmem>>
        %dma_start3A_743 = tpu.memref_squeeze %dma_start3A_742 : memref<1x120xi32, #tpu.memory_space<vmem>> -> memref<120xi32, #tpu.memory_space<vmem>>
        %dma_start3A_744 = arith.constant 0 : i32
        %dma_start3A_745 = arith.constant 0 : i32
        %dma_start3A_746 = tpu.memref_slice %arg2[%dma_start3A_744, %dma_start3A_745] : memref<10000x128xf32, #tpu.memory_space<hbm>> -> memref<10000x128xf32, #tpu.memory_space<hbm>>
        tpu.enqueue_indirect_dma source(%dma_start3A_746 : memref<10000x128xf32, #tpu.memory_space<hbm>>) target(%dma_start3A_740 : memref<120x128xf32, #tpu.memory_space<vmem>>) offsets(%dma_start3A_743 : memref<120xi32, #tpu.memory_space<vmem>>) semaphore(%arg10 : memref<!tpu.dma_semaphore, #tpu.memory_space<semaphore_mem>>)
      } else {
      }
      %add3A_203 = arith.constant 1 : i32
      %add3A_204 = arith.addi %mul3A_159, %add3A_203 : i32
      %dma_wait3A_205 = arith.constant 2 : i32
      %dma_wait3A_206 = arith.constant 1 : i32
      %dma_wait3A_207 = arith.constant 0 : i32
      %dma_wait3A_208 = arith.constant 0 : i32
      %dma_wait3A_209 = tpu.memref_slice %arg6[%dma_wait3A_206, %dma_wait3A_207, %dma_wait3A_208] : memref<3x120x128xf32, #tpu.memory_space<vmem>> -> memref<1x120x128xf32, #tpu.memory_space<vmem>>
      %dma_wait3A_210 = tpu.memref_squeeze %dma_wait3A_209 : memref<1x120x128xf32, #tpu.memory_space<vmem>> -> memref<120x128xf32, #tpu.memory_space<vmem>>
      %dma_wait3A_211 = arith.constant 0 : i32
      %dma_wait3A_212 = tpu.memref_slice %arg5[%dma_wait3A_205, %dma_wait3A_211] : memref<8x120xi32, #tpu.memory_space<vmem>> -> memref<1x120xi32, #tpu.memory_space<vmem>>
      %dma_wait3A_213 = tpu.memref_squeeze %dma_wait3A_212 : memref<1x120xi32, #tpu.memory_space<vmem>> -> memref<120xi32, #tpu.memory_space<vmem>>
      %dma_wait3A_214 = arith.constant 0 : i32
      %dma_wait3A_215 = arith.constant 0 : i32
      %dma_wait3A_216 = tpu.memref_slice %arg2[%dma_wait3A_214, %dma_wait3A_215] : memref<10000x128xf32, #tpu.memory_space<hbm>> -> memref<10000x128xf32, #tpu.memory_space<hbm>>
      tpu.wait_indirect_dma semaphore(%arg9 : memref<!tpu.dma_semaphore, #tpu.memory_space<semaphore_mem>>) src(%dma_wait3A_216 : memref<10000x128xf32, #tpu.memory_space<hbm>>) dst(%dma_wait3A_210 : memref<120x128xf32, #tpu.memory_space<vmem>>)
      %dma_start3A_217 = arith.constant 1 : i32
      %dma_start3A_218 = arith.constant 3 : i32
      %dma_start3A_219 = arith.constant 0 : i32
      %dma_start3A_220 = arith.constant 0 : i32
      %dma_start3A_221 = tpu.memref_slice %arg6[%dma_start3A_217, %dma_start3A_219, %dma_start3A_220] : memref<3x120x128xf32, #tpu.memory_space<vmem>> -> memref<1x120x128xf32, #tpu.memory_space<vmem>>
      %dma_start3A_222 = tpu.memref_squeeze %dma_start3A_221 : memref<1x120x128xf32, #tpu.memory_space<vmem>> -> memref<120x128xf32, #tpu.memory_space<vmem>>
      %dma_start3A_223 = arith.constant 0 : i32
      %dma_start3A_224 = tpu.memref_slice %arg5[%dma_start3A_218, %dma_start3A_223] : memref<8x120xi32, #tpu.memory_space<vmem>> -> memref<1x120xi32, #tpu.memory_space<vmem>>
      %dma_start3A_225 = tpu.memref_squeeze %dma_start3A_224 : memref<1x120xi32, #tpu.memory_space<vmem>> -> memref<120xi32, #tpu.memory_space<vmem>>
      %dma_start3A_226 = arith.constant 0 : i32
      %dma_start3A_227 = arith.constant 0 : i32
      %dma_start3A_228 = tpu.memref_slice %arg7[%dma_start3A_226, %dma_start3A_227] : memref<10112x128xf32, #tpu.memory_space<vmem_shared>> -> memref<10112x128xf32, #tpu.memory_space<vmem_shared>>
      tpu.enqueue_indirect_dma source(%dma_start3A_222 : memref<120x128xf32, #tpu.memory_space<vmem>>) target(%dma_start3A_228 : memref<10112x128xf32, #tpu.memory_space<vmem_shared>>) offsets(%dma_start3A_225 : memref<120xi32, #tpu.memory_space<vmem>>) semaphore(%arg12 : memref<!tpu.dma_semaphore, #tpu.memory_space<semaphore_mem>>) {add = true}
      %ge3A_229 = arith.constant 1 : i32
      %ge3A_230 = arith.cmpi sge, %add3A_204, %ge3A_229 : i32
      %convert_element_type3A_231 = arith.extui %ge3A_230 : i1 to i32
      %cond3A_232 = arith.constant 0 : i32
      %cond3A_233 = arith.cmpi ne, %convert_element_type3A_231, %cond3A_232 : i32
      scf.if %cond3A_233 {
        %dma_wait3A_720 = arith.constant 0 : i32
        %dma_wait3A_721 = arith.constant 1 : i32
        %dma_wait3A_722 = arith.constant 0 : i32
        %dma_wait3A_723 = arith.constant 0 : i32
        %dma_wait3A_724 = tpu.memref_slice %arg6[%dma_wait3A_720, %dma_wait3A_722, %dma_wait3A_723] : memref<3x120x128xf32, #tpu.memory_space<vmem>> -> memref<1x120x128xf32, #tpu.memory_space<vmem>>
        %dma_wait3A_725 = tpu.memref_squeeze %dma_wait3A_724 : memref<1x120x128xf32, #tpu.memory_space<vmem>> -> memref<120x128xf32, #tpu.memory_space<vmem>>
        %dma_wait3A_726 = arith.constant 0 : i32
        %dma_wait3A_727 = tpu.memref_slice %arg5[%dma_wait3A_721, %dma_wait3A_726] : memref<8x120xi32, #tpu.memory_space<vmem>> -> memref<1x120xi32, #tpu.memory_space<vmem>>
        %dma_wait3A_728 = tpu.memref_squeeze %dma_wait3A_727 : memref<1x120xi32, #tpu.memory_space<vmem>> -> memref<120xi32, #tpu.memory_space<vmem>>
        %dma_wait3A_729 = arith.constant 0 : i32
        %dma_wait3A_730 = arith.constant 0 : i32
        %dma_wait3A_731 = tpu.memref_slice %arg7[%dma_wait3A_729, %dma_wait3A_730] : memref<10112x128xf32, #tpu.memory_space<vmem_shared>> -> memref<10112x128xf32, #tpu.memory_space<vmem_shared>>
        tpu.wait_indirect_dma semaphore(%arg11 : memref<!tpu.dma_semaphore, #tpu.memory_space<semaphore_mem>>) src(%dma_wait3A_725 : memref<120x128xf32, #tpu.memory_space<vmem>>) dst(%dma_wait3A_731 : memref<10112x128xf32, #tpu.memory_space<vmem_shared>>)
      } else {
      }
      %add3A_234 = arith.constant 3 : i32
      %add3A_235 = arith.addi %add3A_204, %add3A_234 : i32
      %lt3A_236 = arith.constant 84 : i32
      %lt3A_237 = arith.cmpi slt, %add3A_235, %lt3A_236 : i32
      %convert_element_type3A_238 = arith.extui %lt3A_237 : i1 to i32
      %cond3A_239 = arith.constant 0 : i32
      %cond3A_240 = arith.cmpi ne, %convert_element_type3A_238, %cond3A_239 : i32
      scf.if %cond3A_240 {
        %add3A_720 = arith.constant 3 : i32
        %add3A_721 = arith.addi %add3A_204, %add3A_720 : i32
        %dma_start3A_722 = arith.constant 0 : i32
        %dma_start3A_723 = arith.constant 0 : i32
        %dma_start3A_724 = tpu.memref_slice %arg5[%dma_start3A_722, %dma_start3A_723] : memref<8x120xi32, #tpu.memory_space<vmem>> -> memref<2x120xi32, #tpu.memory_space<vmem>>
        %dma_start3A_725 = arith.constant 0 : i32
        %dma_start3A_726 = arith.constant 0 : i32
        %dma_start3A_727 = tpu.memref_slice %arg3[%add3A, %add3A_721, %dma_start3A_725, %dma_start3A_726] : memref<32x84x2x120xi32, #tpu.memory_space<hbm>> -> memref<1x1x2x120xi32, #tpu.memory_space<hbm>>
        %dma_start3A_728 = tpu.memref_squeeze %dma_start3A_727 : memref<1x1x2x120xi32, #tpu.memory_space<hbm>> -> memref<2x120xi32, #tpu.memory_space<hbm>>
        %dma_start3A_729 = arith.constant 0 : i32
        %dma_start3A_730 = arith.constant 0 : i32
        %dma_start3A_731 = tpu.memref_slice %arg5[%dma_start3A_729, %dma_start3A_730] : memref<8x120xi32, #tpu.memory_space<vmem>> -> memref<2x120xi32, #tpu.memory_space<vmem>>
        %dma_start3A_732 = arith.constant 0 : i32
        %dma_start3A_733 = arith.constant 0 : i32
        %dma_start3A_734 = tpu.memref_slice %arg3[%add3A, %add3A_721, %dma_start3A_732, %dma_start3A_733] : memref<32x84x2x120xi32, #tpu.memory_space<hbm>> -> memref<1x1x2x120xi32, #tpu.memory_space<hbm>>
        %dma_start3A_735 = tpu.memref_squeeze %dma_start3A_734 : memref<1x1x2x120xi32, #tpu.memory_space<hbm>> -> memref<2x120xi32, #tpu.memory_space<hbm>>
        tpu.enqueue_dma source(%dma_start3A_735 : memref<2x120xi32, #tpu.memory_space<hbm>>) target(%dma_start3A_731 : memref<2x120xi32, #tpu.memory_space<vmem>>) target_semaphore(%arg14 : memref<!tpu.dma_semaphore, #tpu.memory_space<semaphore_mem>>)
      } else {
      }
      %add3A_241 = arith.constant 3 : i32
      %add3A_242 = arith.addi %add3A_204, %add3A_241 : i32
      %sub3A_243 = arith.constant 1 : i32
      %sub3A_244 = arith.subi %add3A_242, %sub3A_243 : i32
      %lt3A_245 = arith.constant 84 : i32
      %lt3A_246 = arith.cmpi slt, %sub3A_244, %lt3A_245 : i32
      %convert_element_type3A_247 = arith.extui %lt3A_246 : i1 to i32
      %cond3A_248 = arith.constant 0 : i32
      %cond3A_249 = arith.cmpi ne, %convert_element_type3A_247, %cond3A_248 : i32
      scf.if %cond3A_249 {
        %dma_wait3A_720 = arith.constant 0 : i32
        %dma_wait3A_721 = arith.constant 6 : i32
        %dma_wait3A_722 = arith.constant 0 : i32
        %dma_wait3A_723 = tpu.memref_slice %arg5[%dma_wait3A_721, %dma_wait3A_722] : memref<8x120xi32, #tpu.memory_space<vmem>> -> memref<2x120xi32, #tpu.memory_space<vmem>>
        %dma_wait3A_724 = arith.constant 0 : i32
        %dma_wait3A_725 = arith.constant 0 : i32
        %dma_wait3A_726 = tpu.memref_slice %arg3[%add3A, %dma_wait3A_720, %dma_wait3A_724, %dma_wait3A_725] : memref<32x84x2x120xi32, #tpu.memory_space<hbm>> -> memref<1x1x2x120xi32, #tpu.memory_space<hbm>>
        %dma_wait3A_727 = tpu.memref_squeeze %dma_wait3A_726 : memref<1x1x2x120xi32, #tpu.memory_space<hbm>> -> memref<2x120xi32, #tpu.memory_space<hbm>>
        %dma_wait3A_728 = arith.constant 6 : i32
        %dma_wait3A_729 = arith.constant 0 : i32
        %dma_wait3A_730 = tpu.memref_slice %arg5[%dma_wait3A_728, %dma_wait3A_729] : memref<8x120xi32, #tpu.memory_space<vmem>> -> memref<2x120xi32, #tpu.memory_space<vmem>>
        %dma_wait3A_731 = arith.constant 0 : i32
        %dma_wait3A_732 = arith.constant 0 : i32
        %dma_wait3A_733 = tpu.memref_slice %arg3[%add3A, %dma_wait3A_720, %dma_wait3A_731, %dma_wait3A_732] : memref<32x84x2x120xi32, #tpu.memory_space<hbm>> -> memref<1x1x2x120xi32, #tpu.memory_space<hbm>>
        %dma_wait3A_734 = tpu.memref_squeeze %dma_wait3A_733 : memref<1x1x2x120xi32, #tpu.memory_space<hbm>> -> memref<2x120xi32, #tpu.memory_space<hbm>>
        tpu.wait_dma2 semaphore(%arg17 : memref<!tpu.dma_semaphore, #tpu.memory_space<semaphore_mem>>) src(%dma_wait3A_734 : memref<2x120xi32, #tpu.memory_space<hbm>>) dst(%dma_wait3A_730 : memref<2x120xi32, #tpu.memory_space<vmem>>)
        %dma_start3A_735 = arith.constant 6 : i32
        %dma_start3A_736 = arith.constant 0 : i32
        %dma_start3A_737 = arith.constant 0 : i32
        %dma_start3A_738 = arith.constant 0 : i32
        %dma_start3A_739 = tpu.memref_slice %arg6[%dma_start3A_736, %dma_start3A_737, %dma_start3A_738] : memref<3x120x128xf32, #tpu.memory_space<vmem>> -> memref<1x120x128xf32, #tpu.memory_space<vmem>>
        %dma_start3A_740 = tpu.memref_squeeze %dma_start3A_739 : memref<1x120x128xf32, #tpu.memory_space<vmem>> -> memref<120x128xf32, #tpu.memory_space<vmem>>
        %dma_start3A_741 = arith.constant 0 : i32
        %dma_start3A_742 = tpu.memref_slice %arg5[%dma_start3A_735, %dma_start3A_741] : memref<8x120xi32, #tpu.memory_space<vmem>> -> memref<1x120xi32, #tpu.memory_space<vmem>>
        %dma_start3A_743 = tpu.memref_squeeze %dma_start3A_742 : memref<1x120xi32, #tpu.memory_space<vmem>> -> memref<120xi32, #tpu.memory_space<vmem>>
        %dma_start3A_744 = arith.constant 0 : i32
        %dma_start3A_745 = arith.constant 0 : i32
        %dma_start3A_746 = tpu.memref_slice %arg2[%dma_start3A_744, %dma_start3A_745] : memref<10000x128xf32, #tpu.memory_space<hbm>> -> memref<10000x128xf32, #tpu.memory_space<hbm>>
        tpu.enqueue_indirect_dma source(%dma_start3A_746 : memref<10000x128xf32, #tpu.memory_space<hbm>>) target(%dma_start3A_740 : memref<120x128xf32, #tpu.memory_space<vmem>>) offsets(%dma_start3A_743 : memref<120xi32, #tpu.memory_space<vmem>>) semaphore(%arg8 : memref<!tpu.dma_semaphore, #tpu.memory_space<semaphore_mem>>)
      } else {
      }
      %add3A_250 = arith.constant 2 : i32
      %add3A_251 = arith.addi %mul3A_159, %add3A_250 : i32
      %dma_wait3A_252 = arith.constant 4 : i32
      %dma_wait3A_253 = arith.constant 2 : i32
      %dma_wait3A_254 = arith.constant 0 : i32
      %dma_wait3A_255 = arith.constant 0 : i32
      %dma_wait3A_256 = tpu.memref_slice %arg6[%dma_wait3A_253, %dma_wait3A_254, %dma_wait3A_255] : memref<3x120x128xf32, #tpu.memory_space<vmem>> -> memref<1x120x128xf32, #tpu.memory_space<vmem>>
      %dma_wait3A_257 = tpu.memref_squeeze %dma_wait3A_256 : memref<1x120x128xf32, #tpu.memory_space<vmem>> -> memref<120x128xf32, #tpu.memory_space<vmem>>
      %dma_wait3A_258 = arith.constant 0 : i32
      %dma_wait3A_259 = tpu.memref_slice %arg5[%dma_wait3A_252, %dma_wait3A_258] : memref<8x120xi32, #tpu.memory_space<vmem>> -> memref<1x120xi32, #tpu.memory_space<vmem>>
      %dma_wait3A_260 = tpu.memref_squeeze %dma_wait3A_259 : memref<1x120xi32, #tpu.memory_space<vmem>> -> memref<120xi32, #tpu.memory_space<vmem>>
      %dma_wait3A_261 = arith.constant 0 : i32
      %dma_wait3A_262 = arith.constant 0 : i32
      %dma_wait3A_263 = tpu.memref_slice %arg2[%dma_wait3A_261, %dma_wait3A_262] : memref<10000x128xf32, #tpu.memory_space<hbm>> -> memref<10000x128xf32, #tpu.memory_space<hbm>>
      tpu.wait_indirect_dma semaphore(%arg10 : memref<!tpu.dma_semaphore, #tpu.memory_space<semaphore_mem>>) src(%dma_wait3A_263 : memref<10000x128xf32, #tpu.memory_space<hbm>>) dst(%dma_wait3A_257 : memref<120x128xf32, #tpu.memory_space<vmem>>)
      %dma_start3A_264 = arith.constant 2 : i32
      %dma_start3A_265 = arith.constant 5 : i32
      %dma_start3A_266 = arith.constant 0 : i32
      %dma_start3A_267 = arith.constant 0 : i32
      %dma_start3A_268 = tpu.memref_slice %arg6[%dma_start3A_264, %dma_start3A_266, %dma_start3A_267] : memref<3x120x128xf32, #tpu.memory_space<vmem>> -> memref<1x120x128xf32, #tpu.memory_space<vmem>>
      %dma_start3A_269 = tpu.memref_squeeze %dma_start3A_268 : memref<1x120x128xf32, #tpu.memory_space<vmem>> -> memref<120x128xf32, #tpu.memory_space<vmem>>
      %dma_start3A_270 = arith.constant 0 : i32
      %dma_start3A_271 = tpu.memref_slice %arg5[%dma_start3A_265, %dma_start3A_270] : memref<8x120xi32, #tpu.memory_space<vmem>> -> memref<1x120xi32, #tpu.memory_space<vmem>>
      %dma_start3A_272 = tpu.memref_squeeze %dma_start3A_271 : memref<1x120xi32, #tpu.memory_space<vmem>> -> memref<120xi32, #tpu.memory_space<vmem>>
      %dma_start3A_273 = arith.constant 0 : i32
      %dma_start3A_274 = arith.constant 0 : i32
      %dma_start3A_275 = tpu.memref_slice %arg7[%dma_start3A_273, %dma_start3A_274] : memref<10112x128xf32, #tpu.memory_space<vmem_shared>> -> memref<10112x128xf32, #tpu.memory_space<vmem_shared>>
      tpu.enqueue_indirect_dma source(%dma_start3A_269 : memref<120x128xf32, #tpu.memory_space<vmem>>) target(%dma_start3A_275 : memref<10112x128xf32, #tpu.memory_space<vmem_shared>>) offsets(%dma_start3A_272 : memref<120xi32, #tpu.memory_space<vmem>>) semaphore(%arg13 : memref<!tpu.dma_semaphore, #tpu.memory_space<semaphore_mem>>) {add = true}
      %ge3A_276 = arith.constant 1 : i32
      %ge3A_277 = arith.cmpi sge, %add3A_251, %ge3A_276 : i32
      %convert_element_type3A_278 = arith.extui %ge3A_277 : i1 to i32
      %cond3A_279 = arith.constant 0 : i32
      %cond3A_280 = arith.cmpi ne, %convert_element_type3A_278, %cond3A_279 : i32
      scf.if %cond3A_280 {
        %dma_wait3A_720 = arith.constant 1 : i32
        %dma_wait3A_721 = arith.constant 3 : i32
        %dma_wait3A_722 = arith.constant 0 : i32
        %dma_wait3A_723 = arith.constant 0 : i32
        %dma_wait3A_724 = tpu.memref_slice %arg6[%dma_wait3A_720, %dma_wait3A_722, %dma_wait3A_723] : memref<3x120x128xf32, #tpu.memory_space<vmem>> -> memref<1x120x128xf32, #tpu.memory_space<vmem>>
        %dma_wait3A_725 = tpu.memref_squeeze %dma_wait3A_724 : memref<1x120x128xf32, #tpu.memory_space<vmem>> -> memref<120x128xf32, #tpu.memory_space<vmem>>
        %dma_wait3A_726 = arith.constant 0 : i32
        %dma_wait3A_727 = tpu.memref_slice %arg5[%dma_wait3A_721, %dma_wait3A_726] : memref<8x120xi32, #tpu.memory_space<vmem>> -> memref<1x120xi32, #tpu.memory_space<vmem>>
        %dma_wait3A_728 = tpu.memref_squeeze %dma_wait3A_727 : memref<1x120xi32, #tpu.memory_space<vmem>> -> memref<120xi32, #tpu.memory_space<vmem>>
        %dma_wait3A_729 = arith.constant 0 : i32
        %dma_wait3A_730 = arith.constant 0 : i32
        %dma_wait3A_731 = tpu.memref_slice %arg7[%dma_wait3A_729, %dma_wait3A_730] : memref<10112x128xf32, #tpu.memory_space<vmem_shared>> -> memref<10112x128xf32, #tpu.memory_space<vmem_shared>>
        tpu.wait_indirect_dma semaphore(%arg12 : memref<!tpu.dma_semaphore, #tpu.memory_space<semaphore_mem>>) src(%dma_wait3A_725 : memref<120x128xf32, #tpu.memory_space<vmem>>) dst(%dma_wait3A_731 : memref<10112x128xf32, #tpu.memory_space<vmem_shared>>)
      } else {
      }
      %add3A_281 = arith.constant 3 : i32
      %add3A_282 = arith.addi %add3A_251, %add3A_281 : i32
      %lt3A_283 = arith.constant 84 : i32
      %lt3A_284 = arith.cmpi slt, %add3A_282, %lt3A_283 : i32
      %convert_element_type3A_285 = arith.extui %lt3A_284 : i1 to i32
      %cond3A_286 = arith.constant 0 : i32
      %cond3A_287 = arith.cmpi ne, %convert_element_type3A_285, %cond3A_286 : i32
      scf.if %cond3A_287 {
        %add3A_720 = arith.constant 3 : i32
        %add3A_721 = arith.addi %add3A_251, %add3A_720 : i32
        %dma_start3A_722 = arith.constant 2 : i32
        %dma_start3A_723 = arith.constant 0 : i32
        %dma_start3A_724 = tpu.memref_slice %arg5[%dma_start3A_722, %dma_start3A_723] : memref<8x120xi32, #tpu.memory_space<vmem>> -> memref<2x120xi32, #tpu.memory_space<vmem>>
        %dma_start3A_725 = arith.constant 0 : i32
        %dma_start3A_726 = arith.constant 0 : i32
        %dma_start3A_727 = tpu.memref_slice %arg3[%add3A, %add3A_721, %dma_start3A_725, %dma_start3A_726] : memref<32x84x2x120xi32, #tpu.memory_space<hbm>> -> memref<1x1x2x120xi32, #tpu.memory_space<hbm>>
        %dma_start3A_728 = tpu.memref_squeeze %dma_start3A_727 : memref<1x1x2x120xi32, #tpu.memory_space<hbm>> -> memref<2x120xi32, #tpu.memory_space<hbm>>
        %dma_start3A_729 = arith.constant 2 : i32
        %dma_start3A_730 = arith.constant 0 : i32
        %dma_start3A_731 = tpu.memref_slice %arg5[%dma_start3A_729, %dma_start3A_730] : memref<8x120xi32, #tpu.memory_space<vmem>> -> memref<2x120xi32, #tpu.memory_space<vmem>>
        %dma_start3A_732 = arith.constant 0 : i32
        %dma_start3A_733 = arith.constant 0 : i32
        %dma_start3A_734 = tpu.memref_slice %arg3[%add3A, %add3A_721, %dma_start3A_732, %dma_start3A_733] : memref<32x84x2x120xi32, #tpu.memory_space<hbm>> -> memref<1x1x2x120xi32, #tpu.memory_space<hbm>>
        %dma_start3A_735 = tpu.memref_squeeze %dma_start3A_734 : memref<1x1x2x120xi32, #tpu.memory_space<hbm>> -> memref<2x120xi32, #tpu.memory_space<hbm>>
        tpu.enqueue_dma source(%dma_start3A_735 : memref<2x120xi32, #tpu.memory_space<hbm>>) target(%dma_start3A_731 : memref<2x120xi32, #tpu.memory_space<vmem>>) target_semaphore(%arg15 : memref<!tpu.dma_semaphore, #tpu.memory_space<semaphore_mem>>)
      } else {
      }
      %add3A_288 = arith.constant 3 : i32
      %add3A_289 = arith.addi %add3A_251, %add3A_288 : i32
      %sub3A_290 = arith.constant 1 : i32
      %sub3A_291 = arith.subi %add3A_289, %sub3A_290 : i32
      %lt3A_292 = arith.constant 84 : i32
      %lt3A_293 = arith.cmpi slt, %sub3A_291, %lt3A_292 : i32
      %convert_element_type3A_294 = arith.extui %lt3A_293 : i1 to i32
      %cond3A_295 = arith.constant 0 : i32
      %cond3A_296 = arith.cmpi ne, %convert_element_type3A_294, %cond3A_295 : i32
      scf.if %cond3A_296 {
        %dma_wait3A_720 = arith.constant 0 : i32
        %dma_wait3A_721 = arith.constant 0 : i32
        %dma_wait3A_722 = arith.constant 0 : i32
        %dma_wait3A_723 = tpu.memref_slice %arg5[%dma_wait3A_721, %dma_wait3A_722] : memref<8x120xi32, #tpu.memory_space<vmem>> -> memref<2x120xi32, #tpu.memory_space<vmem>>
        %dma_wait3A_724 = arith.constant 0 : i32
        %dma_wait3A_725 = arith.constant 0 : i32
        %dma_wait3A_726 = tpu.memref_slice %arg3[%add3A, %dma_wait3A_720, %dma_wait3A_724, %dma_wait3A_725] : memref<32x84x2x120xi32, #tpu.memory_space<hbm>> -> memref<1x1x2x120xi32, #tpu.memory_space<hbm>>
        %dma_wait3A_727 = tpu.memref_squeeze %dma_wait3A_726 : memref<1x1x2x120xi32, #tpu.memory_space<hbm>> -> memref<2x120xi32, #tpu.memory_space<hbm>>
        %dma_wait3A_728 = arith.constant 0 : i32
        %dma_wait3A_729 = arith.constant 0 : i32
        %dma_wait3A_730 = tpu.memref_slice %arg5[%dma_wait3A_728, %dma_wait3A_729] : memref<8x120xi32, #tpu.memory_space<vmem>> -> memref<2x120xi32, #tpu.memory_space<vmem>>
        %dma_wait3A_731 = arith.constant 0 : i32
        %dma_wait3A_732 = arith.constant 0 : i32
        %dma_wait3A_733 = tpu.memref_slice %arg3[%add3A, %dma_wait3A_720, %dma_wait3A_731, %dma_wait3A_732] : memref<32x84x2x120xi32, #tpu.memory_space<hbm>> -> memref<1x1x2x120xi32, #tpu.memory_space<hbm>>
        %dma_wait3A_734 = tpu.memref_squeeze %dma_wait3A_733 : memref<1x1x2x120xi32, #tpu.memory_space<hbm>> -> memref<2x120xi32, #tpu.memory_space<hbm>>
        tpu.wait_dma2 semaphore(%arg14 : memref<!tpu.dma_semaphore, #tpu.memory_space<semaphore_mem>>) src(%dma_wait3A_734 : memref<2x120xi32, #tpu.memory_space<hbm>>) dst(%dma_wait3A_730 : memref<2x120xi32, #tpu.memory_space<vmem>>)
        %dma_start3A_735 = arith.constant 0 : i32
        %dma_start3A_736 = arith.constant 1 : i32
        %dma_start3A_737 = arith.constant 0 : i32
        %dma_start3A_738 = arith.constant 0 : i32
        %dma_start3A_739 = tpu.memref_slice %arg6[%dma_start3A_736, %dma_start3A_737, %dma_start3A_738] : memref<3x120x128xf32, #tpu.memory_space<vmem>> -> memref<1x120x128xf32, #tpu.memory_space<vmem>>
        %dma_start3A_740 = tpu.memref_squeeze %dma_start3A_739 : memref<1x120x128xf32, #tpu.memory_space<vmem>> -> memref<120x128xf32, #tpu.memory_space<vmem>>
        %dma_start3A_741 = arith.constant 0 : i32
        %dma_start3A_742 = tpu.memref_slice %arg5[%dma_start3A_735, %dma_start3A_741] : memref<8x120xi32, #tpu.memory_space<vmem>> -> memref<1x120xi32, #tpu.memory_space<vmem>>
        %dma_start3A_743 = tpu.memref_squeeze %dma_start3A_742 : memref<1x120xi32, #tpu.memory_space<vmem>> -> memref<120xi32, #tpu.memory_space<vmem>>
        %dma_start3A_744 = arith.constant 0 : i32
        %dma_start3A_745 = arith.constant 0 : i32
        %dma_start3A_746 = tpu.memref_slice %arg2[%dma_start3A_744, %dma_start3A_745] : memref<10000x128xf32, #tpu.memory_space<hbm>> -> memref<10000x128xf32, #tpu.memory_space<hbm>>
        tpu.enqueue_indirect_dma source(%dma_start3A_746 : memref<10000x128xf32, #tpu.memory_space<hbm>>) target(%dma_start3A_740 : memref<120x128xf32, #tpu.memory_space<vmem>>) offsets(%dma_start3A_743 : memref<120xi32, #tpu.memory_space<vmem>>) semaphore(%arg9 : memref<!tpu.dma_semaphore, #tpu.memory_space<semaphore_mem>>)
      } else {
      }
      %add3A_297 = arith.constant 3 : i32
      %add3A_298 = arith.addi %mul3A_159, %add3A_297 : i32
      %dma_wait3A_299 = arith.constant 6 : i32
      %dma_wait3A_300 = arith.constant 0 : i32
      %dma_wait3A_301 = arith.constant 0 : i32
      %dma_wait3A_302 = arith.constant 0 : i32
      %dma_wait3A_303 = tpu.memref_slice %arg6[%dma_wait3A_300, %dma_wait3A_301, %dma_wait3A_302] : memref<3x120x128xf32, #tpu.memory_space<vmem>> -> memref<1x120x128xf32, #tpu.memory_space<vmem>>
      %dma_wait3A_304 = tpu.memref_squeeze %dma_wait3A_303 : memref<1x120x128xf32, #tpu.memory_space<vmem>> -> memref<120x128xf32, #tpu.memory_space<vmem>>
      %dma_wait3A_305 = arith.constant 0 : i32
      %dma_wait3A_306 = tpu.memref_slice %arg5[%dma_wait3A_299, %dma_wait3A_305] : memref<8x120xi32, #tpu.memory_space<vmem>> -> memref<1x120xi32, #tpu.memory_space<vmem>>
      %dma_wait3A_307 = tpu.memref_squeeze %dma_wait3A_306 : memref<1x120xi32, #tpu.memory_space<vmem>> -> memref<120xi32, #tpu.memory_space<vmem>>
      %dma_wait3A_308 = arith.constant 0 : i32
      %dma_wait3A_309 = arith.constant 0 : i32
      %dma_wait3A_310 = tpu.memref_slice %arg2[%dma_wait3A_308, %dma_wait3A_309] : memref<10000x128xf32, #tpu.memory_space<hbm>> -> memref<10000x128xf32, #tpu.memory_space<hbm>>
      tpu.wait_indirect_dma semaphore(%arg8 : memref<!tpu.dma_semaphore, #tpu.memory_space<semaphore_mem>>) src(%dma_wait3A_310 : memref<10000x128xf32, #tpu.memory_space<hbm>>) dst(%dma_wait3A_304 : memref<120x128xf32, #tpu.memory_space<vmem>>)
      %dma_start3A_311 = arith.constant 0 : i32
      %dma_start3A_312 = arith.constant 7 : i32
      %dma_start3A_313 = arith.constant 0 : i32
      %dma_start3A_314 = arith.constant 0 : i32
      %dma_start3A_315 = tpu.memref_slice %arg6[%dma_start3A_311, %dma_start3A_313, %dma_start3A_314] : memref<3x120x128xf32, #tpu.memory_space<vmem>> -> memref<1x120x128xf32, #tpu.memory_space<vmem>>
      %dma_start3A_316 = tpu.memref_squeeze %dma_start3A_315 : memref<1x120x128xf32, #tpu.memory_space<vmem>> -> memref<120x128xf32, #tpu.memory_space<vmem>>
      %dma_start3A_317 = arith.constant 0 : i32
      %dma_start3A_318 = tpu.memref_slice %arg5[%dma_start3A_312, %dma_start3A_317] : memref<8x120xi32, #tpu.memory_space<vmem>> -> memref<1x120xi32, #tpu.memory_space<vmem>>
      %dma_start3A_319 = tpu.memref_squeeze %dma_start3A_318 : memref<1x120xi32, #tpu.memory_space<vmem>> -> memref<120xi32, #tpu.memory_space<vmem>>
      %dma_start3A_320 = arith.constant 0 : i32
      %dma_start3A_321 = arith.constant 0 : i32
      %dma_start3A_322 = tpu.memref_slice %arg7[%dma_start3A_320, %dma_start3A_321] : memref<10112x128xf32, #tpu.memory_space<vmem_shared>> -> memref<10112x128xf32, #tpu.memory_space<vmem_shared>>
      tpu.enqueue_indirect_dma source(%dma_start3A_316 : memref<120x128xf32, #tpu.memory_space<vmem>>) target(%dma_start3A_322 : memref<10112x128xf32, #tpu.memory_space<vmem_shared>>) offsets(%dma_start3A_319 : memref<120xi32, #tpu.memory_space<vmem>>) semaphore(%arg11 : memref<!tpu.dma_semaphore, #tpu.memory_space<semaphore_mem>>) {add = true}
      %ge3A_323 = arith.constant 1 : i32
      %ge3A_324 = arith.cmpi sge, %add3A_298, %ge3A_323 : i32
      %convert_element_type3A_325 = arith.extui %ge3A_324 : i1 to i32
      %cond3A_326 = arith.constant 0 : i32
      %cond3A_327 = arith.cmpi ne, %convert_element_type3A_325, %cond3A_326 : i32
      scf.if %cond3A_327 {
        %dma_wait3A_720 = arith.constant 2 : i32
        %dma_wait3A_721 = arith.constant 5 : i32
        %dma_wait3A_722 = arith.constant 0 : i32
        %dma_wait3A_723 = arith.constant 0 : i32
        %dma_wait3A_724 = tpu.memref_slice %arg6[%dma_wait3A_720, %dma_wait3A_722, %dma_wait3A_723] : memref<3x120x128xf32, #tpu.memory_space<vmem>> -> memref<1x120x128xf32, #tpu.memory_space<vmem>>
        %dma_wait3A_725 = tpu.memref_squeeze %dma_wait3A_724 : memref<1x120x128xf32, #tpu.memory_space<vmem>> -> memref<120x128xf32, #tpu.memory_space<vmem>>
        %dma_wait3A_726 = arith.constant 0 : i32
        %dma_wait3A_727 = tpu.memref_slice %arg5[%dma_wait3A_721, %dma_wait3A_726] : memref<8x120xi32, #tpu.memory_space<vmem>> -> memref<1x120xi32, #tpu.memory_space<vmem>>
        %dma_wait3A_728 = tpu.memref_squeeze %dma_wait3A_727 : memref<1x120xi32, #tpu.memory_space<vmem>> -> memref<120xi32, #tpu.memory_space<vmem>>
        %dma_wait3A_729 = arith.constant 0 : i32
        %dma_wait3A_730 = arith.constant 0 : i32
        %dma_wait3A_731 = tpu.memref_slice %arg7[%dma_wait3A_729, %dma_wait3A_730] : memref<10112x128xf32, #tpu.memory_space<vmem_shared>> -> memref<10112x128xf32, #tpu.memory_space<vmem_shared>>
        tpu.wait_indirect_dma semaphore(%arg13 : memref<!tpu.dma_semaphore, #tpu.memory_space<semaphore_mem>>) src(%dma_wait3A_725 : memref<120x128xf32, #tpu.memory_space<vmem>>) dst(%dma_wait3A_731 : memref<10112x128xf32, #tpu.memory_space<vmem_shared>>)
      } else {
      }
      %add3A_328 = arith.constant 3 : i32
      %add3A_329 = arith.addi %add3A_298, %add3A_328 : i32
      %lt3A_330 = arith.constant 84 : i32
      %lt3A_331 = arith.cmpi slt, %add3A_329, %lt3A_330 : i32
      %convert_element_type3A_332 = arith.extui %lt3A_331 : i1 to i32
      %cond3A_333 = arith.constant 0 : i32
      %cond3A_334 = arith.cmpi ne, %convert_element_type3A_332, %cond3A_333 : i32
      scf.if %cond3A_334 {
        %add3A_720 = arith.constant 3 : i32
        %add3A_721 = arith.addi %add3A_298, %add3A_720 : i32
        %dma_start3A_722 = arith.constant 4 : i32
        %dma_start3A_723 = arith.constant 0 : i32
        %dma_start3A_724 = tpu.memref_slice %arg5[%dma_start3A_722, %dma_start3A_723] : memref<8x120xi32, #tpu.memory_space<vmem>> -> memref<2x120xi32, #tpu.memory_space<vmem>>
        %dma_start3A_725 = arith.constant 0 : i32
        %dma_start3A_726 = arith.constant 0 : i32
        %dma_start3A_727 = tpu.memref_slice %arg3[%add3A, %add3A_721, %dma_start3A_725, %dma_start3A_726] : memref<32x84x2x120xi32, #tpu.memory_space<hbm>> -> memref<1x1x2x120xi32, #tpu.memory_space<hbm>>
        %dma_start3A_728 = tpu.memref_squeeze %dma_start3A_727 : memref<1x1x2x120xi32, #tpu.memory_space<hbm>> -> memref<2x120xi32, #tpu.memory_space<hbm>>
        %dma_start3A_729 = arith.constant 4 : i32
        %dma_start3A_730 = arith.constant 0 : i32
        %dma_start3A_731 = tpu.memref_slice %arg5[%dma_start3A_729, %dma_start3A_730] : memref<8x120xi32, #tpu.memory_space<vmem>> -> memref<2x120xi32, #tpu.memory_space<vmem>>
        %dma_start3A_732 = arith.constant 0 : i32
        %dma_start3A_733 = arith.constant 0 : i32
        %dma_start3A_734 = tpu.memref_slice %arg3[%add3A, %add3A_721, %dma_start3A_732, %dma_start3A_733] : memref<32x84x2x120xi32, #tpu.memory_space<hbm>> -> memref<1x1x2x120xi32, #tpu.memory_space<hbm>>
        %dma_start3A_735 = tpu.memref_squeeze %dma_start3A_734 : memref<1x1x2x120xi32, #tpu.memory_space<hbm>> -> memref<2x120xi32, #tpu.memory_space<hbm>>
        tpu.enqueue_dma source(%dma_start3A_735 : memref<2x120xi32, #tpu.memory_space<hbm>>) target(%dma_start3A_731 : memref<2x120xi32, #tpu.memory_space<vmem>>) target_semaphore(%arg16 : memref<!tpu.dma_semaphore, #tpu.memory_space<semaphore_mem>>)
      } else {
      }
      %add3A_335 = arith.constant 3 : i32
      %add3A_336 = arith.addi %add3A_298, %add3A_335 : i32
      %sub3A_337 = arith.constant 1 : i32
      %sub3A_338 = arith.subi %add3A_336, %sub3A_337 : i32
      %lt3A_339 = arith.constant 84 : i32
      %lt3A_340 = arith.cmpi slt, %sub3A_338, %lt3A_339 : i32
      %convert_element_type3A_341 = arith.extui %lt3A_340 : i1 to i32
      %cond3A_342 = arith.constant 0 : i32
      %cond3A_343 = arith.cmpi ne, %convert_element_type3A_341, %cond3A_342 : i32
      scf.if %cond3A_343 {
        %dma_wait3A_720 = arith.constant 0 : i32
        %dma_wait3A_721 = arith.constant 2 : i32
        %dma_wait3A_722 = arith.constant 0 : i32
        %dma_wait3A_723 = tpu.memref_slice %arg5[%dma_wait3A_721, %dma_wait3A_722] : memref<8x120xi32, #tpu.memory_space<vmem>> -> memref<2x120xi32, #tpu.memory_space<vmem>>
        %dma_wait3A_724 = arith.constant 0 : i32
        %dma_wait3A_725 = arith.constant 0 : i32
        %dma_wait3A_726 = tpu.memref_slice %arg3[%add3A, %dma_wait3A_720, %dma_wait3A_724, %dma_wait3A_725] : memref<32x84x2x120xi32, #tpu.memory_space<hbm>> -> memref<1x1x2x120xi32, #tpu.memory_space<hbm>>
        %dma_wait3A_727 = tpu.memref_squeeze %dma_wait3A_726 : memref<1x1x2x120xi32, #tpu.memory_space<hbm>> -> memref<2x120xi32, #tpu.memory_space<hbm>>
        %dma_wait3A_728 = arith.constant 2 : i32
        %dma_wait3A_729 = arith.constant 0 : i32
        %dma_wait3A_730 = tpu.memref_slice %arg5[%dma_wait3A_728, %dma_wait3A_729] : memref<8x120xi32, #tpu.memory_space<vmem>> -> memref<2x120xi32, #tpu.memory_space<vmem>>
        %dma_wait3A_731 = arith.constant 0 : i32
        %dma_wait3A_732 = arith.constant 0 : i32
        %dma_wait3A_733 = tpu.memref_slice %arg3[%add3A, %dma_wait3A_720, %dma_wait3A_731, %dma_wait3A_732] : memref<32x84x2x120xi32, #tpu.memory_space<hbm>> -> memref<1x1x2x120xi32, #tpu.memory_space<hbm>>
        %dma_wait3A_734 = tpu.memref_squeeze %dma_wait3A_733 : memref<1x1x2x120xi32, #tpu.memory_space<hbm>> -> memref<2x120xi32, #tpu.memory_space<hbm>>
        tpu.wait_dma2 semaphore(%arg15 : memref<!tpu.dma_semaphore, #tpu.memory_space<semaphore_mem>>) src(%dma_wait3A_734 : memref<2x120xi32, #tpu.memory_space<hbm>>) dst(%dma_wait3A_730 : memref<2x120xi32, #tpu.memory_space<vmem>>)
        %dma_start3A_735 = arith.constant 2 : i32
        %dma_start3A_736 = arith.constant 2 : i32
        %dma_start3A_737 = arith.constant 0 : i32
        %dma_start3A_738 = arith.constant 0 : i32
        %dma_start3A_739 = tpu.memref_slice %arg6[%dma_start3A_736, %dma_start3A_737, %dma_start3A_738] : memref<3x120x128xf32, #tpu.memory_space<vmem>> -> memref<1x120x128xf32, #tpu.memory_space<vmem>>
        %dma_start3A_740 = tpu.memref_squeeze %dma_start3A_739 : memref<1x120x128xf32, #tpu.memory_space<vmem>> -> memref<120x128xf32, #tpu.memory_space<vmem>>
        %dma_start3A_741 = arith.constant 0 : i32
        %dma_start3A_742 = tpu.memref_slice %arg5[%dma_start3A_735, %dma_start3A_741] : memref<8x120xi32, #tpu.memory_space<vmem>> -> memref<1x120xi32, #tpu.memory_space<vmem>>
        %dma_start3A_743 = tpu.memref_squeeze %dma_start3A_742 : memref<1x120xi32, #tpu.memory_space<vmem>> -> memref<120xi32, #tpu.memory_space<vmem>>
        %dma_start3A_744 = arith.constant 0 : i32
        %dma_start3A_745 = arith.constant 0 : i32
        %dma_start3A_746 = tpu.memref_slice %arg2[%dma_start3A_744, %dma_start3A_745] : memref<10000x128xf32, #tpu.memory_space<hbm>> -> memref<10000x128xf32, #tpu.memory_space<hbm>>
        tpu.enqueue_indirect_dma source(%dma_start3A_746 : memref<10000x128xf32, #tpu.memory_space<hbm>>) target(%dma_start3A_740 : memref<120x128xf32, #tpu.memory_space<vmem>>) offsets(%dma_start3A_743 : memref<120xi32, #tpu.memory_space<vmem>>) semaphore(%arg10 : memref<!tpu.dma_semaphore, #tpu.memory_space<semaphore_mem>>)
      } else {
      }
      %add3A_344 = arith.constant 4 : i32
      %add3A_345 = arith.addi %mul3A_159, %add3A_344 : i32
      %dma_wait3A_346 = arith.constant 0 : i32
      %dma_wait3A_347 = arith.constant 1 : i32
      %dma_wait3A_348 = arith.constant 0 : i32
      %dma_wait3A_349 = arith.constant 0 : i32
      %dma_wait3A_350 = tpu.memref_slice %arg6[%dma_wait3A_347, %dma_wait3A_348, %dma_wait3A_349] : memref<3x120x128xf32, #tpu.memory_space<vmem>> -> memref<1x120x128xf32, #tpu.memory_space<vmem>>
      %dma_wait3A_351 = tpu.memref_squeeze %dma_wait3A_350 : memref<1x120x128xf32, #tpu.memory_space<vmem>> -> memref<120x128xf32, #tpu.memory_space<vmem>>
      %dma_wait3A_352 = arith.constant 0 : i32
      %dma_wait3A_353 = tpu.memref_slice %arg5[%dma_wait3A_346, %dma_wait3A_352] : memref<8x120xi32, #tpu.memory_space<vmem>> -> memref<1x120xi32, #tpu.memory_space<vmem>>
      %dma_wait3A_354 = tpu.memref_squeeze %dma_wait3A_353 : memref<1x120xi32, #tpu.memory_space<vmem>> -> memref<120xi32, #tpu.memory_space<vmem>>
      %dma_wait3A_355 = arith.constant 0 : i32
      %dma_wait3A_356 = arith.constant 0 : i32
      %dma_wait3A_357 = tpu.memref_slice %arg2[%dma_wait3A_355, %dma_wait3A_356] : memref<10000x128xf32, #tpu.memory_space<hbm>> -> memref<10000x128xf32, #tpu.memory_space<hbm>>
      tpu.wait_indirect_dma semaphore(%arg9 : memref<!tpu.dma_semaphore, #tpu.memory_space<semaphore_mem>>) src(%dma_wait3A_357 : memref<10000x128xf32, #tpu.memory_space<hbm>>) dst(%dma_wait3A_351 : memref<120x128xf32, #tpu.memory_space<vmem>>)
      %dma_start3A_358 = arith.constant 1 : i32
      %dma_start3A_359 = arith.constant 1 : i32
      %dma_start3A_360 = arith.constant 0 : i32
      %dma_start3A_361 = arith.constant 0 : i32
      %dma_start3A_362 = tpu.memref_slice %arg6[%dma_start3A_358, %dma_start3A_360, %dma_start3A_361] : memref<3x120x128xf32, #tpu.memory_space<vmem>> -> memref<1x120x128xf32, #tpu.memory_space<vmem>>
      %dma_start3A_363 = tpu.memref_squeeze %dma_start3A_362 : memref<1x120x128xf32, #tpu.memory_space<vmem>> -> memref<120x128xf32, #tpu.memory_space<vmem>>
      %dma_start3A_364 = arith.constant 0 : i32
      %dma_start3A_365 = tpu.memref_slice %arg5[%dma_start3A_359, %dma_start3A_364] : memref<8x120xi32, #tpu.memory_space<vmem>> -> memref<1x120xi32, #tpu.memory_space<vmem>>
      %dma_start3A_366 = tpu.memref_squeeze %dma_start3A_365 : memref<1x120xi32, #tpu.memory_space<vmem>> -> memref<120xi32, #tpu.memory_space<vmem>>
      %dma_start3A_367 = arith.constant 0 : i32
      %dma_start3A_368 = arith.constant 0 : i32
      %dma_start3A_369 = tpu.memref_slice %arg7[%dma_start3A_367, %dma_start3A_368] : memref<10112x128xf32, #tpu.memory_space<vmem_shared>> -> memref<10112x128xf32, #tpu.memory_space<vmem_shared>>
      tpu.enqueue_indirect_dma source(%dma_start3A_363 : memref<120x128xf32, #tpu.memory_space<vmem>>) target(%dma_start3A_369 : memref<10112x128xf32, #tpu.memory_space<vmem_shared>>) offsets(%dma_start3A_366 : memref<120xi32, #tpu.memory_space<vmem>>) semaphore(%arg12 : memref<!tpu.dma_semaphore, #tpu.memory_space<semaphore_mem>>) {add = true}
      %ge3A_370 = arith.constant 1 : i32
      %ge3A_371 = arith.cmpi sge, %add3A_345, %ge3A_370 : i32
      %convert_element_type3A_372 = arith.extui %ge3A_371 : i1 to i32
      %cond3A_373 = arith.constant 0 : i32
      %cond3A_374 = arith.cmpi ne, %convert_element_type3A_372, %cond3A_373 : i32
      scf.if %cond3A_374 {
        %dma_wait3A_720 = arith.constant 0 : i32
        %dma_wait3A_721 = arith.constant 7 : i32
        %dma_wait3A_722 = arith.constant 0 : i32
        %dma_wait3A_723 = arith.constant 0 : i32
        %dma_wait3A_724 = tpu.memref_slice %arg6[%dma_wait3A_720, %dma_wait3A_722, %dma_wait3A_723] : memref<3x120x128xf32, #tpu.memory_space<vmem>> -> memref<1x120x128xf32, #tpu.memory_space<vmem>>
        %dma_wait3A_725 = tpu.memref_squeeze %dma_wait3A_724 : memref<1x120x128xf32, #tpu.memory_space<vmem>> -> memref<120x128xf32, #tpu.memory_space<vmem>>
        %dma_wait3A_726 = arith.constant 0 : i32
        %dma_wait3A_727 = tpu.memref_slice %arg5[%dma_wait3A_721, %dma_wait3A_726] : memref<8x120xi32, #tpu.memory_space<vmem>> -> memref<1x120xi32, #tpu.memory_space<vmem>>
        %dma_wait3A_728 = tpu.memref_squeeze %dma_wait3A_727 : memref<1x120xi32, #tpu.memory_space<vmem>> -> memref<120xi32, #tpu.memory_space<vmem>>
        %dma_wait3A_729 = arith.constant 0 : i32
        %dma_wait3A_730 = arith.constant 0 : i32
        %dma_wait3A_731 = tpu.memref_slice %arg7[%dma_wait3A_729, %dma_wait3A_730] : memref<10112x128xf32, #tpu.memory_space<vmem_shared>> -> memref<10112x128xf32, #tpu.memory_space<vmem_shared>>
        tpu.wait_indirect_dma semaphore(%arg11 : memref<!tpu.dma_semaphore, #tpu.memory_space<semaphore_mem>>) src(%dma_wait3A_725 : memref<120x128xf32, #tpu.memory_space<vmem>>) dst(%dma_wait3A_731 : memref<10112x128xf32, #tpu.memory_space<vmem_shared>>)
      } else {
      }
      %add3A_375 = arith.constant 3 : i32
      %add3A_376 = arith.addi %add3A_345, %add3A_375 : i32
      %lt3A_377 = arith.constant 84 : i32
      %lt3A_378 = arith.cmpi slt, %add3A_376, %lt3A_377 : i32
      %convert_element_type3A_379 = arith.extui %lt3A_378 : i1 to i32
      %cond3A_380 = arith.constant 0 : i32
      %cond3A_381 = arith.cmpi ne, %convert_element_type3A_379, %cond3A_380 : i32
      scf.if %cond3A_381 {
        %add3A_720 = arith.constant 3 : i32
        %add3A_721 = arith.addi %add3A_345, %add3A_720 : i32
        %dma_start3A_722 = arith.constant 6 : i32
        %dma_start3A_723 = arith.constant 0 : i32
        %dma_start3A_724 = tpu.memref_slice %arg5[%dma_start3A_722, %dma_start3A_723] : memref<8x120xi32, #tpu.memory_space<vmem>> -> memref<2x120xi32, #tpu.memory_space<vmem>>
        %dma_start3A_725 = arith.constant 0 : i32
        %dma_start3A_726 = arith.constant 0 : i32
        %dma_start3A_727 = tpu.memref_slice %arg3[%add3A, %add3A_721, %dma_start3A_725, %dma_start3A_726] : memref<32x84x2x120xi32, #tpu.memory_space<hbm>> -> memref<1x1x2x120xi32, #tpu.memory_space<hbm>>
        %dma_start3A_728 = tpu.memref_squeeze %dma_start3A_727 : memref<1x1x2x120xi32, #tpu.memory_space<hbm>> -> memref<2x120xi32, #tpu.memory_space<hbm>>
        %dma_start3A_729 = arith.constant 6 : i32
        %dma_start3A_730 = arith.constant 0 : i32
        %dma_start3A_731 = tpu.memref_slice %arg5[%dma_start3A_729, %dma_start3A_730] : memref<8x120xi32, #tpu.memory_space<vmem>> -> memref<2x120xi32, #tpu.memory_space<vmem>>
        %dma_start3A_732 = arith.constant 0 : i32
        %dma_start3A_733 = arith.constant 0 : i32
        %dma_start3A_734 = tpu.memref_slice %arg3[%add3A, %add3A_721, %dma_start3A_732, %dma_start3A_733] : memref<32x84x2x120xi32, #tpu.memory_space<hbm>> -> memref<1x1x2x120xi32, #tpu.memory_space<hbm>>
        %dma_start3A_735 = tpu.memref_squeeze %dma_start3A_734 : memref<1x1x2x120xi32, #tpu.memory_space<hbm>> -> memref<2x120xi32, #tpu.memory_space<hbm>>
        tpu.enqueue_dma source(%dma_start3A_735 : memref<2x120xi32, #tpu.memory_space<hbm>>) target(%dma_start3A_731 : memref<2x120xi32, #tpu.memory_space<vmem>>) target_semaphore(%arg17 : memref<!tpu.dma_semaphore, #tpu.memory_space<semaphore_mem>>)
      } else {
      }
      %add3A_382 = arith.constant 3 : i32
      %add3A_383 = arith.addi %add3A_345, %add3A_382 : i32
      %sub3A_384 = arith.constant 1 : i32
      %sub3A_385 = arith.subi %add3A_383, %sub3A_384 : i32
      %lt3A_386 = arith.constant 84 : i32
      %lt3A_387 = arith.cmpi slt, %sub3A_385, %lt3A_386 : i32
      %convert_element_type3A_388 = arith.extui %lt3A_387 : i1 to i32
      %cond3A_389 = arith.constant 0 : i32
      %cond3A_390 = arith.cmpi ne, %convert_element_type3A_388, %cond3A_389 : i32
      scf.if %cond3A_390 {
        %dma_wait3A_720 = arith.constant 0 : i32
        %dma_wait3A_721 = arith.constant 4 : i32
        %dma_wait3A_722 = arith.constant 0 : i32
        %dma_wait3A_723 = tpu.memref_slice %arg5[%dma_wait3A_721, %dma_wait3A_722] : memref<8x120xi32, #tpu.memory_space<vmem>> -> memref<2x120xi32, #tpu.memory_space<vmem>>
        %dma_wait3A_724 = arith.constant 0 : i32
        %dma_wait3A_725 = arith.constant 0 : i32
        %dma_wait3A_726 = tpu.memref_slice %arg3[%add3A, %dma_wait3A_720, %dma_wait3A_724, %dma_wait3A_725] : memref<32x84x2x120xi32, #tpu.memory_space<hbm>> -> memref<1x1x2x120xi32, #tpu.memory_space<hbm>>
        %dma_wait3A_727 = tpu.memref_squeeze %dma_wait3A_726 : memref<1x1x2x120xi32, #tpu.memory_space<hbm>> -> memref<2x120xi32, #tpu.memory_space<hbm>>
        %dma_wait3A_728 = arith.constant 4 : i32
        %dma_wait3A_729 = arith.constant 0 : i32
        %dma_wait3A_730 = tpu.memref_slice %arg5[%dma_wait3A_728, %dma_wait3A_729] : memref<8x120xi32, #tpu.memory_space<vmem>> -> memref<2x120xi32, #tpu.memory_space<vmem>>
        %dma_wait3A_731 = arith.constant 0 : i32
        %dma_wait3A_732 = arith.constant 0 : i32
        %dma_wait3A_733 = tpu.memref_slice %arg3[%add3A, %dma_wait3A_720, %dma_wait3A_731, %dma_wait3A_732] : memref<32x84x2x120xi32, #tpu.memory_space<hbm>> -> memref<1x1x2x120xi32, #tpu.memory_space<hbm>>
        %dma_wait3A_734 = tpu.memref_squeeze %dma_wait3A_733 : memref<1x1x2x120xi32, #tpu.memory_space<hbm>> -> memref<2x120xi32, #tpu.memory_space<hbm>>
        tpu.wait_dma2 semaphore(%arg16 : memref<!tpu.dma_semaphore, #tpu.memory_space<semaphore_mem>>) src(%dma_wait3A_734 : memref<2x120xi32, #tpu.memory_space<hbm>>) dst(%dma_wait3A_730 : memref<2x120xi32, #tpu.memory_space<vmem>>)
        %dma_start3A_735 = arith.constant 4 : i32
        %dma_start3A_736 = arith.constant 0 : i32
        %dma_start3A_737 = arith.constant 0 : i32
        %dma_start3A_738 = arith.constant 0 : i32
        %dma_start3A_739 = tpu.memref_slice %arg6[%dma_start3A_736, %dma_start3A_737, %dma_start3A_738] : memref<3x120x128xf32, #tpu.memory_space<vmem>> -> memref<1x120x128xf32, #tpu.memory_space<vmem>>
        %dma_start3A_740 = tpu.memref_squeeze %dma_start3A_739 : memref<1x120x128xf32, #tpu.memory_space<vmem>> -> memref<120x128xf32, #tpu.memory_space<vmem>>
        %dma_start3A_741 = arith.constant 0 : i32
        %dma_start3A_742 = tpu.memref_slice %arg5[%dma_start3A_735, %dma_start3A_741] : memref<8x120xi32, #tpu.memory_space<vmem>> -> memref<1x120xi32, #tpu.memory_space<vmem>>
        %dma_start3A_743 = tpu.memref_squeeze %dma_start3A_742 : memref<1x120xi32, #tpu.memory_space<vmem>> -> memref<120xi32, #tpu.memory_space<vmem>>
        %dma_start3A_744 = arith.constant 0 : i32
        %dma_start3A_745 = arith.constant 0 : i32
        %dma_start3A_746 = tpu.memref_slice %arg2[%dma_start3A_744, %dma_start3A_745] : memref<10000x128xf32, #tpu.memory_space<hbm>> -> memref<10000x128xf32, #tpu.memory_space<hbm>>
        tpu.enqueue_indirect_dma source(%dma_start3A_746 : memref<10000x128xf32, #tpu.memory_space<hbm>>) target(%dma_start3A_740 : memref<120x128xf32, #tpu.memory_space<vmem>>) offsets(%dma_start3A_743 : memref<120xi32, #tpu.memory_space<vmem>>) semaphore(%arg8 : memref<!tpu.dma_semaphore, #tpu.memory_space<semaphore_mem>>)
      } else {
      }
      %add3A_391 = arith.constant 5 : i32
      %add3A_392 = arith.addi %mul3A_159, %add3A_391 : i32
      %dma_wait3A_393 = arith.constant 2 : i32
      %dma_wait3A_394 = arith.constant 2 : i32
      %dma_wait3A_395 = arith.constant 0 : i32
      %dma_wait3A_396 = arith.constant 0 : i32
      %dma_wait3A_397 = tpu.memref_slice %arg6[%dma_wait3A_394, %dma_wait3A_395, %dma_wait3A_396] : memref<3x120x128xf32, #tpu.memory_space<vmem>> -> memref<1x120x128xf32, #tpu.memory_space<vmem>>
      %dma_wait3A_398 = tpu.memref_squeeze %dma_wait3A_397 : memref<1x120x128xf32, #tpu.memory_space<vmem>> -> memref<120x128xf32, #tpu.memory_space<vmem>>
      %dma_wait3A_399 = arith.constant 0 : i32
      %dma_wait3A_400 = tpu.memref_slice %arg5[%dma_wait3A_393, %dma_wait3A_399] : memref<8x120xi32, #tpu.memory_space<vmem>> -> memref<1x120xi32, #tpu.memory_space<vmem>>
      %dma_wait3A_401 = tpu.memref_squeeze %dma_wait3A_400 : memref<1x120xi32, #tpu.memory_space<vmem>> -> memref<120xi32, #tpu.memory_space<vmem>>
      %dma_wait3A_402 = arith.constant 0 : i32
      %dma_wait3A_403 = arith.constant 0 : i32
      %dma_wait3A_404 = tpu.memref_slice %arg2[%dma_wait3A_402, %dma_wait3A_403] : memref<10000x128xf32, #tpu.memory_space<hbm>> -> memref<10000x128xf32, #tpu.memory_space<hbm>>
      tpu.wait_indirect_dma semaphore(%arg10 : memref<!tpu.dma_semaphore, #tpu.memory_space<semaphore_mem>>) src(%dma_wait3A_404 : memref<10000x128xf32, #tpu.memory_space<hbm>>) dst(%dma_wait3A_398 : memref<120x128xf32, #tpu.memory_space<vmem>>)
      %dma_start3A_405 = arith.constant 2 : i32
      %dma_start3A_406 = arith.constant 3 : i32
      %dma_start3A_407 = arith.constant 0 : i32
      %dma_start3A_408 = arith.constant 0 : i32
      %dma_start3A_409 = tpu.memref_slice %arg6[%dma_start3A_405, %dma_start3A_407, %dma_start3A_408] : memref<3x120x128xf32, #tpu.memory_space<vmem>> -> memref<1x120x128xf32, #tpu.memory_space<vmem>>
      %dma_start3A_410 = tpu.memref_squeeze %dma_start3A_409 : memref<1x120x128xf32, #tpu.memory_space<vmem>> -> memref<120x128xf32, #tpu.memory_space<vmem>>
      %dma_start3A_411 = arith.constant 0 : i32
      %dma_start3A_412 = tpu.memref_slice %arg5[%dma_start3A_406, %dma_start3A_411] : memref<8x120xi32, #tpu.memory_space<vmem>> -> memref<1x120xi32, #tpu.memory_space<vmem>>
      %dma_start3A_413 = tpu.memref_squeeze %dma_start3A_412 : memref<1x120xi32, #tpu.memory_space<vmem>> -> memref<120xi32, #tpu.memory_space<vmem>>
      %dma_start3A_414 = arith.constant 0 : i32
      %dma_start3A_415 = arith.constant 0 : i32
      %dma_start3A_416 = tpu.memref_slice %arg7[%dma_start3A_414, %dma_start3A_415] : memref<10112x128xf32, #tpu.memory_space<vmem_shared>> -> memref<10112x128xf32, #tpu.memory_space<vmem_shared>>
      tpu.enqueue_indirect_dma source(%dma_start3A_410 : memref<120x128xf32, #tpu.memory_space<vmem>>) target(%dma_start3A_416 : memref<10112x128xf32, #tpu.memory_space<vmem_shared>>) offsets(%dma_start3A_413 : memref<120xi32, #tpu.memory_space<vmem>>) semaphore(%arg13 : memref<!tpu.dma_semaphore, #tpu.memory_space<semaphore_mem>>) {add = true}
      %ge3A_417 = arith.constant 1 : i32
      %ge3A_418 = arith.cmpi sge, %add3A_392, %ge3A_417 : i32
      %convert_element_type3A_419 = arith.extui %ge3A_418 : i1 to i32
      %cond3A_420 = arith.constant 0 : i32
      %cond3A_421 = arith.cmpi ne, %convert_element_type3A_419, %cond3A_420 : i32
      scf.if %cond3A_421 {
        %dma_wait3A_720 = arith.constant 1 : i32
        %dma_wait3A_721 = arith.constant 1 : i32
        %dma_wait3A_722 = arith.constant 0 : i32
        %dma_wait3A_723 = arith.constant 0 : i32
        %dma_wait3A_724 = tpu.memref_slice %arg6[%dma_wait3A_720, %dma_wait3A_722, %dma_wait3A_723] : memref<3x120x128xf32, #tpu.memory_space<vmem>> -> memref<1x120x128xf32, #tpu.memory_space<vmem>>
        %dma_wait3A_725 = tpu.memref_squeeze %dma_wait3A_724 : memref<1x120x128xf32, #tpu.memory_space<vmem>> -> memref<120x128xf32, #tpu.memory_space<vmem>>
        %dma_wait3A_726 = arith.constant 0 : i32
        %dma_wait3A_727 = tpu.memref_slice %arg5[%dma_wait3A_721, %dma_wait3A_726] : memref<8x120xi32, #tpu.memory_space<vmem>> -> memref<1x120xi32, #tpu.memory_space<vmem>>
        %dma_wait3A_728 = tpu.memref_squeeze %dma_wait3A_727 : memref<1x120xi32, #tpu.memory_space<vmem>> -> memref<120xi32, #tpu.memory_space<vmem>>
        %dma_wait3A_729 = arith.constant 0 : i32
        %dma_wait3A_730 = arith.constant 0 : i32
        %dma_wait3A_731 = tpu.memref_slice %arg7[%dma_wait3A_729, %dma_wait3A_730] : memref<10112x128xf32, #tpu.memory_space<vmem_shared>> -> memref<10112x128xf32, #tpu.memory_space<vmem_shared>>
        tpu.wait_indirect_dma semaphore(%arg12 : memref<!tpu.dma_semaphore, #tpu.memory_space<semaphore_mem>>) src(%dma_wait3A_725 : memref<120x128xf32, #tpu.memory_space<vmem>>) dst(%dma_wait3A_731 : memref<10112x128xf32, #tpu.memory_space<vmem_shared>>)
      } else {
      }
      %add3A_422 = arith.constant 3 : i32
      %add3A_423 = arith.addi %add3A_392, %add3A_422 : i32
      %lt3A_424 = arith.constant 84 : i32
      %lt3A_425 = arith.cmpi slt, %add3A_423, %lt3A_424 : i32
      %convert_element_type3A_426 = arith.extui %lt3A_425 : i1 to i32
      %cond3A_427 = arith.constant 0 : i32
      %cond3A_428 = arith.cmpi ne, %convert_element_type3A_426, %cond3A_427 : i32
      scf.if %cond3A_428 {
        %add3A_720 = arith.constant 3 : i32
        %add3A_721 = arith.addi %add3A_392, %add3A_720 : i32
        %dma_start3A_722 = arith.constant 0 : i32
        %dma_start3A_723 = arith.constant 0 : i32
        %dma_start3A_724 = tpu.memref_slice %arg5[%dma_start3A_722, %dma_start3A_723] : memref<8x120xi32, #tpu.memory_space<vmem>> -> memref<2x120xi32, #tpu.memory_space<vmem>>
        %dma_start3A_725 = arith.constant 0 : i32
        %dma_start3A_726 = arith.constant 0 : i32
        %dma_start3A_727 = tpu.memref_slice %arg3[%add3A, %add3A_721, %dma_start3A_725, %dma_start3A_726] : memref<32x84x2x120xi32, #tpu.memory_space<hbm>> -> memref<1x1x2x120xi32, #tpu.memory_space<hbm>>
        %dma_start3A_728 = tpu.memref_squeeze %dma_start3A_727 : memref<1x1x2x120xi32, #tpu.memory_space<hbm>> -> memref<2x120xi32, #tpu.memory_space<hbm>>
        %dma_start3A_729 = arith.constant 0 : i32
        %dma_start3A_730 = arith.constant 0 : i32
        %dma_start3A_731 = tpu.memref_slice %arg5[%dma_start3A_729, %dma_start3A_730] : memref<8x120xi32, #tpu.memory_space<vmem>> -> memref<2x120xi32, #tpu.memory_space<vmem>>
        %dma_start3A_732 = arith.constant 0 : i32
        %dma_start3A_733 = arith.constant 0 : i32
        %dma_start3A_734 = tpu.memref_slice %arg3[%add3A, %add3A_721, %dma_start3A_732, %dma_start3A_733] : memref<32x84x2x120xi32, #tpu.memory_space<hbm>> -> memref<1x1x2x120xi32, #tpu.memory_space<hbm>>
        %dma_start3A_735 = tpu.memref_squeeze %dma_start3A_734 : memref<1x1x2x120xi32, #tpu.memory_space<hbm>> -> memref<2x120xi32, #tpu.memory_space<hbm>>
        tpu.enqueue_dma source(%dma_start3A_735 : memref<2x120xi32, #tpu.memory_space<hbm>>) target(%dma_start3A_731 : memref<2x120xi32, #tpu.memory_space<vmem>>) target_semaphore(%arg14 : memref<!tpu.dma_semaphore, #tpu.memory_space<semaphore_mem>>)
      } else {
      }
      %add3A_429 = arith.constant 3 : i32
      %add3A_430 = arith.addi %add3A_392, %add3A_429 : i32
      %sub3A_431 = arith.constant 1 : i32
      %sub3A_432 = arith.subi %add3A_430, %sub3A_431 : i32
      %lt3A_433 = arith.constant 84 : i32
      %lt3A_434 = arith.cmpi slt, %sub3A_432, %lt3A_433 : i32
      %convert_element_type3A_435 = arith.extui %lt3A_434 : i1 to i32
      %cond3A_436 = arith.constant 0 : i32
      %cond3A_437 = arith.cmpi ne, %convert_element_type3A_435, %cond3A_436 : i32
      scf.if %cond3A_437 {
        %dma_wait3A_720 = arith.constant 0 : i32
        %dma_wait3A_721 = arith.constant 6 : i32
        %dma_wait3A_722 = arith.constant 0 : i32
        %dma_wait3A_723 = tpu.memref_slice %arg5[%dma_wait3A_721, %dma_wait3A_722] : memref<8x120xi32, #tpu.memory_space<vmem>> -> memref<2x120xi32, #tpu.memory_space<vmem>>
        %dma_wait3A_724 = arith.constant 0 : i32
        %dma_wait3A_725 = arith.constant 0 : i32
        %dma_wait3A_726 = tpu.memref_slice %arg3[%add3A, %dma_wait3A_720, %dma_wait3A_724, %dma_wait3A_725] : memref<32x84x2x120xi32, #tpu.memory_space<hbm>> -> memref<1x1x2x120xi32, #tpu.memory_space<hbm>>
        %dma_wait3A_727 = tpu.memref_squeeze %dma_wait3A_726 : memref<1x1x2x120xi32, #tpu.memory_space<hbm>> -> memref<2x120xi32, #tpu.memory_space<hbm>>
        %dma_wait3A_728 = arith.constant 6 : i32
        %dma_wait3A_729 = arith.constant 0 : i32
        %dma_wait3A_730 = tpu.memref_slice %arg5[%dma_wait3A_728, %dma_wait3A_729] : memref<8x120xi32, #tpu.memory_space<vmem>> -> memref<2x120xi32, #tpu.memory_space<vmem>>
        %dma_wait3A_731 = arith.constant 0 : i32
        %dma_wait3A_732 = arith.constant 0 : i32
        %dma_wait3A_733 = tpu.memref_slice %arg3[%add3A, %dma_wait3A_720, %dma_wait3A_731, %dma_wait3A_732] : memref<32x84x2x120xi32, #tpu.memory_space<hbm>> -> memref<1x1x2x120xi32, #tpu.memory_space<hbm>>
        %dma_wait3A_734 = tpu.memref_squeeze %dma_wait3A_733 : memref<1x1x2x120xi32, #tpu.memory_space<hbm>> -> memref<2x120xi32, #tpu.memory_space<hbm>>
        tpu.wait_dma2 semaphore(%arg17 : memref<!tpu.dma_semaphore, #tpu.memory_space<semaphore_mem>>) src(%dma_wait3A_734 : memref<2x120xi32, #tpu.memory_space<hbm>>) dst(%dma_wait3A_730 : memref<2x120xi32, #tpu.memory_space<vmem>>)
        %dma_start3A_735 = arith.constant 6 : i32
        %dma_start3A_736 = arith.constant 1 : i32
        %dma_start3A_737 = arith.constant 0 : i32
        %dma_start3A_738 = arith.constant 0 : i32
        %dma_start3A_739 = tpu.memref_slice %arg6[%dma_start3A_736, %dma_start3A_737, %dma_start3A_738] : memref<3x120x128xf32, #tpu.memory_space<vmem>> -> memref<1x120x128xf32, #tpu.memory_space<vmem>>
        %dma_start3A_740 = tpu.memref_squeeze %dma_start3A_739 : memref<1x120x128xf32, #tpu.memory_space<vmem>> -> memref<120x128xf32, #tpu.memory_space<vmem>>
        %dma_start3A_741 = arith.constant 0 : i32
        %dma_start3A_742 = tpu.memref_slice %arg5[%dma_start3A_735, %dma_start3A_741] : memref<8x120xi32, #tpu.memory_space<vmem>> -> memref<1x120xi32, #tpu.memory_space<vmem>>
        %dma_start3A_743 = tpu.memref_squeeze %dma_start3A_742 : memref<1x120xi32, #tpu.memory_space<vmem>> -> memref<120xi32, #tpu.memory_space<vmem>>
        %dma_start3A_744 = arith.constant 0 : i32
        %dma_start3A_745 = arith.constant 0 : i32
        %dma_start3A_746 = tpu.memref_slice %arg2[%dma_start3A_744, %dma_start3A_745] : memref<10000x128xf32, #tpu.memory_space<hbm>> -> memref<10000x128xf32, #tpu.memory_space<hbm>>
        tpu.enqueue_indirect_dma source(%dma_start3A_746 : memref<10000x128xf32, #tpu.memory_space<hbm>>) target(%dma_start3A_740 : memref<120x128xf32, #tpu.memory_space<vmem>>) offsets(%dma_start3A_743 : memref<120xi32, #tpu.memory_space<vmem>>) semaphore(%arg9 : memref<!tpu.dma_semaphore, #tpu.memory_space<semaphore_mem>>)
      } else {
      }
      %add3A_438 = arith.constant 6 : i32
      %add3A_439 = arith.addi %mul3A_159, %add3A_438 : i32
      %dma_wait3A_440 = arith.constant 4 : i32
      %dma_wait3A_441 = arith.constant 0 : i32
      %dma_wait3A_442 = arith.constant 0 : i32
      %dma_wait3A_443 = arith.constant 0 : i32
      %dma_wait3A_444 = tpu.memref_slice %arg6[%dma_wait3A_441, %dma_wait3A_442, %dma_wait3A_443] : memref<3x120x128xf32, #tpu.memory_space<vmem>> -> memref<1x120x128xf32, #tpu.memory_space<vmem>>
      %dma_wait3A_445 = tpu.memref_squeeze %dma_wait3A_444 : memref<1x120x128xf32, #tpu.memory_space<vmem>> -> memref<120x128xf32, #tpu.memory_space<vmem>>
      %dma_wait3A_446 = arith.constant 0 : i32
      %dma_wait3A_447 = tpu.memref_slice %arg5[%dma_wait3A_440, %dma_wait3A_446] : memref<8x120xi32, #tpu.memory_space<vmem>> -> memref<1x120xi32, #tpu.memory_space<vmem>>
      %dma_wait3A_448 = tpu.memref_squeeze %dma_wait3A_447 : memref<1x120xi32, #tpu.memory_space<vmem>> -> memref<120xi32, #tpu.memory_space<vmem>>
      %dma_wait3A_449 = arith.constant 0 : i32
      %dma_wait3A_450 = arith.constant 0 : i32
      %dma_wait3A_451 = tpu.memref_slice %arg2[%dma_wait3A_449, %dma_wait3A_450] : memref<10000x128xf32, #tpu.memory_space<hbm>> -> memref<10000x128xf32, #tpu.memory_space<hbm>>
      tpu.wait_indirect_dma semaphore(%arg8 : memref<!tpu.dma_semaphore, #tpu.memory_space<semaphore_mem>>) src(%dma_wait3A_451 : memref<10000x128xf32, #tpu.memory_space<hbm>>) dst(%dma_wait3A_445 : memref<120x128xf32, #tpu.memory_space<vmem>>)
      %dma_start3A_452 = arith.constant 0 : i32
      %dma_start3A_453 = arith.constant 5 : i32
      %dma_start3A_454 = arith.constant 0 : i32
      %dma_start3A_455 = arith.constant 0 : i32
      %dma_start3A_456 = tpu.memref_slice %arg6[%dma_start3A_452, %dma_start3A_454, %dma_start3A_455] : memref<3x120x128xf32, #tpu.memory_space<vmem>> -> memref<1x120x128xf32, #tpu.memory_space<vmem>>
      %dma_start3A_457 = tpu.memref_squeeze %dma_start3A_456 : memref<1x120x128xf32, #tpu.memory_space<vmem>> -> memref<120x128xf32, #tpu.memory_space<vmem>>
      %dma_start3A_458 = arith.constant 0 : i32
      %dma_start3A_459 = tpu.memref_slice %arg5[%dma_start3A_453, %dma_start3A_458] : memref<8x120xi32, #tpu.memory_space<vmem>> -> memref<1x120xi32, #tpu.memory_space<vmem>>
      %dma_start3A_460 = tpu.memref_squeeze %dma_start3A_459 : memref<1x120xi32, #tpu.memory_space<vmem>> -> memref<120xi32, #tpu.memory_space<vmem>>
      %dma_start3A_461 = arith.constant 0 : i32
      %dma_start3A_462 = arith.constant 0 : i32
      %dma_start3A_463 = tpu.memref_slice %arg7[%dma_start3A_461, %dma_start3A_462] : memref<10112x128xf32, #tpu.memory_space<vmem_shared>> -> memref<10112x128xf32, #tpu.memory_space<vmem_shared>>
      tpu.enqueue_indirect_dma source(%dma_start3A_457 : memref<120x128xf32, #tpu.memory_space<vmem>>) target(%dma_start3A_463 : memref<10112x128xf32, #tpu.memory_space<vmem_shared>>) offsets(%dma_start3A_460 : memref<120xi32, #tpu.memory_space<vmem>>) semaphore(%arg11 : memref<!tpu.dma_semaphore, #tpu.memory_space<semaphore_mem>>) {add = true}
      %ge3A_464 = arith.constant 1 : i32
      %ge3A_465 = arith.cmpi sge, %add3A_439, %ge3A_464 : i32
      %convert_element_type3A_466 = arith.extui %ge3A_465 : i1 to i32
      %cond3A_467 = arith.constant 0 : i32
      %cond3A_468 = arith.cmpi ne, %convert_element_type3A_466, %cond3A_467 : i32
      scf.if %cond3A_468 {
        %dma_wait3A_720 = arith.constant 2 : i32
        %dma_wait3A_721 = arith.constant 3 : i32
        %dma_wait3A_722 = arith.constant 0 : i32
        %dma_wait3A_723 = arith.constant 0 : i32
        %dma_wait3A_724 = tpu.memref_slice %arg6[%dma_wait3A_720, %dma_wait3A_722, %dma_wait3A_723] : memref<3x120x128xf32, #tpu.memory_space<vmem>> -> memref<1x120x128xf32, #tpu.memory_space<vmem>>
        %dma_wait3A_725 = tpu.memref_squeeze %dma_wait3A_724 : memref<1x120x128xf32, #tpu.memory_space<vmem>> -> memref<120x128xf32, #tpu.memory_space<vmem>>
        %dma_wait3A_726 = arith.constant 0 : i32
        %dma_wait3A_727 = tpu.memref_slice %arg5[%dma_wait3A_721, %dma_wait3A_726] : memref<8x120xi32, #tpu.memory_space<vmem>> -> memref<1x120xi32, #tpu.memory_space<vmem>>
        %dma_wait3A_728 = tpu.memref_squeeze %dma_wait3A_727 : memref<1x120xi32, #tpu.memory_space<vmem>> -> memref<120xi32, #tpu.memory_space<vmem>>
        %dma_wait3A_729 = arith.constant 0 : i32
        %dma_wait3A_730 = arith.constant 0 : i32
        %dma_wait3A_731 = tpu.memref_slice %arg7[%dma_wait3A_729, %dma_wait3A_730] : memref<10112x128xf32, #tpu.memory_space<vmem_shared>> -> memref<10112x128xf32, #tpu.memory_space<vmem_shared>>
        tpu.wait_indirect_dma semaphore(%arg13 : memref<!tpu.dma_semaphore, #tpu.memory_space<semaphore_mem>>) src(%dma_wait3A_725 : memref<120x128xf32, #tpu.memory_space<vmem>>) dst(%dma_wait3A_731 : memref<10112x128xf32, #tpu.memory_space<vmem_shared>>)
      } else {
      }
      %add3A_469 = arith.constant 3 : i32
      %add3A_470 = arith.addi %add3A_439, %add3A_469 : i32
      %lt3A_471 = arith.constant 84 : i32
      %lt3A_472 = arith.cmpi slt, %add3A_470, %lt3A_471 : i32
      %convert_element_type3A_473 = arith.extui %lt3A_472 : i1 to i32
      %cond3A_474 = arith.constant 0 : i32
      %cond3A_475 = arith.cmpi ne, %convert_element_type3A_473, %cond3A_474 : i32
      scf.if %cond3A_475 {
        %add3A_720 = arith.constant 3 : i32
        %add3A_721 = arith.addi %add3A_439, %add3A_720 : i32
        %dma_start3A_722 = arith.constant 2 : i32
        %dma_start3A_723 = arith.constant 0 : i32
        %dma_start3A_724 = tpu.memref_slice %arg5[%dma_start3A_722, %dma_start3A_723] : memref<8x120xi32, #tpu.memory_space<vmem>> -> memref<2x120xi32, #tpu.memory_space<vmem>>
        %dma_start3A_725 = arith.constant 0 : i32
        %dma_start3A_726 = arith.constant 0 : i32
        %dma_start3A_727 = tpu.memref_slice %arg3[%add3A, %add3A_721, %dma_start3A_725, %dma_start3A_726] : memref<32x84x2x120xi32, #tpu.memory_space<hbm>> -> memref<1x1x2x120xi32, #tpu.memory_space<hbm>>
        %dma_start3A_728 = tpu.memref_squeeze %dma_start3A_727 : memref<1x1x2x120xi32, #tpu.memory_space<hbm>> -> memref<2x120xi32, #tpu.memory_space<hbm>>
        %dma_start3A_729 = arith.constant 2 : i32
        %dma_start3A_730 = arith.constant 0 : i32
        %dma_start3A_731 = tpu.memref_slice %arg5[%dma_start3A_729, %dma_start3A_730] : memref<8x120xi32, #tpu.memory_space<vmem>> -> memref<2x120xi32, #tpu.memory_space<vmem>>
        %dma_start3A_732 = arith.constant 0 : i32
        %dma_start3A_733 = arith.constant 0 : i32
        %dma_start3A_734 = tpu.memref_slice %arg3[%add3A, %add3A_721, %dma_start3A_732, %dma_start3A_733] : memref<32x84x2x120xi32, #tpu.memory_space<hbm>> -> memref<1x1x2x120xi32, #tpu.memory_space<hbm>>
        %dma_start3A_735 = tpu.memref_squeeze %dma_start3A_734 : memref<1x1x2x120xi32, #tpu.memory_space<hbm>> -> memref<2x120xi32, #tpu.memory_space<hbm>>
        tpu.enqueue_dma source(%dma_start3A_735 : memref<2x120xi32, #tpu.memory_space<hbm>>) target(%dma_start3A_731 : memref<2x120xi32, #tpu.memory_space<vmem>>) target_semaphore(%arg15 : memref<!tpu.dma_semaphore, #tpu.memory_space<semaphore_mem>>)
      } else {
      }
      %add3A_476 = arith.constant 3 : i32
      %add3A_477 = arith.addi %add3A_439, %add3A_476 : i32
      %sub3A_478 = arith.constant 1 : i32
      %sub3A_479 = arith.subi %add3A_477, %sub3A_478 : i32
      %lt3A_480 = arith.constant 84 : i32
      %lt3A_481 = arith.cmpi slt, %sub3A_479, %lt3A_480 : i32
      %convert_element_type3A_482 = arith.extui %lt3A_481 : i1 to i32
      %cond3A_483 = arith.constant 0 : i32
      %cond3A_484 = arith.cmpi ne, %convert_element_type3A_482, %cond3A_483 : i32
      scf.if %cond3A_484 {
        %dma_wait3A_720 = arith.constant 0 : i32
        %dma_wait3A_721 = arith.constant 0 : i32
        %dma_wait3A_722 = arith.constant 0 : i32
        %dma_wait3A_723 = tpu.memref_slice %arg5[%dma_wait3A_721, %dma_wait3A_722] : memref<8x120xi32, #tpu.memory_space<vmem>> -> memref<2x120xi32, #tpu.memory_space<vmem>>
        %dma_wait3A_724 = arith.constant 0 : i32
        %dma_wait3A_725 = arith.constant 0 : i32
        %dma_wait3A_726 = tpu.memref_slice %arg3[%add3A, %dma_wait3A_720, %dma_wait3A_724, %dma_wait3A_725] : memref<32x84x2x120xi32, #tpu.memory_space<hbm>> -> memref<1x1x2x120xi32, #tpu.memory_space<hbm>>
        %dma_wait3A_727 = tpu.memref_squeeze %dma_wait3A_726 : memref<1x1x2x120xi32, #tpu.memory_space<hbm>> -> memref<2x120xi32, #tpu.memory_space<hbm>>
        %dma_wait3A_728 = arith.constant 0 : i32
        %dma_wait3A_729 = arith.constant 0 : i32
        %dma_wait3A_730 = tpu.memref_slice %arg5[%dma_wait3A_728, %dma_wait3A_729] : memref<8x120xi32, #tpu.memory_space<vmem>> -> memref<2x120xi32, #tpu.memory_space<vmem>>
        %dma_wait3A_731 = arith.constant 0 : i32
        %dma_wait3A_732 = arith.constant 0 : i32
        %dma_wait3A_733 = tpu.memref_slice %arg3[%add3A, %dma_wait3A_720, %dma_wait3A_731, %dma_wait3A_732] : memref<32x84x2x120xi32, #tpu.memory_space<hbm>> -> memref<1x1x2x120xi32, #tpu.memory_space<hbm>>
        %dma_wait3A_734 = tpu.memref_squeeze %dma_wait3A_733 : memref<1x1x2x120xi32, #tpu.memory_space<hbm>> -> memref<2x120xi32, #tpu.memory_space<hbm>>
        tpu.wait_dma2 semaphore(%arg14 : memref<!tpu.dma_semaphore, #tpu.memory_space<semaphore_mem>>) src(%dma_wait3A_734 : memref<2x120xi32, #tpu.memory_space<hbm>>) dst(%dma_wait3A_730 : memref<2x120xi32, #tpu.memory_space<vmem>>)
        %dma_start3A_735 = arith.constant 0 : i32
        %dma_start3A_736 = arith.constant 2 : i32
        %dma_start3A_737 = arith.constant 0 : i32
        %dma_start3A_738 = arith.constant 0 : i32
        %dma_start3A_739 = tpu.memref_slice %arg6[%dma_start3A_736, %dma_start3A_737, %dma_start3A_738] : memref<3x120x128xf32, #tpu.memory_space<vmem>> -> memref<1x120x128xf32, #tpu.memory_space<vmem>>
        %dma_start3A_740 = tpu.memref_squeeze %dma_start3A_739 : memref<1x120x128xf32, #tpu.memory_space<vmem>> -> memref<120x128xf32, #tpu.memory_space<vmem>>
        %dma_start3A_741 = arith.constant 0 : i32
        %dma_start3A_742 = tpu.memref_slice %arg5[%dma_start3A_735, %dma_start3A_741] : memref<8x120xi32, #tpu.memory_space<vmem>> -> memref<1x120xi32, #tpu.memory_space<vmem>>
        %dma_start3A_743 = tpu.memref_squeeze %dma_start3A_742 : memref<1x120xi32, #tpu.memory_space<vmem>> -> memref<120xi32, #tpu.memory_space<vmem>>
        %dma_start3A_744 = arith.constant 0 : i32
        %dma_start3A_745 = arith.constant 0 : i32
        %dma_start3A_746 = tpu.memref_slice %arg2[%dma_start3A_744, %dma_start3A_745] : memref<10000x128xf32, #tpu.memory_space<hbm>> -> memref<10000x128xf32, #tpu.memory_space<hbm>>
        tpu.enqueue_indirect_dma source(%dma_start3A_746 : memref<10000x128xf32, #tpu.memory_space<hbm>>) target(%dma_start3A_740 : memref<120x128xf32, #tpu.memory_space<vmem>>) offsets(%dma_start3A_743 : memref<120xi32, #tpu.memory_space<vmem>>) semaphore(%arg10 : memref<!tpu.dma_semaphore, #tpu.memory_space<semaphore_mem>>)
      } else {
      }
      %add3A_485 = arith.constant 7 : i32
      %add3A_486 = arith.addi %mul3A_159, %add3A_485 : i32
      %dma_wait3A_487 = arith.constant 6 : i32
      %dma_wait3A_488 = arith.constant 1 : i32
      %dma_wait3A_489 = arith.constant 0 : i32
      %dma_wait3A_490 = arith.constant 0 : i32
      %dma_wait3A_491 = tpu.memref_slice %arg6[%dma_wait3A_488, %dma_wait3A_489, %dma_wait3A_490] : memref<3x120x128xf32, #tpu.memory_space<vmem>> -> memref<1x120x128xf32, #tpu.memory_space<vmem>>
      %dma_wait3A_492 = tpu.memref_squeeze %dma_wait3A_491 : memref<1x120x128xf32, #tpu.memory_space<vmem>> -> memref<120x128xf32, #tpu.memory_space<vmem>>
      %dma_wait3A_493 = arith.constant 0 : i32
      %dma_wait3A_494 = tpu.memref_slice %arg5[%dma_wait3A_487, %dma_wait3A_493] : memref<8x120xi32, #tpu.memory_space<vmem>> -> memref<1x120xi32, #tpu.memory_space<vmem>>
      %dma_wait3A_495 = tpu.memref_squeeze %dma_wait3A_494 : memref<1x120xi32, #tpu.memory_space<vmem>> -> memref<120xi32, #tpu.memory_space<vmem>>
      %dma_wait3A_496 = arith.constant 0 : i32
      %dma_wait3A_497 = arith.constant 0 : i32
      %dma_wait3A_498 = tpu.memref_slice %arg2[%dma_wait3A_496, %dma_wait3A_497] : memref<10000x128xf32, #tpu.memory_space<hbm>> -> memref<10000x128xf32, #tpu.memory_space<hbm>>
      tpu.wait_indirect_dma semaphore(%arg9 : memref<!tpu.dma_semaphore, #tpu.memory_space<semaphore_mem>>) src(%dma_wait3A_498 : memref<10000x128xf32, #tpu.memory_space<hbm>>) dst(%dma_wait3A_492 : memref<120x128xf32, #tpu.memory_space<vmem>>)
      %dma_start3A_499 = arith.constant 1 : i32
      %dma_start3A_500 = arith.constant 7 : i32
      %dma_start3A_501 = arith.constant 0 : i32
      %dma_start3A_502 = arith.constant 0 : i32
      %dma_start3A_503 = tpu.memref_slice %arg6[%dma_start3A_499, %dma_start3A_501, %dma_start3A_502] : memref<3x120x128xf32, #tpu.memory_space<vmem>> -> memref<1x120x128xf32, #tpu.memory_space<vmem>>
      %dma_start3A_504 = tpu.memref_squeeze %dma_start3A_503 : memref<1x120x128xf32, #tpu.memory_space<vmem>> -> memref<120x128xf32, #tpu.memory_space<vmem>>
      %dma_start3A_505 = arith.constant 0 : i32
      %dma_start3A_506 = tpu.memref_slice %arg5[%dma_start3A_500, %dma_start3A_505] : memref<8x120xi32, #tpu.memory_space<vmem>> -> memref<1x120xi32, #tpu.memory_space<vmem>>
      %dma_start3A_507 = tpu.memref_squeeze %dma_start3A_506 : memref<1x120xi32, #tpu.memory_space<vmem>> -> memref<120xi32, #tpu.memory_space<vmem>>
      %dma_start3A_508 = arith.constant 0 : i32
      %dma_start3A_509 = arith.constant 0 : i32
      %dma_start3A_510 = tpu.memref_slice %arg7[%dma_start3A_508, %dma_start3A_509] : memref<10112x128xf32, #tpu.memory_space<vmem_shared>> -> memref<10112x128xf32, #tpu.memory_space<vmem_shared>>
      tpu.enqueue_indirect_dma source(%dma_start3A_504 : memref<120x128xf32, #tpu.memory_space<vmem>>) target(%dma_start3A_510 : memref<10112x128xf32, #tpu.memory_space<vmem_shared>>) offsets(%dma_start3A_507 : memref<120xi32, #tpu.memory_space<vmem>>) semaphore(%arg12 : memref<!tpu.dma_semaphore, #tpu.memory_space<semaphore_mem>>) {add = true}
      %ge3A_511 = arith.constant 1 : i32
      %ge3A_512 = arith.cmpi sge, %add3A_486, %ge3A_511 : i32
      %convert_element_type3A_513 = arith.extui %ge3A_512 : i1 to i32
      %cond3A_514 = arith.constant 0 : i32
      %cond3A_515 = arith.cmpi ne, %convert_element_type3A_513, %cond3A_514 : i32
      scf.if %cond3A_515 {
        %dma_wait3A_720 = arith.constant 0 : i32
        %dma_wait3A_721 = arith.constant 5 : i32
        %dma_wait3A_722 = arith.constant 0 : i32
        %dma_wait3A_723 = arith.constant 0 : i32
        %dma_wait3A_724 = tpu.memref_slice %arg6[%dma_wait3A_720, %dma_wait3A_722, %dma_wait3A_723] : memref<3x120x128xf32, #tpu.memory_space<vmem>> -> memref<1x120x128xf32, #tpu.memory_space<vmem>>
        %dma_wait3A_725 = tpu.memref_squeeze %dma_wait3A_724 : memref<1x120x128xf32, #tpu.memory_space<vmem>> -> memref<120x128xf32, #tpu.memory_space<vmem>>
        %dma_wait3A_726 = arith.constant 0 : i32
        %dma_wait3A_727 = tpu.memref_slice %arg5[%dma_wait3A_721, %dma_wait3A_726] : memref<8x120xi32, #tpu.memory_space<vmem>> -> memref<1x120xi32, #tpu.memory_space<vmem>>
        %dma_wait3A_728 = tpu.memref_squeeze %dma_wait3A_727 : memref<1x120xi32, #tpu.memory_space<vmem>> -> memref<120xi32, #tpu.memory_space<vmem>>
        %dma_wait3A_729 = arith.constant 0 : i32
        %dma_wait3A_730 = arith.constant 0 : i32
        %dma_wait3A_731 = tpu.memref_slice %arg7[%dma_wait3A_729, %dma_wait3A_730] : memref<10112x128xf32, #tpu.memory_space<vmem_shared>> -> memref<10112x128xf32, #tpu.memory_space<vmem_shared>>
        tpu.wait_indirect_dma semaphore(%arg11 : memref<!tpu.dma_semaphore, #tpu.memory_space<semaphore_mem>>) src(%dma_wait3A_725 : memref<120x128xf32, #tpu.memory_space<vmem>>) dst(%dma_wait3A_731 : memref<10112x128xf32, #tpu.memory_space<vmem_shared>>)
      } else {
      }
      %add3A_516 = arith.constant 3 : i32
      %add3A_517 = arith.addi %add3A_486, %add3A_516 : i32
      %lt3A_518 = arith.constant 84 : i32
      %lt3A_519 = arith.cmpi slt, %add3A_517, %lt3A_518 : i32
      %convert_element_type3A_520 = arith.extui %lt3A_519 : i1 to i32
      %cond3A_521 = arith.constant 0 : i32
      %cond3A_522 = arith.cmpi ne, %convert_element_type3A_520, %cond3A_521 : i32
      scf.if %cond3A_522 {
        %add3A_720 = arith.constant 3 : i32
        %add3A_721 = arith.addi %add3A_486, %add3A_720 : i32
        %dma_start3A_722 = arith.constant 4 : i32
        %dma_start3A_723 = arith.constant 0 : i32
        %dma_start3A_724 = tpu.memref_slice %arg5[%dma_start3A_722, %dma_start3A_723] : memref<8x120xi32, #tpu.memory_space<vmem>> -> memref<2x120xi32, #tpu.memory_space<vmem>>
        %dma_start3A_725 = arith.constant 0 : i32
        %dma_start3A_726 = arith.constant 0 : i32
        %dma_start3A_727 = tpu.memref_slice %arg3[%add3A, %add3A_721, %dma_start3A_725, %dma_start3A_726] : memref<32x84x2x120xi32, #tpu.memory_space<hbm>> -> memref<1x1x2x120xi32, #tpu.memory_space<hbm>>
        %dma_start3A_728 = tpu.memref_squeeze %dma_start3A_727 : memref<1x1x2x120xi32, #tpu.memory_space<hbm>> -> memref<2x120xi32, #tpu.memory_space<hbm>>
        %dma_start3A_729 = arith.constant 4 : i32
        %dma_start3A_730 = arith.constant 0 : i32
        %dma_start3A_731 = tpu.memref_slice %arg5[%dma_start3A_729, %dma_start3A_730] : memref<8x120xi32, #tpu.memory_space<vmem>> -> memref<2x120xi32, #tpu.memory_space<vmem>>
        %dma_start3A_732 = arith.constant 0 : i32
        %dma_start3A_733 = arith.constant 0 : i32
        %dma_start3A_734 = tpu.memref_slice %arg3[%add3A, %add3A_721, %dma_start3A_732, %dma_start3A_733] : memref<32x84x2x120xi32, #tpu.memory_space<hbm>> -> memref<1x1x2x120xi32, #tpu.memory_space<hbm>>
        %dma_start3A_735 = tpu.memref_squeeze %dma_start3A_734 : memref<1x1x2x120xi32, #tpu.memory_space<hbm>> -> memref<2x120xi32, #tpu.memory_space<hbm>>
        tpu.enqueue_dma source(%dma_start3A_735 : memref<2x120xi32, #tpu.memory_space<hbm>>) target(%dma_start3A_731 : memref<2x120xi32, #tpu.memory_space<vmem>>) target_semaphore(%arg16 : memref<!tpu.dma_semaphore, #tpu.memory_space<semaphore_mem>>)
      } else {
      }
      %add3A_523 = arith.constant 3 : i32
      %add3A_524 = arith.addi %add3A_486, %add3A_523 : i32
      %sub3A_525 = arith.constant 1 : i32
      %sub3A_526 = arith.subi %add3A_524, %sub3A_525 : i32
      %lt3A_527 = arith.constant 84 : i32
      %lt3A_528 = arith.cmpi slt, %sub3A_526, %lt3A_527 : i32
      %convert_element_type3A_529 = arith.extui %lt3A_528 : i1 to i32
      %cond3A_530 = arith.constant 0 : i32
      %cond3A_531 = arith.cmpi ne, %convert_element_type3A_529, %cond3A_530 : i32
      scf.if %cond3A_531 {
        %dma_wait3A_720 = arith.constant 0 : i32
        %dma_wait3A_721 = arith.constant 2 : i32
        %dma_wait3A_722 = arith.constant 0 : i32
        %dma_wait3A_723 = tpu.memref_slice %arg5[%dma_wait3A_721, %dma_wait3A_722] : memref<8x120xi32, #tpu.memory_space<vmem>> -> memref<2x120xi32, #tpu.memory_space<vmem>>
        %dma_wait3A_724 = arith.constant 0 : i32
        %dma_wait3A_725 = arith.constant 0 : i32
        %dma_wait3A_726 = tpu.memref_slice %arg3[%add3A, %dma_wait3A_720, %dma_wait3A_724, %dma_wait3A_725] : memref<32x84x2x120xi32, #tpu.memory_space<hbm>> -> memref<1x1x2x120xi32, #tpu.memory_space<hbm>>
        %dma_wait3A_727 = tpu.memref_squeeze %dma_wait3A_726 : memref<1x1x2x120xi32, #tpu.memory_space<hbm>> -> memref<2x120xi32, #tpu.memory_space<hbm>>
        %dma_wait3A_728 = arith.constant 2 : i32
        %dma_wait3A_729 = arith.constant 0 : i32
        %dma_wait3A_730 = tpu.memref_slice %arg5[%dma_wait3A_728, %dma_wait3A_729] : memref<8x120xi32, #tpu.memory_space<vmem>> -> memref<2x120xi32, #tpu.memory_space<vmem>>
        %dma_wait3A_731 = arith.constant 0 : i32
        %dma_wait3A_732 = arith.constant 0 : i32
        %dma_wait3A_733 = tpu.memref_slice %arg3[%add3A, %dma_wait3A_720, %dma_wait3A_731, %dma_wait3A_732] : memref<32x84x2x120xi32, #tpu.memory_space<hbm>> -> memref<1x1x2x120xi32, #tpu.memory_space<hbm>>
        %dma_wait3A_734 = tpu.memref_squeeze %dma_wait3A_733 : memref<1x1x2x120xi32, #tpu.memory_space<hbm>> -> memref<2x120xi32, #tpu.memory_space<hbm>>
        tpu.wait_dma2 semaphore(%arg15 : memref<!tpu.dma_semaphore, #tpu.memory_space<semaphore_mem>>) src(%dma_wait3A_734 : memref<2x120xi32, #tpu.memory_space<hbm>>) dst(%dma_wait3A_730 : memref<2x120xi32, #tpu.memory_space<vmem>>)
        %dma_start3A_735 = arith.constant 2 : i32
        %dma_start3A_736 = arith.constant 0 : i32
        %dma_start3A_737 = arith.constant 0 : i32
        %dma_start3A_738 = arith.constant 0 : i32
        %dma_start3A_739 = tpu.memref_slice %arg6[%dma_start3A_736, %dma_start3A_737, %dma_start3A_738] : memref<3x120x128xf32, #tpu.memory_space<vmem>> -> memref<1x120x128xf32, #tpu.memory_space<vmem>>
        %dma_start3A_740 = tpu.memref_squeeze %dma_start3A_739 : memref<1x120x128xf32, #tpu.memory_space<vmem>> -> memref<120x128xf32, #tpu.memory_space<vmem>>
        %dma_start3A_741 = arith.constant 0 : i32
        %dma_start3A_742 = tpu.memref_slice %arg5[%dma_start3A_735, %dma_start3A_741] : memref<8x120xi32, #tpu.memory_space<vmem>> -> memref<1x120xi32, #tpu.memory_space<vmem>>
        %dma_start3A_743 = tpu.memref_squeeze %dma_start3A_742 : memref<1x120xi32, #tpu.memory_space<vmem>> -> memref<120xi32, #tpu.memory_space<vmem>>
        %dma_start3A_744 = arith.constant 0 : i32
        %dma_start3A_745 = arith.constant 0 : i32
        %dma_start3A_746 = tpu.memref_slice %arg2[%dma_start3A_744, %dma_start3A_745] : memref<10000x128xf32, #tpu.memory_space<hbm>> -> memref<10000x128xf32, #tpu.memory_space<hbm>>
        tpu.enqueue_indirect_dma source(%dma_start3A_746 : memref<10000x128xf32, #tpu.memory_space<hbm>>) target(%dma_start3A_740 : memref<120x128xf32, #tpu.memory_space<vmem>>) offsets(%dma_start3A_743 : memref<120xi32, #tpu.memory_space<vmem>>) semaphore(%arg8 : memref<!tpu.dma_semaphore, #tpu.memory_space<semaphore_mem>>)
      } else {
      }
      %add3A_532 = arith.constant 8 : i32
      %add3A_533 = arith.addi %mul3A_159, %add3A_532 : i32
      %dma_wait3A_534 = arith.constant 0 : i32
      %dma_wait3A_535 = arith.constant 2 : i32
      %dma_wait3A_536 = arith.constant 0 : i32
      %dma_wait3A_537 = arith.constant 0 : i32
      %dma_wait3A_538 = tpu.memref_slice %arg6[%dma_wait3A_535, %dma_wait3A_536, %dma_wait3A_537] : memref<3x120x128xf32, #tpu.memory_space<vmem>> -> memref<1x120x128xf32, #tpu.memory_space<vmem>>
      %dma_wait3A_539 = tpu.memref_squeeze %dma_wait3A_538 : memref<1x120x128xf32, #tpu.memory_space<vmem>> -> memref<120x128xf32, #tpu.memory_space<vmem>>
      %dma_wait3A_540 = arith.constant 0 : i32
      %dma_wait3A_541 = tpu.memref_slice %arg5[%dma_wait3A_534, %dma_wait3A_540] : memref<8x120xi32, #tpu.memory_space<vmem>> -> memref<1x120xi32, #tpu.memory_space<vmem>>
      %dma_wait3A_542 = tpu.memref_squeeze %dma_wait3A_541 : memref<1x120xi32, #tpu.memory_space<vmem>> -> memref<120xi32, #tpu.memory_space<vmem>>
      %dma_wait3A_543 = arith.constant 0 : i32
      %dma_wait3A_544 = arith.constant 0 : i32
      %dma_wait3A_545 = tpu.memref_slice %arg2[%dma_wait3A_543, %dma_wait3A_544] : memref<10000x128xf32, #tpu.memory_space<hbm>> -> memref<10000x128xf32, #tpu.memory_space<hbm>>
      tpu.wait_indirect_dma semaphore(%arg10 : memref<!tpu.dma_semaphore, #tpu.memory_space<semaphore_mem>>) src(%dma_wait3A_545 : memref<10000x128xf32, #tpu.memory_space<hbm>>) dst(%dma_wait3A_539 : memref<120x128xf32, #tpu.memory_space<vmem>>)
      %dma_start3A_546 = arith.constant 2 : i32
      %dma_start3A_547 = arith.constant 1 : i32
      %dma_start3A_548 = arith.constant 0 : i32
      %dma_start3A_549 = arith.constant 0 : i32
      %dma_start3A_550 = tpu.memref_slice %arg6[%dma_start3A_546, %dma_start3A_548, %dma_start3A_549] : memref<3x120x128xf32, #tpu.memory_space<vmem>> -> memref<1x120x128xf32, #tpu.memory_space<vmem>>
      %dma_start3A_551 = tpu.memref_squeeze %dma_start3A_550 : memref<1x120x128xf32, #tpu.memory_space<vmem>> -> memref<120x128xf32, #tpu.memory_space<vmem>>
      %dma_start3A_552 = arith.constant 0 : i32
      %dma_start3A_553 = tpu.memref_slice %arg5[%dma_start3A_547, %dma_start3A_552] : memref<8x120xi32, #tpu.memory_space<vmem>> -> memref<1x120xi32, #tpu.memory_space<vmem>>
      %dma_start3A_554 = tpu.memref_squeeze %dma_start3A_553 : memref<1x120xi32, #tpu.memory_space<vmem>> -> memref<120xi32, #tpu.memory_space<vmem>>
      %dma_start3A_555 = arith.constant 0 : i32
      %dma_start3A_556 = arith.constant 0 : i32
      %dma_start3A_557 = tpu.memref_slice %arg7[%dma_start3A_555, %dma_start3A_556] : memref<10112x128xf32, #tpu.memory_space<vmem_shared>> -> memref<10112x128xf32, #tpu.memory_space<vmem_shared>>
      tpu.enqueue_indirect_dma source(%dma_start3A_551 : memref<120x128xf32, #tpu.memory_space<vmem>>) target(%dma_start3A_557 : memref<10112x128xf32, #tpu.memory_space<vmem_shared>>) offsets(%dma_start3A_554 : memref<120xi32, #tpu.memory_space<vmem>>) semaphore(%arg13 : memref<!tpu.dma_semaphore, #tpu.memory_space<semaphore_mem>>) {add = true}
      %ge3A_558 = arith.constant 1 : i32
      %ge3A_559 = arith.cmpi sge, %add3A_533, %ge3A_558 : i32
      %convert_element_type3A_560 = arith.extui %ge3A_559 : i1 to i32
      %cond3A_561 = arith.constant 0 : i32
      %cond3A_562 = arith.cmpi ne, %convert_element_type3A_560, %cond3A_561 : i32
      scf.if %cond3A_562 {
        %dma_wait3A_720 = arith.constant 1 : i32
        %dma_wait3A_721 = arith.constant 7 : i32
        %dma_wait3A_722 = arith.constant 0 : i32
        %dma_wait3A_723 = arith.constant 0 : i32
        %dma_wait3A_724 = tpu.memref_slice %arg6[%dma_wait3A_720, %dma_wait3A_722, %dma_wait3A_723] : memref<3x120x128xf32, #tpu.memory_space<vmem>> -> memref<1x120x128xf32, #tpu.memory_space<vmem>>
        %dma_wait3A_725 = tpu.memref_squeeze %dma_wait3A_724 : memref<1x120x128xf32, #tpu.memory_space<vmem>> -> memref<120x128xf32, #tpu.memory_space<vmem>>
        %dma_wait3A_726 = arith.constant 0 : i32
        %dma_wait3A_727 = tpu.memref_slice %arg5[%dma_wait3A_721, %dma_wait3A_726] : memref<8x120xi32, #tpu.memory_space<vmem>> -> memref<1x120xi32, #tpu.memory_space<vmem>>
        %dma_wait3A_728 = tpu.memref_squeeze %dma_wait3A_727 : memref<1x120xi32, #tpu.memory_space<vmem>> -> memref<120xi32, #tpu.memory_space<vmem>>
        %dma_wait3A_729 = arith.constant 0 : i32
        %dma_wait3A_730 = arith.constant 0 : i32
        %dma_wait3A_731 = tpu.memref_slice %arg7[%dma_wait3A_729, %dma_wait3A_730] : memref<10112x128xf32, #tpu.memory_space<vmem_shared>> -> memref<10112x128xf32, #tpu.memory_space<vmem_shared>>
        tpu.wait_indirect_dma semaphore(%arg12 : memref<!tpu.dma_semaphore, #tpu.memory_space<semaphore_mem>>) src(%dma_wait3A_725 : memref<120x128xf32, #tpu.memory_space<vmem>>) dst(%dma_wait3A_731 : memref<10112x128xf32, #tpu.memory_space<vmem_shared>>)
      } else {
      }
      %add3A_563 = arith.constant 3 : i32
      %add3A_564 = arith.addi %add3A_533, %add3A_563 : i32
      %lt3A_565 = arith.constant 84 : i32
      %lt3A_566 = arith.cmpi slt, %add3A_564, %lt3A_565 : i32
      %convert_element_type3A_567 = arith.extui %lt3A_566 : i1 to i32
      %cond3A_568 = arith.constant 0 : i32
      %cond3A_569 = arith.cmpi ne, %convert_element_type3A_567, %cond3A_568 : i32
      scf.if %cond3A_569 {
        %add3A_720 = arith.constant 3 : i32
        %add3A_721 = arith.addi %add3A_533, %add3A_720 : i32
        %dma_start3A_722 = arith.constant 6 : i32
        %dma_start3A_723 = arith.constant 0 : i32
        %dma_start3A_724 = tpu.memref_slice %arg5[%dma_start3A_722, %dma_start3A_723] : memref<8x120xi32, #tpu.memory_space<vmem>> -> memref<2x120xi32, #tpu.memory_space<vmem>>
        %dma_start3A_725 = arith.constant 0 : i32
        %dma_start3A_726 = arith.constant 0 : i32
        %dma_start3A_727 = tpu.memref_slice %arg3[%add3A, %add3A_721, %dma_start3A_725, %dma_start3A_726] : memref<32x84x2x120xi32, #tpu.memory_space<hbm>> -> memref<1x1x2x120xi32, #tpu.memory_space<hbm>>
        %dma_start3A_728 = tpu.memref_squeeze %dma_start3A_727 : memref<1x1x2x120xi32, #tpu.memory_space<hbm>> -> memref<2x120xi32, #tpu.memory_space<hbm>>
        %dma_start3A_729 = arith.constant 6 : i32
        %dma_start3A_730 = arith.constant 0 : i32
        %dma_start3A_731 = tpu.memref_slice %arg5[%dma_start3A_729, %dma_start3A_730] : memref<8x120xi32, #tpu.memory_space<vmem>> -> memref<2x120xi32, #tpu.memory_space<vmem>>
        %dma_start3A_732 = arith.constant 0 : i32
        %dma_start3A_733 = arith.constant 0 : i32
        %dma_start3A_734 = tpu.memref_slice %arg3[%add3A, %add3A_721, %dma_start3A_732, %dma_start3A_733] : memref<32x84x2x120xi32, #tpu.memory_space<hbm>> -> memref<1x1x2x120xi32, #tpu.memory_space<hbm>>
        %dma_start3A_735 = tpu.memref_squeeze %dma_start3A_734 : memref<1x1x2x120xi32, #tpu.memory_space<hbm>> -> memref<2x120xi32, #tpu.memory_space<hbm>>
        tpu.enqueue_dma source(%dma_start3A_735 : memref<2x120xi32, #tpu.memory_space<hbm>>) target(%dma_start3A_731 : memref<2x120xi32, #tpu.memory_space<vmem>>) target_semaphore(%arg17 : memref<!tpu.dma_semaphore, #tpu.memory_space<semaphore_mem>>)
      } else {
      }
      %add3A_570 = arith.constant 3 : i32
      %add3A_571 = arith.addi %add3A_533, %add3A_570 : i32
      %sub3A_572 = arith.constant 1 : i32
      %sub3A_573 = arith.subi %add3A_571, %sub3A_572 : i32
      %lt3A_574 = arith.constant 84 : i32
      %lt3A_575 = arith.cmpi slt, %sub3A_573, %lt3A_574 : i32
      %convert_element_type3A_576 = arith.extui %lt3A_575 : i1 to i32
      %cond3A_577 = arith.constant 0 : i32
      %cond3A_578 = arith.cmpi ne, %convert_element_type3A_576, %cond3A_577 : i32
      scf.if %cond3A_578 {
        %dma_wait3A_720 = arith.constant 0 : i32
        %dma_wait3A_721 = arith.constant 4 : i32
        %dma_wait3A_722 = arith.constant 0 : i32
        %dma_wait3A_723 = tpu.memref_slice %arg5[%dma_wait3A_721, %dma_wait3A_722] : memref<8x120xi32, #tpu.memory_space<vmem>> -> memref<2x120xi32, #tpu.memory_space<vmem>>
        %dma_wait3A_724 = arith.constant 0 : i32
        %dma_wait3A_725 = arith.constant 0 : i32
        %dma_wait3A_726 = tpu.memref_slice %arg3[%add3A, %dma_wait3A_720, %dma_wait3A_724, %dma_wait3A_725] : memref<32x84x2x120xi32, #tpu.memory_space<hbm>> -> memref<1x1x2x120xi32, #tpu.memory_space<hbm>>
        %dma_wait3A_727 = tpu.memref_squeeze %dma_wait3A_726 : memref<1x1x2x120xi32, #tpu.memory_space<hbm>> -> memref<2x120xi32, #tpu.memory_space<hbm>>
        %dma_wait3A_728 = arith.constant 4 : i32
        %dma_wait3A_729 = arith.constant 0 : i32
        %dma_wait3A_730 = tpu.memref_slice %arg5[%dma_wait3A_728, %dma_wait3A_729] : memref<8x120xi32, #tpu.memory_space<vmem>> -> memref<2x120xi32, #tpu.memory_space<vmem>>
        %dma_wait3A_731 = arith.constant 0 : i32
        %dma_wait3A_732 = arith.constant 0 : i32
        %dma_wait3A_733 = tpu.memref_slice %arg3[%add3A, %dma_wait3A_720, %dma_wait3A_731, %dma_wait3A_732] : memref<32x84x2x120xi32, #tpu.memory_space<hbm>> -> memref<1x1x2x120xi32, #tpu.memory_space<hbm>>
        %dma_wait3A_734 = tpu.memref_squeeze %dma_wait3A_733 : memref<1x1x2x120xi32, #tpu.memory_space<hbm>> -> memref<2x120xi32, #tpu.memory_space<hbm>>
        tpu.wait_dma2 semaphore(%arg16 : memref<!tpu.dma_semaphore, #tpu.memory_space<semaphore_mem>>) src(%dma_wait3A_734 : memref<2x120xi32, #tpu.memory_space<hbm>>) dst(%dma_wait3A_730 : memref<2x120xi32, #tpu.memory_space<vmem>>)
        %dma_start3A_735 = arith.constant 4 : i32
        %dma_start3A_736 = arith.constant 1 : i32
        %dma_start3A_737 = arith.constant 0 : i32
        %dma_start3A_738 = arith.constant 0 : i32
        %dma_start3A_739 = tpu.memref_slice %arg6[%dma_start3A_736, %dma_start3A_737, %dma_start3A_738] : memref<3x120x128xf32, #tpu.memory_space<vmem>> -> memref<1x120x128xf32, #tpu.memory_space<vmem>>
        %dma_start3A_740 = tpu.memref_squeeze %dma_start3A_739 : memref<1x120x128xf32, #tpu.memory_space<vmem>> -> memref<120x128xf32, #tpu.memory_space<vmem>>
        %dma_start3A_741 = arith.constant 0 : i32
        %dma_start3A_742 = tpu.memref_slice %arg5[%dma_start3A_735, %dma_start3A_741] : memref<8x120xi32, #tpu.memory_space<vmem>> -> memref<1x120xi32, #tpu.memory_space<vmem>>
        %dma_start3A_743 = tpu.memref_squeeze %dma_start3A_742 : memref<1x120xi32, #tpu.memory_space<vmem>> -> memref<120xi32, #tpu.memory_space<vmem>>
        %dma_start3A_744 = arith.constant 0 : i32
        %dma_start3A_745 = arith.constant 0 : i32
        %dma_start3A_746 = tpu.memref_slice %arg2[%dma_start3A_744, %dma_start3A_745] : memref<10000x128xf32, #tpu.memory_space<hbm>> -> memref<10000x128xf32, #tpu.memory_space<hbm>>
        tpu.enqueue_indirect_dma source(%dma_start3A_746 : memref<10000x128xf32, #tpu.memory_space<hbm>>) target(%dma_start3A_740 : memref<120x128xf32, #tpu.memory_space<vmem>>) offsets(%dma_start3A_743 : memref<120xi32, #tpu.memory_space<vmem>>) semaphore(%arg9 : memref<!tpu.dma_semaphore, #tpu.memory_space<semaphore_mem>>)
      } else {
      }
      %add3A_579 = arith.constant 9 : i32
      %add3A_580 = arith.addi %mul3A_159, %add3A_579 : i32
      %dma_wait3A_581 = arith.constant 2 : i32
      %dma_wait3A_582 = arith.constant 0 : i32
      %dma_wait3A_583 = arith.constant 0 : i32
      %dma_wait3A_584 = arith.constant 0 : i32
      %dma_wait3A_585 = tpu.memref_slice %arg6[%dma_wait3A_582, %dma_wait3A_583, %dma_wait3A_584] : memref<3x120x128xf32, #tpu.memory_space<vmem>> -> memref<1x120x128xf32, #tpu.memory_space<vmem>>
      %dma_wait3A_586 = tpu.memref_squeeze %dma_wait3A_585 : memref<1x120x128xf32, #tpu.memory_space<vmem>> -> memref<120x128xf32, #tpu.memory_space<vmem>>
      %dma_wait3A_587 = arith.constant 0 : i32
      %dma_wait3A_588 = tpu.memref_slice %arg5[%dma_wait3A_581, %dma_wait3A_587] : memref<8x120xi32, #tpu.memory_space<vmem>> -> memref<1x120xi32, #tpu.memory_space<vmem>>
      %dma_wait3A_589 = tpu.memref_squeeze %dma_wait3A_588 : memref<1x120xi32, #tpu.memory_space<vmem>> -> memref<120xi32, #tpu.memory_space<vmem>>
      %dma_wait3A_590 = arith.constant 0 : i32
      %dma_wait3A_591 = arith.constant 0 : i32
      %dma_wait3A_592 = tpu.memref_slice %arg2[%dma_wait3A_590, %dma_wait3A_591] : memref<10000x128xf32, #tpu.memory_space<hbm>> -> memref<10000x128xf32, #tpu.memory_space<hbm>>
      tpu.wait_indirect_dma semaphore(%arg8 : memref<!tpu.dma_semaphore, #tpu.memory_space<semaphore_mem>>) src(%dma_wait3A_592 : memref<10000x128xf32, #tpu.memory_space<hbm>>) dst(%dma_wait3A_586 : memref<120x128xf32, #tpu.memory_space<vmem>>)
      %dma_start3A_593 = arith.constant 0 : i32
      %dma_start3A_594 = arith.constant 3 : i32
      %dma_start3A_595 = arith.constant 0 : i32
      %dma_start3A_596 = arith.constant 0 : i32
      %dma_start3A_597 = tpu.memref_slice %arg6[%dma_start3A_593, %dma_start3A_595, %dma_start3A_596] : memref<3x120x128xf32, #tpu.memory_space<vmem>> -> memref<1x120x128xf32, #tpu.memory_space<vmem>>
      %dma_start3A_598 = tpu.memref_squeeze %dma_start3A_597 : memref<1x120x128xf32, #tpu.memory_space<vmem>> -> memref<120x128xf32, #tpu.memory_space<vmem>>
      %dma_start3A_599 = arith.constant 0 : i32
      %dma_start3A_600 = tpu.memref_slice %arg5[%dma_start3A_594, %dma_start3A_599] : memref<8x120xi32, #tpu.memory_space<vmem>> -> memref<1x120xi32, #tpu.memory_space<vmem>>
      %dma_start3A_601 = tpu.memref_squeeze %dma_start3A_600 : memref<1x120xi32, #tpu.memory_space<vmem>> -> memref<120xi32, #tpu.memory_space<vmem>>
      %dma_start3A_602 = arith.constant 0 : i32
      %dma_start3A_603 = arith.constant 0 : i32
      %dma_start3A_604 = tpu.memref_slice %arg7[%dma_start3A_602, %dma_start3A_603] : memref<10112x128xf32, #tpu.memory_space<vmem_shared>> -> memref<10112x128xf32, #tpu.memory_space<vmem_shared>>
      tpu.enqueue_indirect_dma source(%dma_start3A_598 : memref<120x128xf32, #tpu.memory_space<vmem>>) target(%dma_start3A_604 : memref<10112x128xf32, #tpu.memory_space<vmem_shared>>) offsets(%dma_start3A_601 : memref<120xi32, #tpu.memory_space<vmem>>) semaphore(%arg11 : memref<!tpu.dma_semaphore, #tpu.memory_space<semaphore_mem>>) {add = true}
      %ge3A_605 = arith.constant 1 : i32
      %ge3A_606 = arith.cmpi sge, %add3A_580, %ge3A_605 : i32
      %convert_element_type3A_607 = arith.extui %ge3A_606 : i1 to i32
      %cond3A_608 = arith.constant 0 : i32
      %cond3A_609 = arith.cmpi ne, %convert_element_type3A_607, %cond3A_608 : i32
      scf.if %cond3A_609 {
        %dma_wait3A_720 = arith.constant 2 : i32
        %dma_wait3A_721 = arith.constant 1 : i32
        %dma_wait3A_722 = arith.constant 0 : i32
        %dma_wait3A_723 = arith.constant 0 : i32
        %dma_wait3A_724 = tpu.memref_slice %arg6[%dma_wait3A_720, %dma_wait3A_722, %dma_wait3A_723] : memref<3x120x128xf32, #tpu.memory_space<vmem>> -> memref<1x120x128xf32, #tpu.memory_space<vmem>>
        %dma_wait3A_725 = tpu.memref_squeeze %dma_wait3A_724 : memref<1x120x128xf32, #tpu.memory_space<vmem>> -> memref<120x128xf32, #tpu.memory_space<vmem>>
        %dma_wait3A_726 = arith.constant 0 : i32
        %dma_wait3A_727 = tpu.memref_slice %arg5[%dma_wait3A_721, %dma_wait3A_726] : memref<8x120xi32, #tpu.memory_space<vmem>> -> memref<1x120xi32, #tpu.memory_space<vmem>>
        %dma_wait3A_728 = tpu.memref_squeeze %dma_wait3A_727 : memref<1x120xi32, #tpu.memory_space<vmem>> -> memref<120xi32, #tpu.memory_space<vmem>>
        %dma_wait3A_729 = arith.constant 0 : i32
        %dma_wait3A_730 = arith.constant 0 : i32
        %dma_wait3A_731 = tpu.memref_slice %arg7[%dma_wait3A_729, %dma_wait3A_730] : memref<10112x128xf32, #tpu.memory_space<vmem_shared>> -> memref<10112x128xf32, #tpu.memory_space<vmem_shared>>
        tpu.wait_indirect_dma semaphore(%arg13 : memref<!tpu.dma_semaphore, #tpu.memory_space<semaphore_mem>>) src(%dma_wait3A_725 : memref<120x128xf32, #tpu.memory_space<vmem>>) dst(%dma_wait3A_731 : memref<10112x128xf32, #tpu.memory_space<vmem_shared>>)
      } else {
      }
      %add3A_610 = arith.constant 3 : i32
      %add3A_611 = arith.addi %add3A_580, %add3A_610 : i32
      %lt3A_612 = arith.constant 84 : i32
      %lt3A_613 = arith.cmpi slt, %add3A_611, %lt3A_612 : i32
      %convert_element_type3A_614 = arith.extui %lt3A_613 : i1 to i32
      %cond3A_615 = arith.constant 0 : i32
      %cond3A_616 = arith.cmpi ne, %convert_element_type3A_614, %cond3A_615 : i32
      scf.if %cond3A_616 {
        %add3A_720 = arith.constant 3 : i32
        %add3A_721 = arith.addi %add3A_580, %add3A_720 : i32
        %dma_start3A_722 = arith.constant 0 : i32
        %dma_start3A_723 = arith.constant 0 : i32
        %dma_start3A_724 = tpu.memref_slice %arg5[%dma_start3A_722, %dma_start3A_723] : memref<8x120xi32, #tpu.memory_space<vmem>> -> memref<2x120xi32, #tpu.memory_space<vmem>>
        %dma_start3A_725 = arith.constant 0 : i32
        %dma_start3A_726 = arith.constant 0 : i32
        %dma_start3A_727 = tpu.memref_slice %arg3[%add3A, %add3A_721, %dma_start3A_725, %dma_start3A_726] : memref<32x84x2x120xi32, #tpu.memory_space<hbm>> -> memref<1x1x2x120xi32, #tpu.memory_space<hbm>>
        %dma_start3A_728 = tpu.memref_squeeze %dma_start3A_727 : memref<1x1x2x120xi32, #tpu.memory_space<hbm>> -> memref<2x120xi32, #tpu.memory_space<hbm>>
        %dma_start3A_729 = arith.constant 0 : i32
        %dma_start3A_730 = arith.constant 0 : i32
        %dma_start3A_731 = tpu.memref_slice %arg5[%dma_start3A_729, %dma_start3A_730] : memref<8x120xi32, #tpu.memory_space<vmem>> -> memref<2x120xi32, #tpu.memory_space<vmem>>
        %dma_start3A_732 = arith.constant 0 : i32
        %dma_start3A_733 = arith.constant 0 : i32
        %dma_start3A_734 = tpu.memref_slice %arg3[%add3A, %add3A_721, %dma_start3A_732, %dma_start3A_733] : memref<32x84x2x120xi32, #tpu.memory_space<hbm>> -> memref<1x1x2x120xi32, #tpu.memory_space<hbm>>
        %dma_start3A_735 = tpu.memref_squeeze %dma_start3A_734 : memref<1x1x2x120xi32, #tpu.memory_space<hbm>> -> memref<2x120xi32, #tpu.memory_space<hbm>>
        tpu.enqueue_dma source(%dma_start3A_735 : memref<2x120xi32, #tpu.memory_space<hbm>>) target(%dma_start3A_731 : memref<2x120xi32, #tpu.memory_space<vmem>>) target_semaphore(%arg14 : memref<!tpu.dma_semaphore, #tpu.memory_space<semaphore_mem>>)
      } else {
      }
      %add3A_617 = arith.constant 3 : i32
      %add3A_618 = arith.addi %add3A_580, %add3A_617 : i32
      %sub3A_619 = arith.constant 1 : i32
      %sub3A_620 = arith.subi %add3A_618, %sub3A_619 : i32
      %lt3A_621 = arith.constant 84 : i32
      %lt3A_622 = arith.cmpi slt, %sub3A_620, %lt3A_621 : i32
      %convert_element_type3A_623 = arith.extui %lt3A_622 : i1 to i32
      %cond3A_624 = arith.constant 0 : i32
      %cond3A_625 = arith.cmpi ne, %convert_element_type3A_623, %cond3A_624 : i32
      scf.if %cond3A_625 {
        %dma_wait3A_720 = arith.constant 0 : i32
        %dma_wait3A_721 = arith.constant 6 : i32
        %dma_wait3A_722 = arith.constant 0 : i32
        %dma_wait3A_723 = tpu.memref_slice %arg5[%dma_wait3A_721, %dma_wait3A_722] : memref<8x120xi32, #tpu.memory_space<vmem>> -> memref<2x120xi32, #tpu.memory_space<vmem>>
        %dma_wait3A_724 = arith.constant 0 : i32
        %dma_wait3A_725 = arith.constant 0 : i32
        %dma_wait3A_726 = tpu.memref_slice %arg3[%add3A, %dma_wait3A_720, %dma_wait3A_724, %dma_wait3A_725] : memref<32x84x2x120xi32, #tpu.memory_space<hbm>> -> memref<1x1x2x120xi32, #tpu.memory_space<hbm>>
        %dma_wait3A_727 = tpu.memref_squeeze %dma_wait3A_726 : memref<1x1x2x120xi32, #tpu.memory_space<hbm>> -> memref<2x120xi32, #tpu.memory_space<hbm>>
        %dma_wait3A_728 = arith.constant 6 : i32
        %dma_wait3A_729 = arith.constant 0 : i32
        %dma_wait3A_730 = tpu.memref_slice %arg5[%dma_wait3A_728, %dma_wait3A_729] : memref<8x120xi32, #tpu.memory_space<vmem>> -> memref<2x120xi32, #tpu.memory_space<vmem>>
        %dma_wait3A_731 = arith.constant 0 : i32
        %dma_wait3A_732 = arith.constant 0 : i32
        %dma_wait3A_733 = tpu.memref_slice %arg3[%add3A, %dma_wait3A_720, %dma_wait3A_731, %dma_wait3A_732] : memref<32x84x2x120xi32, #tpu.memory_space<hbm>> -> memref<1x1x2x120xi32, #tpu.memory_space<hbm>>
        %dma_wait3A_734 = tpu.memref_squeeze %dma_wait3A_733 : memref<1x1x2x120xi32, #tpu.memory_space<hbm>> -> memref<2x120xi32, #tpu.memory_space<hbm>>
        tpu.wait_dma2 semaphore(%arg17 : memref<!tpu.dma_semaphore, #tpu.memory_space<semaphore_mem>>) src(%dma_wait3A_734 : memref<2x120xi32, #tpu.memory_space<hbm>>) dst(%dma_wait3A_730 : memref<2x120xi32, #tpu.memory_space<vmem>>)
        %dma_start3A_735 = arith.constant 6 : i32
        %dma_start3A_736 = arith.constant 2 : i32
        %dma_start3A_737 = arith.constant 0 : i32
        %dma_start3A_738 = arith.constant 0 : i32
        %dma_start3A_739 = tpu.memref_slice %arg6[%dma_start3A_736, %dma_start3A_737, %dma_start3A_738] : memref<3x120x128xf32, #tpu.memory_space<vmem>> -> memref<1x120x128xf32, #tpu.memory_space<vmem>>
        %dma_start3A_740 = tpu.memref_squeeze %dma_start3A_739 : memref<1x120x128xf32, #tpu.memory_space<vmem>> -> memref<120x128xf32, #tpu.memory_space<vmem>>
        %dma_start3A_741 = arith.constant 0 : i32
        %dma_start3A_742 = tpu.memref_slice %arg5[%dma_start3A_735, %dma_start3A_741] : memref<8x120xi32, #tpu.memory_space<vmem>> -> memref<1x120xi32, #tpu.memory_space<vmem>>
        %dma_start3A_743 = tpu.memref_squeeze %dma_start3A_742 : memref<1x120xi32, #tpu.memory_space<vmem>> -> memref<120xi32, #tpu.memory_space<vmem>>
        %dma_start3A_744 = arith.constant 0 : i32
        %dma_start3A_745 = arith.constant 0 : i32
        %dma_start3A_746 = tpu.memref_slice %arg2[%dma_start3A_744, %dma_start3A_745] : memref<10000x128xf32, #tpu.memory_space<hbm>> -> memref<10000x128xf32, #tpu.memory_space<hbm>>
        tpu.enqueue_indirect_dma source(%dma_start3A_746 : memref<10000x128xf32, #tpu.memory_space<hbm>>) target(%dma_start3A_740 : memref<120x128xf32, #tpu.memory_space<vmem>>) offsets(%dma_start3A_743 : memref<120xi32, #tpu.memory_space<vmem>>) semaphore(%arg10 : memref<!tpu.dma_semaphore, #tpu.memory_space<semaphore_mem>>)
      } else {
      }
      %add3A_626 = arith.constant 10 : i32
      %add3A_627 = arith.addi %mul3A_159, %add3A_626 : i32
      %dma_wait3A_628 = arith.constant 4 : i32
      %dma_wait3A_629 = arith.constant 1 : i32
      %dma_wait3A_630 = arith.constant 0 : i32
      %dma_wait3A_631 = arith.constant 0 : i32
      %dma_wait3A_632 = tpu.memref_slice %arg6[%dma_wait3A_629, %dma_wait3A_630, %dma_wait3A_631] : memref<3x120x128xf32, #tpu.memory_space<vmem>> -> memref<1x120x128xf32, #tpu.memory_space<vmem>>
      %dma_wait3A_633 = tpu.memref_squeeze %dma_wait3A_632 : memref<1x120x128xf32, #tpu.memory_space<vmem>> -> memref<120x128xf32, #tpu.memory_space<vmem>>
      %dma_wait3A_634 = arith.constant 0 : i32
      %dma_wait3A_635 = tpu.memref_slice %arg5[%dma_wait3A_628, %dma_wait3A_634] : memref<8x120xi32, #tpu.memory_space<vmem>> -> memref<1x120xi32, #tpu.memory_space<vmem>>
      %dma_wait3A_636 = tpu.memref_squeeze %dma_wait3A_635 : memref<1x120xi32, #tpu.memory_space<vmem>> -> memref<120xi32, #tpu.memory_space<vmem>>
      %dma_wait3A_637 = arith.constant 0 : i32
      %dma_wait3A_638 = arith.constant 0 : i32
      %dma_wait3A_639 = tpu.memref_slice %arg2[%dma_wait3A_637, %dma_wait3A_638] : memref<10000x128xf32, #tpu.memory_space<hbm>> -> memref<10000x128xf32, #tpu.memory_space<hbm>>
      tpu.wait_indirect_dma semaphore(%arg9 : memref<!tpu.dma_semaphore, #tpu.memory_space<semaphore_mem>>) src(%dma_wait3A_639 : memref<10000x128xf32, #tpu.memory_space<hbm>>) dst(%dma_wait3A_633 : memref<120x128xf32, #tpu.memory_space<vmem>>)
      %dma_start3A_640 = arith.constant 1 : i32
      %dma_start3A_641 = arith.constant 5 : i32
      %dma_start3A_642 = arith.constant 0 : i32
      %dma_start3A_643 = arith.constant 0 : i32
      %dma_start3A_644 = tpu.memref_slice %arg6[%dma_start3A_640, %dma_start3A_642, %dma_start3A_643] : memref<3x120x128xf32, #tpu.memory_space<vmem>> -> memref<1x120x128xf32, #tpu.memory_space<vmem>>
      %dma_start3A_645 = tpu.memref_squeeze %dma_start3A_644 : memref<1x120x128xf32, #tpu.memory_space<vmem>> -> memref<120x128xf32, #tpu.memory_space<vmem>>
      %dma_start3A_646 = arith.constant 0 : i32
      %dma_start3A_647 = tpu.memref_slice %arg5[%dma_start3A_641, %dma_start3A_646] : memref<8x120xi32, #tpu.memory_space<vmem>> -> memref<1x120xi32, #tpu.memory_space<vmem>>
      %dma_start3A_648 = tpu.memref_squeeze %dma_start3A_647 : memref<1x120xi32, #tpu.memory_space<vmem>> -> memref<120xi32, #tpu.memory_space<vmem>>
      %dma_start3A_649 = arith.constant 0 : i32
      %dma_start3A_650 = arith.constant 0 : i32
      %dma_start3A_651 = tpu.memref_slice %arg7[%dma_start3A_649, %dma_start3A_650] : memref<10112x128xf32, #tpu.memory_space<vmem_shared>> -> memref<10112x128xf32, #tpu.memory_space<vmem_shared>>
      tpu.enqueue_indirect_dma source(%dma_start3A_645 : memref<120x128xf32, #tpu.memory_space<vmem>>) target(%dma_start3A_651 : memref<10112x128xf32, #tpu.memory_space<vmem_shared>>) offsets(%dma_start3A_648 : memref<120xi32, #tpu.memory_space<vmem>>) semaphore(%arg12 : memref<!tpu.dma_semaphore, #tpu.memory_space<semaphore_mem>>) {add = true}
      %ge3A_652 = arith.constant 1 : i32
      %ge3A_653 = arith.cmpi sge, %add3A_627, %ge3A_652 : i32
      %convert_element_type3A_654 = arith.extui %ge3A_653 : i1 to i32
      %cond3A_655 = arith.constant 0 : i32
      %cond3A_656 = arith.cmpi ne, %convert_element_type3A_654, %cond3A_655 : i32
      scf.if %cond3A_656 {
        %dma_wait3A_720 = arith.constant 0 : i32
        %dma_wait3A_721 = arith.constant 3 : i32
        %dma_wait3A_722 = arith.constant 0 : i32
        %dma_wait3A_723 = arith.constant 0 : i32
        %dma_wait3A_724 = tpu.memref_slice %arg6[%dma_wait3A_720, %dma_wait3A_722, %dma_wait3A_723] : memref<3x120x128xf32, #tpu.memory_space<vmem>> -> memref<1x120x128xf32, #tpu.memory_space<vmem>>
        %dma_wait3A_725 = tpu.memref_squeeze %dma_wait3A_724 : memref<1x120x128xf32, #tpu.memory_space<vmem>> -> memref<120x128xf32, #tpu.memory_space<vmem>>
        %dma_wait3A_726 = arith.constant 0 : i32
        %dma_wait3A_727 = tpu.memref_slice %arg5[%dma_wait3A_721, %dma_wait3A_726] : memref<8x120xi32, #tpu.memory_space<vmem>> -> memref<1x120xi32, #tpu.memory_space<vmem>>
        %dma_wait3A_728 = tpu.memref_squeeze %dma_wait3A_727 : memref<1x120xi32, #tpu.memory_space<vmem>> -> memref<120xi32, #tpu.memory_space<vmem>>
        %dma_wait3A_729 = arith.constant 0 : i32
        %dma_wait3A_730 = arith.constant 0 : i32
        %dma_wait3A_731 = tpu.memref_slice %arg7[%dma_wait3A_729, %dma_wait3A_730] : memref<10112x128xf32, #tpu.memory_space<vmem_shared>> -> memref<10112x128xf32, #tpu.memory_space<vmem_shared>>
        tpu.wait_indirect_dma semaphore(%arg11 : memref<!tpu.dma_semaphore, #tpu.memory_space<semaphore_mem>>) src(%dma_wait3A_725 : memref<120x128xf32, #tpu.memory_space<vmem>>) dst(%dma_wait3A_731 : memref<10112x128xf32, #tpu.memory_space<vmem_shared>>)
      } else {
      }
      %add3A_657 = arith.constant 3 : i32
      %add3A_658 = arith.addi %add3A_627, %add3A_657 : i32
      %lt3A_659 = arith.constant 84 : i32
      %lt3A_660 = arith.cmpi slt, %add3A_658, %lt3A_659 : i32
      %convert_element_type3A_661 = arith.extui %lt3A_660 : i1 to i32
      %cond3A_662 = arith.constant 0 : i32
      %cond3A_663 = arith.cmpi ne, %convert_element_type3A_661, %cond3A_662 : i32
      scf.if %cond3A_663 {
        %add3A_720 = arith.constant 3 : i32
        %add3A_721 = arith.addi %add3A_627, %add3A_720 : i32
        %dma_start3A_722 = arith.constant 2 : i32
        %dma_start3A_723 = arith.constant 0 : i32
        %dma_start3A_724 = tpu.memref_slice %arg5[%dma_start3A_722, %dma_start3A_723] : memref<8x120xi32, #tpu.memory_space<vmem>> -> memref<2x120xi32, #tpu.memory_space<vmem>>
        %dma_start3A_725 = arith.constant 0 : i32
        %dma_start3A_726 = arith.constant 0 : i32
        %dma_start3A_727 = tpu.memref_slice %arg3[%add3A, %add3A_721, %dma_start3A_725, %dma_start3A_726] : memref<32x84x2x120xi32, #tpu.memory_space<hbm>> -> memref<1x1x2x120xi32, #tpu.memory_space<hbm>>
        %dma_start3A_728 = tpu.memref_squeeze %dma_start3A_727 : memref<1x1x2x120xi32, #tpu.memory_space<hbm>> -> memref<2x120xi32, #tpu.memory_space<hbm>>
        %dma_start3A_729 = arith.constant 2 : i32
        %dma_start3A_730 = arith.constant 0 : i32
        %dma_start3A_731 = tpu.memref_slice %arg5[%dma_start3A_729, %dma_start3A_730] : memref<8x120xi32, #tpu.memory_space<vmem>> -> memref<2x120xi32, #tpu.memory_space<vmem>>
        %dma_start3A_732 = arith.constant 0 : i32
        %dma_start3A_733 = arith.constant 0 : i32
        %dma_start3A_734 = tpu.memref_slice %arg3[%add3A, %add3A_721, %dma_start3A_732, %dma_start3A_733] : memref<32x84x2x120xi32, #tpu.memory_space<hbm>> -> memref<1x1x2x120xi32, #tpu.memory_space<hbm>>
        %dma_start3A_735 = tpu.memref_squeeze %dma_start3A_734 : memref<1x1x2x120xi32, #tpu.memory_space<hbm>> -> memref<2x120xi32, #tpu.memory_space<hbm>>
        tpu.enqueue_dma source(%dma_start3A_735 : memref<2x120xi32, #tpu.memory_space<hbm>>) target(%dma_start3A_731 : memref<2x120xi32, #tpu.memory_space<vmem>>) target_semaphore(%arg15 : memref<!tpu.dma_semaphore, #tpu.memory_space<semaphore_mem>>)
      } else {
      }
      %add3A_664 = arith.constant 3 : i32
      %add3A_665 = arith.addi %add3A_627, %add3A_664 : i32
      %sub3A_666 = arith.constant 1 : i32
      %sub3A_667 = arith.subi %add3A_665, %sub3A_666 : i32
      %lt3A_668 = arith.constant 84 : i32
      %lt3A_669 = arith.cmpi slt, %sub3A_667, %lt3A_668 : i32
      %convert_element_type3A_670 = arith.extui %lt3A_669 : i1 to i32
      %cond3A_671 = arith.constant 0 : i32
      %cond3A_672 = arith.cmpi ne, %convert_element_type3A_670, %cond3A_671 : i32
      scf.if %cond3A_672 {
        %dma_wait3A_720 = arith.constant 0 : i32
        %dma_wait3A_721 = arith.constant 0 : i32
        %dma_wait3A_722 = arith.constant 0 : i32
        %dma_wait3A_723 = tpu.memref_slice %arg5[%dma_wait3A_721, %dma_wait3A_722] : memref<8x120xi32, #tpu.memory_space<vmem>> -> memref<2x120xi32, #tpu.memory_space<vmem>>
        %dma_wait3A_724 = arith.constant 0 : i32
        %dma_wait3A_725 = arith.constant 0 : i32
        %dma_wait3A_726 = tpu.memref_slice %arg3[%add3A, %dma_wait3A_720, %dma_wait3A_724, %dma_wait3A_725] : memref<32x84x2x120xi32, #tpu.memory_space<hbm>> -> memref<1x1x2x120xi32, #tpu.memory_space<hbm>>
        %dma_wait3A_727 = tpu.memref_squeeze %dma_wait3A_726 : memref<1x1x2x120xi32, #tpu.memory_space<hbm>> -> memref<2x120xi32, #tpu.memory_space<hbm>>
        %dma_wait3A_728 = arith.constant 0 : i32
        %dma_wait3A_729 = arith.constant 0 : i32
        %dma_wait3A_730 = tpu.memref_slice %arg5[%dma_wait3A_728, %dma_wait3A_729] : memref<8x120xi32, #tpu.memory_space<vmem>> -> memref<2x120xi32, #tpu.memory_space<vmem>>
        %dma_wait3A_731 = arith.constant 0 : i32
        %dma_wait3A_732 = arith.constant 0 : i32
        %dma_wait3A_733 = tpu.memref_slice %arg3[%add3A, %dma_wait3A_720, %dma_wait3A_731, %dma_wait3A_732] : memref<32x84x2x120xi32, #tpu.memory_space<hbm>> -> memref<1x1x2x120xi32, #tpu.memory_space<hbm>>
        %dma_wait3A_734 = tpu.memref_squeeze %dma_wait3A_733 : memref<1x1x2x120xi32, #tpu.memory_space<hbm>> -> memref<2x120xi32, #tpu.memory_space<hbm>>
        tpu.wait_dma2 semaphore(%arg14 : memref<!tpu.dma_semaphore, #tpu.memory_space<semaphore_mem>>) src(%dma_wait3A_734 : memref<2x120xi32, #tpu.memory_space<hbm>>) dst(%dma_wait3A_730 : memref<2x120xi32, #tpu.memory_space<vmem>>)
        %dma_start3A_735 = arith.constant 0 : i32
        %dma_start3A_736 = arith.constant 0 : i32
        %dma_start3A_737 = arith.constant 0 : i32
        %dma_start3A_738 = arith.constant 0 : i32
        %dma_start3A_739 = tpu.memref_slice %arg6[%dma_start3A_736, %dma_start3A_737, %dma_start3A_738] : memref<3x120x128xf32, #tpu.memory_space<vmem>> -> memref<1x120x128xf32, #tpu.memory_space<vmem>>
        %dma_start3A_740 = tpu.memref_squeeze %dma_start3A_739 : memref<1x120x128xf32, #tpu.memory_space<vmem>> -> memref<120x128xf32, #tpu.memory_space<vmem>>
        %dma_start3A_741 = arith.constant 0 : i32
        %dma_start3A_742 = tpu.memref_slice %arg5[%dma_start3A_735, %dma_start3A_741] : memref<8x120xi32, #tpu.memory_space<vmem>> -> memref<1x120xi32, #tpu.memory_space<vmem>>
        %dma_start3A_743 = tpu.memref_squeeze %dma_start3A_742 : memref<1x120xi32, #tpu.memory_space<vmem>> -> memref<120xi32, #tpu.memory_space<vmem>>
        %dma_start3A_744 = arith.constant 0 : i32
        %dma_start3A_745 = arith.constant 0 : i32
        %dma_start3A_746 = tpu.memref_slice %arg2[%dma_start3A_744, %dma_start3A_745] : memref<10000x128xf32, #tpu.memory_space<hbm>> -> memref<10000x128xf32, #tpu.memory_space<hbm>>
        tpu.enqueue_indirect_dma source(%dma_start3A_746 : memref<10000x128xf32, #tpu.memory_space<hbm>>) target(%dma_start3A_740 : memref<120x128xf32, #tpu.memory_space<vmem>>) offsets(%dma_start3A_743 : memref<120xi32, #tpu.memory_space<vmem>>) semaphore(%arg8 : memref<!tpu.dma_semaphore, #tpu.memory_space<semaphore_mem>>)
      } else {
      }
      %add3A_673 = arith.constant 11 : i32
      %add3A_674 = arith.addi %mul3A_159, %add3A_673 : i32
      %dma_wait3A_675 = arith.constant 6 : i32
      %dma_wait3A_676 = arith.constant 2 : i32
      %dma_wait3A_677 = arith.constant 0 : i32
      %dma_wait3A_678 = arith.constant 0 : i32
      %dma_wait3A_679 = tpu.memref_slice %arg6[%dma_wait3A_676, %dma_wait3A_677, %dma_wait3A_678] : memref<3x120x128xf32, #tpu.memory_space<vmem>> -> memref<1x120x128xf32, #tpu.memory_space<vmem>>
      %dma_wait3A_680 = tpu.memref_squeeze %dma_wait3A_679 : memref<1x120x128xf32, #tpu.memory_space<vmem>> -> memref<120x128xf32, #tpu.memory_space<vmem>>
      %dma_wait3A_681 = arith.constant 0 : i32
      %dma_wait3A_682 = tpu.memref_slice %arg5[%dma_wait3A_675, %dma_wait3A_681] : memref<8x120xi32, #tpu.memory_space<vmem>> -> memref<1x120xi32, #tpu.memory_space<vmem>>
      %dma_wait3A_683 = tpu.memref_squeeze %dma_wait3A_682 : memref<1x120xi32, #tpu.memory_space<vmem>> -> memref<120xi32, #tpu.memory_space<vmem>>
      %dma_wait3A_684 = arith.constant 0 : i32
      %dma_wait3A_685 = arith.constant 0 : i32
      %dma_wait3A_686 = tpu.memref_slice %arg2[%dma_wait3A_684, %dma_wait3A_685] : memref<10000x128xf32, #tpu.memory_space<hbm>> -> memref<10000x128xf32, #tpu.memory_space<hbm>>
      tpu.wait_indirect_dma semaphore(%arg10 : memref<!tpu.dma_semaphore, #tpu.memory_space<semaphore_mem>>) src(%dma_wait3A_686 : memref<10000x128xf32, #tpu.memory_space<hbm>>) dst(%dma_wait3A_680 : memref<120x128xf32, #tpu.memory_space<vmem>>)
      %dma_start3A_687 = arith.constant 2 : i32
      %dma_start3A_688 = arith.constant 7 : i32
      %dma_start3A_689 = arith.constant 0 : i32
      %dma_start3A_690 = arith.constant 0 : i32
      %dma_start3A_691 = tpu.memref_slice %arg6[%dma_start3A_687, %dma_start3A_689, %dma_start3A_690] : memref<3x120x128xf32, #tpu.memory_space<vmem>> -> memref<1x120x128xf32, #tpu.memory_space<vmem>>
      %dma_start3A_692 = tpu.memref_squeeze %dma_start3A_691 : memref<1x120x128xf32, #tpu.memory_space<vmem>> -> memref<120x128xf32, #tpu.memory_space<vmem>>
      %dma_start3A_693 = arith.constant 0 : i32
      %dma_start3A_694 = tpu.memref_slice %arg5[%dma_start3A_688, %dma_start3A_693] : memref<8x120xi32, #tpu.memory_space<vmem>> -> memref<1x120xi32, #tpu.memory_space<vmem>>
      %dma_start3A_695 = tpu.memref_squeeze %dma_start3A_694 : memref<1x120xi32, #tpu.memory_space<vmem>> -> memref<120xi32, #tpu.memory_space<vmem>>
      %dma_start3A_696 = arith.constant 0 : i32
      %dma_start3A_697 = arith.constant 0 : i32
      %dma_start3A_698 = tpu.memref_slice %arg7[%dma_start3A_696, %dma_start3A_697] : memref<10112x128xf32, #tpu.memory_space<vmem_shared>> -> memref<10112x128xf32, #tpu.memory_space<vmem_shared>>
      tpu.enqueue_indirect_dma source(%dma_start3A_692 : memref<120x128xf32, #tpu.memory_space<vmem>>) target(%dma_start3A_698 : memref<10112x128xf32, #tpu.memory_space<vmem_shared>>) offsets(%dma_start3A_695 : memref<120xi32, #tpu.memory_space<vmem>>) semaphore(%arg13 : memref<!tpu.dma_semaphore, #tpu.memory_space<semaphore_mem>>) {add = true}
      %ge3A_699 = arith.constant 1 : i32
      %ge3A_700 = arith.cmpi sge, %add3A_674, %ge3A_699 : i32
      %convert_element_type3A_701 = arith.extui %ge3A_700 : i1 to i32
      %cond3A_702 = arith.constant 0 : i32
      %cond3A_703 = arith.cmpi ne, %convert_element_type3A_701, %cond3A_702 : i32
      scf.if %cond3A_703 {
        %dma_wait3A_720 = arith.constant 1 : i32
        %dma_wait3A_721 = arith.constant 5 : i32
        %dma_wait3A_722 = arith.constant 0 : i32
        %dma_wait3A_723 = arith.constant 0 : i32
        %dma_wait3A_724 = tpu.memref_slice %arg6[%dma_wait3A_720, %dma_wait3A_722, %dma_wait3A_723] : memref<3x120x128xf32, #tpu.memory_space<vmem>> -> memref<1x120x128xf32, #tpu.memory_space<vmem>>
        %dma_wait3A_725 = tpu.memref_squeeze %dma_wait3A_724 : memref<1x120x128xf32, #tpu.memory_space<vmem>> -> memref<120x128xf32, #tpu.memory_space<vmem>>
        %dma_wait3A_726 = arith.constant 0 : i32
        %dma_wait3A_727 = tpu.memref_slice %arg5[%dma_wait3A_721, %dma_wait3A_726] : memref<8x120xi32, #tpu.memory_space<vmem>> -> memref<1x120xi32, #tpu.memory_space<vmem>>
        %dma_wait3A_728 = tpu.memref_squeeze %dma_wait3A_727 : memref<1x120xi32, #tpu.memory_space<vmem>> -> memref<120xi32, #tpu.memory_space<vmem>>
        %dma_wait3A_729 = arith.constant 0 : i32
        %dma_wait3A_730 = arith.constant 0 : i32
        %dma_wait3A_731 = tpu.memref_slice %arg7[%dma_wait3A_729, %dma_wait3A_730] : memref<10112x128xf32, #tpu.memory_space<vmem_shared>> -> memref<10112x128xf32, #tpu.memory_space<vmem_shared>>
        tpu.wait_indirect_dma semaphore(%arg12 : memref<!tpu.dma_semaphore, #tpu.memory_space<semaphore_mem>>) src(%dma_wait3A_725 : memref<120x128xf32, #tpu.memory_space<vmem>>) dst(%dma_wait3A_731 : memref<10112x128xf32, #tpu.memory_space<vmem_shared>>)
      } else {
      }
      %add3A_704 = arith.constant 3 : i32
      %add3A_705 = arith.addi %add3A_674, %add3A_704 : i32
      %lt3A_706 = arith.constant 84 : i32
      %lt3A_707 = arith.cmpi slt, %add3A_705, %lt3A_706 : i32
      %convert_element_type3A_708 = arith.extui %lt3A_707 : i1 to i32
      %cond3A_709 = arith.constant 0 : i32
      %cond3A_710 = arith.cmpi ne, %convert_element_type3A_708, %cond3A_709 : i32
      scf.if %cond3A_710 {
        %add3A_720 = arith.constant 3 : i32
        %add3A_721 = arith.addi %add3A_674, %add3A_720 : i32
        %dma_start3A_722 = arith.constant 4 : i32
        %dma_start3A_723 = arith.constant 0 : i32
        %dma_start3A_724 = tpu.memref_slice %arg5[%dma_start3A_722, %dma_start3A_723] : memref<8x120xi32, #tpu.memory_space<vmem>> -> memref<2x120xi32, #tpu.memory_space<vmem>>
        %dma_start3A_725 = arith.constant 0 : i32
        %dma_start3A_726 = arith.constant 0 : i32
        %dma_start3A_727 = tpu.memref_slice %arg3[%add3A, %add3A_721, %dma_start3A_725, %dma_start3A_726] : memref<32x84x2x120xi32, #tpu.memory_space<hbm>> -> memref<1x1x2x120xi32, #tpu.memory_space<hbm>>
        %dma_start3A_728 = tpu.memref_squeeze %dma_start3A_727 : memref<1x1x2x120xi32, #tpu.memory_space<hbm>> -> memref<2x120xi32, #tpu.memory_space<hbm>>
        %dma_start3A_729 = arith.constant 4 : i32
        %dma_start3A_730 = arith.constant 0 : i32
        %dma_start3A_731 = tpu.memref_slice %arg5[%dma_start3A_729, %dma_start3A_730] : memref<8x120xi32, #tpu.memory_space<vmem>> -> memref<2x120xi32, #tpu.memory_space<vmem>>
        %dma_start3A_732 = arith.constant 0 : i32
        %dma_start3A_733 = arith.constant 0 : i32
        %dma_start3A_734 = tpu.memref_slice %arg3[%add3A, %add3A_721, %dma_start3A_732, %dma_start3A_733] : memref<32x84x2x120xi32, #tpu.memory_space<hbm>> -> memref<1x1x2x120xi32, #tpu.memory_space<hbm>>
        %dma_start3A_735 = tpu.memref_squeeze %dma_start3A_734 : memref<1x1x2x120xi32, #tpu.memory_space<hbm>> -> memref<2x120xi32, #tpu.memory_space<hbm>>
        tpu.enqueue_dma source(%dma_start3A_735 : memref<2x120xi32, #tpu.memory_space<hbm>>) target(%dma_start3A_731 : memref<2x120xi32, #tpu.memory_space<vmem>>) target_semaphore(%arg16 : memref<!tpu.dma_semaphore, #tpu.memory_space<semaphore_mem>>)
      } else {
      }
      %add3A_711 = arith.constant 3 : i32
      %add3A_712 = arith.addi %add3A_674, %add3A_711 : i32
      %sub3A_713 = arith.constant 1 : i32
      %sub3A_714 = arith.subi %add3A_712, %sub3A_713 : i32
      %lt3A_715 = arith.constant 84 : i32
      %lt3A_716 = arith.cmpi slt, %sub3A_714, %lt3A_715 : i32
      %convert_element_type3A_717 = arith.extui %lt3A_716 : i1 to i32
      %cond3A_718 = arith.constant 0 : i32
      %cond3A_719 = arith.cmpi ne, %convert_element_type3A_717, %cond3A_718 : i32
      scf.if %cond3A_719 {
        %dma_wait3A_720 = arith.constant 0 : i32
        %dma_wait3A_721 = arith.constant 2 : i32
        %dma_wait3A_722 = arith.constant 0 : i32
        %dma_wait3A_723 = tpu.memref_slice %arg5[%dma_wait3A_721, %dma_wait3A_722] : memref<8x120xi32, #tpu.memory_space<vmem>> -> memref<2x120xi32, #tpu.memory_space<vmem>>
        %dma_wait3A_724 = arith.constant 0 : i32
        %dma_wait3A_725 = arith.constant 0 : i32
        %dma_wait3A_726 = tpu.memref_slice %arg3[%add3A, %dma_wait3A_720, %dma_wait3A_724, %dma_wait3A_725] : memref<32x84x2x120xi32, #tpu.memory_space<hbm>> -> memref<1x1x2x120xi32, #tpu.memory_space<hbm>>
        %dma_wait3A_727 = tpu.memref_squeeze %dma_wait3A_726 : memref<1x1x2x120xi32, #tpu.memory_space<hbm>> -> memref<2x120xi32, #tpu.memory_space<hbm>>
        %dma_wait3A_728 = arith.constant 2 : i32
        %dma_wait3A_729 = arith.constant 0 : i32
        %dma_wait3A_730 = tpu.memref_slice %arg5[%dma_wait3A_728, %dma_wait3A_729] : memref<8x120xi32, #tpu.memory_space<vmem>> -> memref<2x120xi32, #tpu.memory_space<vmem>>
        %dma_wait3A_731 = arith.constant 0 : i32
        %dma_wait3A_732 = arith.constant 0 : i32
        %dma_wait3A_733 = tpu.memref_slice %arg3[%add3A, %dma_wait3A_720, %dma_wait3A_731, %dma_wait3A_732] : memref<32x84x2x120xi32, #tpu.memory_space<hbm>> -> memref<1x1x2x120xi32, #tpu.memory_space<hbm>>
        %dma_wait3A_734 = tpu.memref_squeeze %dma_wait3A_733 : memref<1x1x2x120xi32, #tpu.memory_space<hbm>> -> memref<2x120xi32, #tpu.memory_space<hbm>>
        tpu.wait_dma2 semaphore(%arg15 : memref<!tpu.dma_semaphore, #tpu.memory_space<semaphore_mem>>) src(%dma_wait3A_734 : memref<2x120xi32, #tpu.memory_space<hbm>>) dst(%dma_wait3A_730 : memref<2x120xi32, #tpu.memory_space<vmem>>)
        %dma_start3A_735 = arith.constant 2 : i32
        %dma_start3A_736 = arith.constant 1 : i32
        %dma_start3A_737 = arith.constant 0 : i32
        %dma_start3A_738 = arith.constant 0 : i32
        %dma_start3A_739 = tpu.memref_slice %arg6[%dma_start3A_736, %dma_start3A_737, %dma_start3A_738] : memref<3x120x128xf32, #tpu.memory_space<vmem>> -> memref<1x120x128xf32, #tpu.memory_space<vmem>>
        %dma_start3A_740 = tpu.memref_squeeze %dma_start3A_739 : memref<1x120x128xf32, #tpu.memory_space<vmem>> -> memref<120x128xf32, #tpu.memory_space<vmem>>
        %dma_start3A_741 = arith.constant 0 : i32
        %dma_start3A_742 = tpu.memref_slice %arg5[%dma_start3A_735, %dma_start3A_741] : memref<8x120xi32, #tpu.memory_space<vmem>> -> memref<1x120xi32, #tpu.memory_space<vmem>>
        %dma_start3A_743 = tpu.memref_squeeze %dma_start3A_742 : memref<1x120xi32, #tpu.memory_space<vmem>> -> memref<120xi32, #tpu.memory_space<vmem>>
        %dma_start3A_744 = arith.constant 0 : i32
        %dma_start3A_745 = arith.constant 0 : i32
        %dma_start3A_746 = tpu.memref_slice %arg2[%dma_start3A_744, %dma_start3A_745] : memref<10000x128xf32, #tpu.memory_space<hbm>> -> memref<10000x128xf32, #tpu.memory_space<hbm>>
        tpu.enqueue_indirect_dma source(%dma_start3A_746 : memref<10000x128xf32, #tpu.memory_space<hbm>>) target(%dma_start3A_740 : memref<120x128xf32, #tpu.memory_space<vmem>>) offsets(%dma_start3A_743 : memref<120xi32, #tpu.memory_space<vmem>>) semaphore(%arg9 : memref<!tpu.dma_semaphore, #tpu.memory_space<semaphore_mem>>)
      } else {
      }
    }
    %scan3A_139 = arith.constant 7 : i32
    %dma_wait3A_140 = arith.constant 2 : i32
    %dma_wait3A_141 = arith.constant 7 : i32
    %dma_wait3A_142 = arith.constant 0 : i32
    %dma_wait3A_143 = arith.constant 0 : i32
    %dma_wait3A_144 = tpu.memref_slice %arg6[%dma_wait3A_140, %dma_wait3A_142, %dma_wait3A_143] : memref<3x120x128xf32, #tpu.memory_space<vmem>> -> memref<1x120x128xf32, #tpu.memory_space<vmem>>
    %dma_wait3A_145 = tpu.memref_squeeze %dma_wait3A_144 : memref<1x120x128xf32, #tpu.memory_space<vmem>> -> memref<120x128xf32, #tpu.memory_space<vmem>>
    %dma_wait3A_146 = arith.constant 0 : i32
    %dma_wait3A_147 = tpu.memref_slice %arg5[%dma_wait3A_141, %dma_wait3A_146] : memref<8x120xi32, #tpu.memory_space<vmem>> -> memref<1x120xi32, #tpu.memory_space<vmem>>
    %dma_wait3A_148 = tpu.memref_squeeze %dma_wait3A_147 : memref<1x120xi32, #tpu.memory_space<vmem>> -> memref<120xi32, #tpu.memory_space<vmem>>
    %dma_wait3A_149 = arith.constant 0 : i32
    %dma_wait3A_150 = arith.constant 0 : i32
    %dma_wait3A_151 = tpu.memref_slice %arg7[%dma_wait3A_149, %dma_wait3A_150] : memref<10112x128xf32, #tpu.memory_space<vmem_shared>> -> memref<10112x128xf32, #tpu.memory_space<vmem_shared>>
    tpu.wait_indirect_dma semaphore(%arg13 : memref<!tpu.dma_semaphore, #tpu.memory_space<semaphore_mem>>) src(%dma_wait3A_145 : memref<120x128xf32, #tpu.memory_space<vmem>>) dst(%dma_wait3A_151 : memref<10112x128xf32, #tpu.memory_space<vmem_shared>>)
    %barrier3A_152 = arith.constant 0 : index
    tpu.barrier barrier_id(%barrier3A_152)
    %mul3A_153 = arith.constant 632 : i32
    %mul3A_154 = arith.muli %arg1, %mul3A_153 : i32
    %mul3A_155 = arith.constant 632 : i32
    %mul3A_156 = arith.muli %arg1, %mul3A_155 : i32
    "tpu.region"() ({
      %run_scoped3A_157 = tpu.sem_alloc : memref<!tpu.dma_semaphore, #tpu.memory_space<semaphore_mem>>
      %dma_start3A_158 = arith.constant 0 : i32
      %dma_start3A_159 = tpu.memref_slice %arg4[%arg0, %mul3A_156, %dma_start3A_158] : memref<2x10112x128xf32, #tpu.memory_space<hbm>> -> memref<1x632x128xf32, #tpu.memory_space<hbm>>
      %dma_start3A_160 = tpu.memref_squeeze %dma_start3A_159 : memref<1x632x128xf32, #tpu.memory_space<hbm>> -> memref<632x128xf32, #tpu.memory_space<hbm>>
      %dma_start3A_161 = arith.constant 0 : i32
      %dma_start3A_162 = tpu.memref_slice %arg7[%mul3A_154, %dma_start3A_161] : memref<10112x128xf32, #tpu.memory_space<vmem_shared>> -> memref<632x128xf32, #tpu.memory_space<vmem_shared>>
      tpu.enqueue_dma source(%dma_start3A_162 : memref<632x128xf32, #tpu.memory_space<vmem_shared>>) target(%dma_start3A_160 : memref<632x128xf32, #tpu.memory_space<hbm>>) target_semaphore(%run_scoped3A_157 : memref<!tpu.dma_semaphore, #tpu.memory_space<semaphore_mem>>)
      %dma_wait3A_163 = arith.constant 0 : i32
      %dma_wait3A_164 = tpu.memref_slice %arg4[%arg0, %mul3A_156, %dma_wait3A_163] : memref<2x10112x128xf32, #tpu.memory_space<hbm>> -> memref<1x632x128xf32, #tpu.memory_space<hbm>>
      %dma_wait3A_165 = tpu.memref_squeeze %dma_wait3A_164 : memref<1x632x128xf32, #tpu.memory_space<hbm>> -> memref<632x128xf32, #tpu.memory_space<hbm>>
      %dma_wait3A_166 = arith.constant 0 : i32
      %dma_wait3A_167 = tpu.memref_slice %arg7[%mul3A_154, %dma_wait3A_166] : memref<10112x128xf32, #tpu.memory_space<vmem_shared>> -> memref<632x128xf32, #tpu.memory_space<vmem_shared>>
      tpu.wait_dma2 semaphore(%run_scoped3A_157 : memref<!tpu.dma_semaphore, #tpu.memory_space<semaphore_mem>>) src(%dma_wait3A_167 : memref<632x128xf32, #tpu.memory_space<vmem_shared>>) dst(%dma_wait3A_165 : memref<632x128xf32, #tpu.memory_space<hbm>>)
      tpu.yield
    }) : () -> ()
    return
  }
}

module attributes {stable_mosaic.version = 14 : i64} {
  func.func @_proj_body(%arg0: i32, %arg1: memref<2x2528x128xf32, #tpu.memory_space<vmem>>, %arg2: memref<128x128xf32, #tpu.memory_space<vmem>>, %arg3: memref<1x128xf32, #tpu.memory_space<vmem>>, %arg4: memref<1x128xf32, #tpu.memory_space<vmem>>, %arg5: memref<1x1xf32, #tpu.memory_space<vmem>>, %arg6: memref<2528x1xf32, #tpu.memory_space<vmem>>) attributes {dimension_semantics = [#tpu.dimension_semantics<arbitrary>], iteration_bounds = array<i64: 4>, scalar_prefetch = 0 : i64, scratch_operands = 0 : i64, tpu.core_type = #tpu.core_type<tc>, window_params = [{transform_indices = @transform_0, window_bounds = array<i64: 2, 2528, 128>}, {pipeline_mode = #tpu.pipeline_mode<synchronous>, transform_indices = @transform_1, window_bounds = array<i64: 128, 128>}, {pipeline_mode = #tpu.pipeline_mode<synchronous>, transform_indices = @transform_2, window_bounds = array<i64: 1, 128>}, {pipeline_mode = #tpu.pipeline_mode<synchronous>, transform_indices = @transform_3, window_bounds = array<i64: 1, 128>}, {pipeline_mode = #tpu.pipeline_mode<synchronous>, transform_indices = @transform_4, window_bounds = array<i64: 1, 1>}, {transform_indices = @transform_5, window_bounds = array<i64: 2528, 1>}]} {
    %get3A = arith.constant 0 : index
    %get3A_0 = arith.constant 0 : index
    %get3A_1 = arith.constant 0 : index
    %get3A_2 = vector.load %arg1[%get3A, %get3A_0, %get3A_1] : memref<2x2528x128xf32, #tpu.memory_space<vmem>>, vector<1x2528x128xf32>
    %get3A_3 = vector.shape_cast %get3A_2 : vector<1x2528x128xf32> to vector<2528x128xf32>
    %get3A_4 = arith.constant 1 : index
    %get3A_5 = arith.constant 0 : index
    %get3A_6 = arith.constant 0 : index
    %get3A_7 = vector.load %arg1[%get3A_4, %get3A_5, %get3A_6] : memref<2x2528x128xf32, #tpu.memory_space<vmem>>, vector<1x2528x128xf32>
    %get3A_8 = vector.shape_cast %get3A_7 : vector<1x2528x128xf32> to vector<2528x128xf32>
    %add3A = arith.addf %get3A_3, %get3A_8 : vector<2528x128xf32>
    %get3A_9 = arith.constant 0 : index
    %get3A_10 = arith.constant 0 : index
    %get3A_11 = vector.load %arg2[%get3A_9, %get3A_10] : memref<128x128xf32, #tpu.memory_space<vmem>>, vector<128x128xf32>
    %dot_general3A = arith.constant dense<0.000000e+00> : vector<2528x128xf32>
    %dot_general3A_12 = tpu.matmul %add3A, %get3A_11, %dot_general3A {dimension_numbers = #tpu.dot_dimension_numbers<[1], [0], [0], [1], [0, 0, 1, 1], [], []>, transpose_lhs_hint = false} : vector<2528x128xf32>, vector<128x128xf32>, vector<2528x128xf32> -> vector<2528x128xf32>
    %get3A_13 = arith.constant 0 : index
    %get3A_14 = arith.constant 0 : index
    %get3A_15 = vector.load %arg3[%get3A_13, %get3A_14] : memref<1x128xf32, #tpu.memory_space<vmem>>, vector<1x128xf32>
    %add3A_16 = vector.broadcast %get3A_15 : vector<1x128xf32> to vector<2528x128xf32>
    %add3A_17 = arith.addf %dot_general3A_12, %add3A_16 : vector<2528x128xf32>
    %max3A = arith.constant 0.000000e+00 : f32
    %max3A_18 = vector.broadcast %max3A : f32 to vector<2528x128xf32>
    %max3A_19 = arith.maximumf %add3A_17, %max3A_18 : vector<2528x128xf32>
    %get3A_20 = arith.constant 0 : index
    %get3A_21 = arith.constant 0 : index
    %get3A_22 = vector.load %arg4[%get3A_20, %get3A_21] : memref<1x128xf32, #tpu.memory_space<vmem>>, vector<1x128xf32>
    %mul3A = vector.broadcast %get3A_22 : vector<1x128xf32> to vector<2528x128xf32>
    %mul3A_23 = arith.mulf %max3A_19, %mul3A : vector<2528x128xf32>
    %reduce_sum3A = arith.constant dense<0.000000e+00> : vector<2528xf32>
    %reduce_sum3A_24 = vector.multi_reduction <add>, %mul3A_23, %reduce_sum3A [1] : vector<2528x128xf32> to vector<2528xf32>
    %broadcast_in_dim3A = vector.shape_cast %reduce_sum3A_24 : vector<2528xf32> to vector<2528x1xf32>
    %get3A_25 = arith.constant 0 : index
    %get3A_26 = arith.constant 0 : index
    %get3A_27 = vector.load %arg5[%get3A_25, %get3A_26] : memref<1x1xf32, #tpu.memory_space<vmem>>, vector<1x1xf32>
    %get3A_28 = vector.extract %get3A_27[0, 0] : f32 from vector<1x1xf32>
    %add3A_29 = vector.broadcast %get3A_28 : f32 to vector<2528x1xf32>
    %add3A_30 = arith.addf %broadcast_in_dim3A, %add3A_29 : vector<2528x1xf32>
    %swap3A = arith.constant 0 : index
    %swap3A_31 = arith.constant 0 : index
    %swap3A_32 = vector.load %arg6[%swap3A, %swap3A_31] : memref<2528x1xf32, #tpu.memory_space<vmem>>, vector<2528x1xf32>
    tpu.vector_store %arg6[%swap3A, %swap3A_31], %add3A_30 {strides = array<i32>} : memref<2528x1xf32, #tpu.memory_space<vmem>>, vector<2528x1xf32>,
    return
  }
  func.func @transform_0(%arg0: i32) -> (i32, i32, i32) {
    %c0_i32 = arith.constant 0 : i32
    %c0_i32_0 = arith.constant 0 : i32
    %c0_i32_1 = arith.constant 0 : i32
    return %c0_i32, %arg0, %c0_i32_0 : i32, i32, i32
  }
  func.func @transform_1(%arg0: i32) -> (i32, i32) {
    %c0_i32 = arith.constant 0 : i32
    %c0_i32_0 = arith.constant 0 : i32
    %c0_i32_1 = arith.constant 0 : i32
    return %c0_i32, %c0_i32_0 : i32, i32
  }
  func.func @transform_2(%arg0: i32) -> (i32, i32) {
    %c0_i32 = arith.constant 0 : i32
    %c0_i32_0 = arith.constant 0 : i32
    %c0_i32_1 = arith.constant 0 : i32
    return %c0_i32, %c0_i32_0 : i32, i32
  }
  func.func @transform_3(%arg0: i32) -> (i32, i32) {
    %c0_i32 = arith.constant 0 : i32
    %c0_i32_0 = arith.constant 0 : i32
    %c0_i32_1 = arith.constant 0 : i32
    return %c0_i32, %c0_i32_0 : i32, i32
  }
  func.func @transform_4(%arg0: i32) -> (i32, i32) {
    %c0_i32 = arith.constant 0 : i32
    %c0_i32_0 = arith.constant 0 : i32
    %c0_i32_1 = arith.constant 0 : i32
    return %c0_i32, %c0_i32_0 : i32, i32
  }
  func.func @transform_5(%arg0: i32) -> (i32, i32) {
    %c0_i32 = arith.constant 0 : i32
    %c0_i32_0 = arith.constant 0 : i32
    return %arg0, %c0_i32 : i32, i32
  }
}

</mosaic_0001>

<sc_bundles>
// kernel: kernel.4.cloned.1.call-start
scs
__scs_entry_jumppad:
0x0: {  	(pc) =	sbr.rel $0x88, $3  }
0x1: {  	(tag) =	ssettag $0x0;
	lr =	simm.s32 $0x1  }
0x2: {  	[smem:$0x3F9B] =	sst lr;
	_ =	strace $0xD0000000  }
0x3: {  	_ = 	snop  }
0x4: {  	_ = 	snop  }
0x5: {  	_ = 	snop  }
0x6: {  	_ = 	snop  }
0x7: {  	_ = 	snop  }
__scs_overlays_trampoline_lowered:
0x8: {  	[smem:$0x3FAA] =	sst s0  }
0x9: {  	[smem:$0x3FAB] =	sst s1  }
0xa: {  	[smem:$0x3FAC] =	sst s2  }
0xb: {  	[smem:$0x3FAD] =	sst s3  }
0xc: {  	[smem:$0x3FAE] =	sst s4  }
0xd: {  	[smem:$0x3FAF] =	sst s5  }
0xe: {  	[smem:$0x3FB0] =	sst s6  }
0xf: {  	[smem:$0x3FB1] =	sst s7  }
0x10: {  	[smem:$0x3FB2] =	sst s8  }
0x11: {  	[smem:$0x3FB3] =	sst s9;
	s0 =	simm.s32 @!p0 $0x0  }
0x12: {  	s1 =	sld [smem:$0x3F99];
	s0 =	simm.s32 @p0 $0x1  }
0x13: {  	[smem:$0x3FB4] =	sst s0;
	s0 =	simm.s32 @!p1 $0x0  }
0x14: {  	s2 =	sld [smem:$0x3F98];
	s0 =	simm.s32 @p1 $0x1  }
0x15: {  	[smem:$0x3FB5] =	sst s0;
	s0 =	simm.s32 @!p2 $0x0  }
0x16: {  	s3 =	sld [smem:$0x3FDB];
	s0 =	simm.s32 @p2 $0x1  }
0x17: {  	s4 =	simm.s32 $0x1BF5;
	[smem:$0x3FB7] =	sst s0  }
0x18: {  	s0 =	sld [smem:$0x3F9A];
	_ =	swait.ge [sflag:s4], $0x0  }
0x19: {  	s7 =	sld [smem:$0x3F9B]  }
0x1a: {  	s8 =	sadd.s32 $0xFFFFE003, lr  }
0x1b: {  	s9 =	sadd.s32 $0xFFFFFEF7, lr;
	s5 =	simm.s32 $0xFFFFFFFF;
	p2 =	slt.u32 s8, $0xFFFFF086  }
0x1c: {  	p1 =	slt.u32 s9, $0xF7A;
	s5 =	simm.s32 @!p2 $0x0  }
0x1d: {  	s5 =	simm.s32 @p1 $0x1;
	p0 =	seq.s32 s7, s2  }
0x1e: {  	s7 =	smul.u32 @!p0 $0xF7A, s2;
	p2 =	seq.s32 @!p0 s5, $0x0  }
0x1f: {  	s9 =	smul.u32 $0xF7A, s1;
	s8 =	simm.s32 @!p0 $0x1BF5;
	p2 =	por !p2, p0  }
0x20: {  	[sflag:s8] =	ssyncset.s32 @!p0 $0xFFFFF086;
	s6 =	sadd.s32 @!p0 s3, s7;
	s7 =	simm.s32 @!p0 $0x108  }
0x21: {  	s3 =	sadd.s32 s3, s9;
	s6 =	sadd.s32 @!p0 $0x88, s6;
	s7 =	simm.s32 @p2 $0x1082  }
0x22: {  	[simem:s7], [sflag:s8] =	dma.local @!p0 [hbm:s6], $0xF7A  }
0x23: {  	s9 =	sor.u32 $0xD0000000, s2;
	s6 =	simm.s32 $0x108;
	_ =	swait.ge @!p0 [sflag:s8], $0x0  }
0x24: {  	s3 =	sadd.s32 $0x88, s3;
	s6 =	simm.s32 @!p1 $0x1082;
	[sflag:s4] =	ssyncset.s32 $0xFFFFF086  }
0x25: {  	[simem:s6], [sflag:s4] =	dma.local [hbm:s3], $0xF7A  }
0x26: {  	[smem:$0x3F9B] =	sst s1;
	(tag) =	ssettag s2;
	_ =	strace s9  }
0x27: {  	s1 =	sld [smem:$0x3FAB]  }
0x28: {  	s2 =	sld [smem:$0x3FAC]  }
0x29: {  	s4 =	sld [smem:$0x3FAE]  }
0x2a: {  	p0 =	seq.s32 s5, $0x0;
	s5 =	sld [smem:$0x3FAF]  }
0x2b: {  	s6 =	sld [smem:$0x3FB0]  }
0x2c: {  	s7 =	sld [smem:$0x3FB1]  }
0x2d: {  	s3 =	simm.s32 $0x108;
	s8 =	sld [smem:$0x3FB2]  }
0x2e: {  	s3 =	simm.s32 @!p0 $0x1082;
	s9 =	sld [smem:$0x3FB3]  }
0x2f: {  	lr =	sadd.s32 s0, s3;
	s0 =	sld [smem:$0x3FAA]  }
0x30: {  	s3 =	sld [smem:$0x3FAD]  }
0x31: {  	[smem:$0x3FB6] =	sst s10  }
0x32: {  	s10 =	sld [smem:$0x3FB4];
	_ =	sdelay $0x3  }
0x33: {  	p0 =	seq.s32 s10, $0x1;
	s10 =	sld [smem:$0x3FB6];
	_ =	sdelay $0x3  }
0x34: {  	[smem:$0x3FB6] =	sst s10  }
0x35: {  	s10 =	sld [smem:$0x3FB5];
	_ =	sdelay $0x3  }
0x36: {  	p1 =	seq.s32 s10, $0x1;
	s10 =	sld [smem:$0x3FB6];
	_ =	sdelay $0x3  }
0x37: {  	[smem:$0x3FB6] =	sst s10  }
0x38: {  	s10 =	sld [smem:$0x3FB7]  }
0x39: {  	_ = 	snop;
	(pc) =	sbr.ind lr, $3  }
0x3a: {  	_ = 	snop  }
0x3b: {  	_ = 	snop  }
0x3c: {  	p2 =	seq.s32 s10, $0x1;
	s10 =	sld [smem:$0x3FB6]  }
0x3d: {  	_ =	shalt  }
0x3e: {  	_ =	shalt  }
0x3f: {  	_ =	shalt  }
0x40: {  	_ =	shalt  }
0x41: {  	_ =	shalt  }
0x42: {  	_ =	shalt  }
0x43: {  	_ =	shalt  }
0x44: {  	_ =	shalt  }
0x45: {  	_ =	shalt  }
0x46: {  	_ =	shalt  }
0x47: {  	_ =	shalt  }
0x48: {  	_ =	shalt  }
0x49: {  	_ =	shalt  }
0x4a: {  	_ =	shalt  }
0x4b: {  	_ =	shalt  }
0x4c: {  	_ =	shalt  }
0x4d: {  	_ =	shalt  }
0x4e: {  	_ =	shalt  }
0x4f: {  	_ =	shalt  }
0x50: {  	_ =	shalt  }
0x51: {  	_ =	shalt  }
0x52: {  	_ =	shalt  }
0x53: {  	_ =	shalt  }
0x54: {  	_ =	shalt  }
0x55: {  	_ =	shalt  }
0x56: {  	_ =	shalt  }
0x57: {  	_ =	shalt  }
0x58: {  	_ =	shalt  }
0x59: {  	_ =	shalt  }
0x5a: {  	_ =	shalt  }
0x5b: {  	_ =	shalt  }
0x5c: {  	_ =	shalt  }
0x5d: {  	_ =	shalt  }
0x5e: {  	_ =	shalt  }
0x5f: {  	_ =	shalt  }
0x60: {  	_ =	shalt  }
0x61: {  	_ =	shalt  }
0x62: {  	_ =	shalt  }
0x63: {  	_ =	shalt  }
0x64: {  	_ =	shalt  }
0x65: {  	_ =	shalt  }
0x66: {  	_ =	shalt  }
0x67: {  	_ =	shalt  }
0x68: {  	_ =	shalt  }
0x69: {  	_ =	shalt  }
0x6a: {  	_ =	shalt  }
0x6b: {  	_ =	shalt  }
0x6c: {  	_ =	shalt  }
0x6d: {  	_ =	shalt  }
0x6e: {  	_ =	shalt  }
0x6f: {  	_ =	shalt  }
0x70: {  	_ =	shalt  }
0x71: {  	_ =	shalt  }
0x72: {  	_ =	shalt  }
0x73: {  	_ =	shalt  }
0x74: {  	_ =	shalt  }
0x75: {  	_ =	shalt  }
0x76: {  	_ =	shalt  }
0x77: {  	_ =	shalt  }
0x78: {  	_ =	shalt  }
0x79: {  	_ =	shalt  }
0x7a: {  	_ =	shalt  }
0x7b: {  	_ =	shalt  }
0x7c: {  	_ =	shalt  }
0x7d: {  	_ =	shalt  }
0x7e: {  	_ =	shalt  }
0x7f: {  	_ =	shalt  }
0x80: {  	_ =	shalt  }
0x81: {  	_ =	shalt  }
0x82: {  	_ =	shalt  }
0x83: {  	_ =	shalt  }
0x84: {  	_ =	shalt  }
0x85: {  	_ =	shalt  }
0x86: {  	_ =	shalt  }
0x87: {  	_ =	shalt  }
.Lfunc_end0:
.L_simem_size_0:
called_computation_lowered:
.L_overlay_start_0:
0x88: {  	s2 =	sld [smem:$0x3FD9]  }
0x89: {  	s3 =	sld [smem:$0x3FFE];
	_ =	sdelay $0x1  }
0x8a: {  	s1 =	srdreg.scid  }
0x8b: {  	s0 =	sand.u32 $0x1, s1  }
0x8c: {  	s17 =	sshll.u32 s0, $0xA;
	s2 =	sadd.s32 s3, s2  }
0x8d: {  	s2 =	sadd.s32 s2, s17  }
0x8e: {  	[smem:$0x3FC2] =	sst s2  }
0x8f: {  	_ = 	snop  }
0x90: {  	s2 =	sld [smem:$0x3FC9];
	(tm) =	ssettm $0x1  }
0x91: {  	s18 =	sld [smem:$0x3FFB];
	_ =	sdelay $0x3  }
0x92: {  	_ =	strace s18  }
0x93: {  	s3 =	sld [smem:$0x3FFC];
	_ =	sdelay $0x3  }
0x94: {  	_ =	strace s3  }
0x95: {  	s3 =	sld [smem:$0x3FFD];
	_ =	sdelay $0x3  }
0x96: {  	_ =	strace s3  }
0x97: {  	_ =	strace $0x8FFFFFFF  }
0x98: {  	s19 =	sld [smem:$0x3FDB];
	_ =	sdelay $0x1  }
0x99: {  	s4 =	simm.s32 $_scs_section_size  }
0x9a: {  	s5 =	simm.s32 $_size__tile_overlayer_lowered;
	s6 =	simm.s32 $_tile_overlayer_lowered  }
0x9b: {  	s22 =	simm.s32 $0x1BFF;
	s21 =	sshll.u32 s6, $0x1;
	s3 =	sadd.s32 s4, s19  }
0x9c: {  	s7 =	simm.s32 $0x0;
	s20 =	sshll.u32 s5, $0x1;
	s5 =	sadd.s32 s21, s3  }
0x9d: {  	[timem:s7], [sflag:s22] =	dma.local [hbm:s5], s20  }
0x9e: {  	_ =	swait.ge [sflag:s22], s20  }
0x9f: {  	s4 =	ssub.s32 $0x0, s20;
	[sflag:s22] =	ssyncset.done $0x0  }
0xa0: {  	[sflag:s22] =	ssyncadd.s32 s4;
	_ =	sdelay $0x1  }
0xa1: {  	s23 =	simm.s32 $0x1B8B  }
0xa2: {  	_ =	swait.ge [sflag:s23], $0x1  }
0xa3: {  	[sflag:s23] =	ssyncset.done $0x0  }
0xa4: {  	s25 =	simm.s32 $0x1B8E;
	s24 =	sld [smem:$0x3FFE];
	[sflag:s23] =	ssyncadd.s32 $0xFFFFFFFF  }
0xa5: {  	s26 =	simm.s32 $execute0_lowered;
	[smem:$0x3FD2] =	sst s25  }
0xa6: {  	s5 =	sshll.u32 s26, $0x1;
	_ =	strace $0x80000046;
	[dreg:$0x1] =	wrdreg $0xFFFFFFFF  }
0xa7: {  	s28 =	simm.s32 $_size_execute0_lowered;
	s3 =	sadd.s32 s3, s5;
	[dreg:$0x0] =	wrdreg $0x0  }
0xa8: {  	s5 =	sshll.u32 s28, $0x1;
	[dreg:$0x2] =	wrdreg s3  }
0xa9: {  	[dreg:$0x3] =	wrdreg s5  }
0xaa: {  	[dreg:$0x4] =	wrdreg $0xC0  }
0xab: {  	_ =	task [dreg:s7], $0x5FFFF  }
0xac: {  	[dreg:$0x1] =	wrdreg $0xFFFFFFFF  }
0xad: {  	[dreg:$0x0] =	wrdreg $0x60  }
0xae: {  	[dreg:$0x2] =	wrdreg s2  }
0xaf: {  	[dreg:$0x3] =	wrdreg s24  }
0xb0: {  	[dreg:$0x4] =	wrdreg $0xB8000  }
0xb1: {  	[dreg:$0x5] =	wrdreg $0x9  }
0xb2: {  	_ =	task.clear_ibuf [dreg:s7], $0x6FFFF;
	_ =	strace $0x90000046  }
0xb3: {  	s29 =	simm.s32 $0x9;
	_ =	strace $0x80000048  }
0xb4: {  	_ =	swait.ge [sflag:s29], $0x1  }
0xb5: {  	[sflag:s29] =	ssyncadd.s32 $0xFFFFFFFF  }
0xb6: {  	_ =	strace $0x90000048  }
0xb7: {  	_ =	sfence  }
0xb8: {  	s30 =	sld [smem:$0x0];
	_ =	sdelay $0x2  }
0xb9: {  	s31 =	sshll.u32 s1, $0xD;
	s1 =	sshrl.u32 s1, $0x2  }
0xba: {  	s3 =	sand.u32 $0x4000, s31;
	s1 =	sadd.s32 s1, s30  }
0xbb: {  	s0 =	sor.u32 s3, s0;
	s1 =	sshll.u32 s1, $0x11  }
0xbc: {  	s0 =	sor.u32 s1, s0  }
0xbd: {  	s0 =	sadd.s32 $0x8F2B, s0  }
0xbe: {  	[sflag:s0] =	ssyncadd.remote.s32 $0x1  }
0xbf: {  	_ =	sfence.sel $0xFFFF  }
0xc0: {  	[dreg:$0x0] =	wrdreg $0xFFFFFFFF;
	(pc) =	sbr.abs _section_cstart, $3  }
0xc1: {  	[dreg:$0x1] =	wrdreg $0xFFFFFFFF  }
0xc2: {  	_ =	task.clear_ibuf [dreg:s7], $0x2FFFF;
	_ =	strace $0x9FFFFFFF  }
0xc3: {  	(tm) =	ssettm $0x7FFFFFFF  }
tec
execute0_lowered:
.L_overlay_start_1:
0x0: {  	(tag) =	ssettag $0x1  }
0x1: {  	s1 =	rddreg [dreg:$0x0]  }
0x2: {  	s0 =	rddreg [dreg:$0x1]  }
0x3: {  	s2 =	rddreg [dreg:$0x2];
	s3 =	srdreg.scid  }
0x4: {  	s4 =	simm.s32 $0x0;
	s9 =	stileid.u32;
	s30 =	simm.s32 $0x400  }
0x5: {  	s28 =	simm.s32 $0x2;
	s29 =	simm.s32 $0x180;
	s6 =	smul.u32 $0x13C00, s9  }
0x6: {  	s31 =	simm.s32 $0xA;
	s3 =	sand.u32 $0x1, s3;
	s7 =	smul.u32 $0x4F000, s9  }
0x7: {  	[smem:$0x7FF] =	sst s4;
	s15 =	sshll.u32 s9, $0x1;
	s9 =	smul.u32 $0xA800, s9  }
0x8: {  	s10 =	sadd.s32 $0x800, s0;
	s5 =	smul.u32 $0x13C000, s3;
	s16 =	ssub.s32 $0x2, s3  }
0x9: {  	_ =	strace $0x80000047;
	s8 =	sshrl.u32 s16, $0x1;
	s7 =	sshrl.u32 s7, $0x2  }
0xa: {  	s5 =	sadd.s32 s6, s5;
	s6 =	sor.u32 s3, s15;
	s21 =	sadd.s32 s7, s2  }
0xb: {  	s3 =	smul.u32 $0x5400, s3;
	s7 =	sadd.s32 $0x3C00, s21;
	[dreg:$0x4] =	wrdreg s21  }
0xc: {  	s5 =	sshrl.u32 s5, $0x3;
	s17 =	sadd.s32 $0x7800, s21;
	[dreg:$0x5] =	wrdreg s7  }
0xd: {  	s6 =	smul.u32 $0x5400, s6;
	s18 =	sadd.s32 $0xB400, s21;
	[dreg:$0x6] =	wrdreg s17  }
0xe: {  	s19 =	sadd.s32 $0xF000, s21;
	s0 =	sadd.s32 s5, s0;
	[dreg:$0x7] =	wrdreg s18  }
0xf: {  	s5 =	ssub.s32 s16, s8;
	[dreg:$0x8] =	wrdreg s19;
	s3 =	sadd.s32 s3, s9  }
0x10: {  	s6 =	sshrl.u32 s6, $0x3;
	s20 =	sadd.s32 $0xE00, s3;
	s22 =	sadd.s32 $0xD00, s3  }
0x11: {  	s0 =	sadd.s32 $0x15800, s0;
	s5 =	smax.u32 s5, $0x1;
	s26 =	sadd.s32 $0xC00, s3  }
0x12: {  	s7 =	sadd.s32 $0x900, s3;
	s12 =	sadd.s32 $0x800, s3;
	s13 =	sadd.s32 $0x700, s3  }
0x13: {  	s14 =	sadd.s32 $0x600, s3;
	s17 =	sadd.s32 $0x500, s3;
	[dreg:$0xa] =	wrdreg s0  }
0x14: {  	s18 =	sadd.s32 $0x400, s3;
	s8 =	sadd.s32 s10, s6;
	[dreg:$0xb] =	wrdreg s5  }
0x15: {  	s23 =	sshrl.u32 s20, $0x3;
	s24 =	sshrl.u32 s22, $0x3;
	[dreg:$0xe] =	wrdreg s26  }
0x16: {  	s5 =	sadd.s32 $0xB00, s3;
	s6 =	sadd.s32 $0xA00, s3;
	s11 =	sshrl.u32 s7, $0x3  }
0x17: {  	s16 =	sshrl.u32 s14, $0x3;
	s3 =	sor.u32 $0x300, s3;
	s20 =	sadd.s32 $0x12C00, s21  }
0x18: {  	s7 =	simm.s32 $0x7;
	s14 =	simm.s32 $0x280;
	s0 =	sadd.s32 s23, s10  }
0x19: {  	s25 =	sadd.s32 s24, s10;
	s19 =	sshrl.u32 s3, $0x3;
	[dreg:$0x16] =	wrdreg s20  }
0x1a: {  	s23 =	smov.u32 s10;
	s22 =	sadd.s32 $0x20, s8;
	[dreg:$0x9] =	wrdreg s8  }
0x1b: {  	s26 =	sadd.s32 $0x40, s8;
	s3 =	simm.s32 $0x200;
	[dreg:$0xc] =	wrdreg s0  }
0x1c: {  	s8 =	simm.s32 $0x78;
	s20 =	simm.s32 $0x0;
	[dreg:$0xd] =	wrdreg s25  }
0x1d: {  	s0 =	sshrl.u32 s5, $0x3;
	s5 =	sshrl.u32 s6, $0x3;
	[dreg:$0x17] =	wrdreg s22  }
0x1e: {  	s25 =	sadd.s32 s19, s10;
	[dreg:$0x18] =	wrdreg s26;
	s22 =	simm.s32 $0xB  }
0x1f: {  	s26 =	simm.s32 $0x7C00;
	s6 =	simm.s32 $0x4;
	s0 =	sadd.s32 s0, s10  }
0x20: {  	s9 =	sadd.s32 s5, s10;
	s5 =	sshrl.u32 s13, $0x3;
	[dreg:$0xf] =	wrdreg s0  }
0x21: {  	s13 =	simm.s32 $0x80;
	[dreg:$0x10] =	wrdreg s9;
	s0 =	sadd.s32 s11, s10  }
0x22: {  	s15 =	sadd.s32 s5, s10;
	s5 =	sshrl.u32 s18, $0x3;
	s9 =	simm.s32 $0x8  }
0x23: {  	s11 =	simm.s32 $0x9;
	s18 =	simm.s32 $0x6;
	[dreg:$0x11] =	wrdreg s0  }
0x24: {  	s0 =	sshrl.u32 s12, $0x3;
	[dreg:$0x13] =	wrdreg s15;
	s24 =	sadd.s32 s5, s10  }
.Ltmp0:
0x25: {  	s12 =	simm.s32 $0x1;
	s0 =	sadd.s32 s0, s10;
	(pc) =	sbr.rel .LBB2_1-.Ltmp0, $4  }
0x26: {  	s5 =	simm.s32 $0x3;
	[dreg:$0x12] =	wrdreg s0;
	s0 =	sadd.s32 s16, s10  }
0x27: {  	s15 =	simm.s32 $0x5;
	[dreg:$0x14] =	wrdreg s0;
	s0 =	sshrl.u32 s17, $0x3  }
0x28: {  	s16 =	simm.s32 $0x300;
	s17 =	simm.s32 $0x380;
	s0 =	sadd.s32 s0, s10  }
0x29: {  	v0 =	vimm.f32 $0.0e+00;
	s10 =	simm.s32 $0x4000;
	[dreg:$0x15] =	wrdreg s0;
	s0 =	simm.s32 $0x100  }
.LBB2_6:
0x2a: {  	_ =	swait.ge [sflag:s5], $0x3C00  }
0x2b: {  	[sflag:s5] =	ssyncset.done $0x0  }
0x2c: {  	[sflag:s5] =	ssyncadd.s32 $0xFFFFC400  }
0x2d: {  	[spmem:s2] =	stream.indirect.scatter.add.f32 [tilespmem:s26], [sflag:$0x6], $0x80, s17, s8, $0xb8;
	[tilespmem:$0x1F400] =	vst v63  }
0x2e: {  	_ =	swait.ge [sflag:s15], $0x3C00  }
0x2f: {  	[sflag:s15] =	ssyncset.done $0x0  }
0x30: {  	[sflag:s15] =	ssyncadd.s32 $0xFFFFC400  }
0x31: {  	_ =	swait.ge [sflag:s18], $0x3C00  }
0x32: {  	[sflag:s18] =	ssyncset.done $0x0  }
0x33: {  	[sflag:s18] =	ssyncadd.s32 $0xFFFFC400  }
0x34: {  	s19 =	stileid.u32;
	[bflag:$0x0] =	sbarrier.arrive $0xFFFF  }
0x35: {  	s19 =	sshll.u32 s19, $0x6;
	s21 =	rddreg [dreg:$0x4]  }
0x36: {  	s19 =	sor.u32 $0x1C0B, s19;
	s22 =	rddreg [dreg:$0xa];
	s20 =	sshrl.u32 s21, $0x3  }
0x37: {  	[hbm:s22], [sflag:s19] =	dma.local [spmem:s20], $0x2780  }
0x38: {  	s22 =	simm.s32 $0xB  }
0x39: {  	_ =	swait.ge [sflag:s22], $0x2780  }
0x3a: {  	s19 =	rddreg [dreg:$0x19]  }
0x3b: {  	s20 =	sadd.s32 $0x1, s19;
	s19 =	rddreg [dreg:$0xb]  }
0x3c: {  	p0 =	sne.s32 s20, s19  }
.Ltmp1:
0x3d: {  	_ = 	snop;
	(pc) =	sbr.rel @!p0 .LBB2_7-.Ltmp1, $3  }
0x3e: {  	_ =	sdelay $0x1  }
0x3f: {  	[sflag:s22] =	ssyncset.done $0x0  }
0x40: {  	[sflag:s22] =	ssyncadd.s32 $0xFFFFD880  }
.LBB2_1:
0x41: {  	[dreg:$0x19] =	wrdreg s20;
	s19 =	simm.s32 $0x0;
	s20 =	simm.s32 $0x200  }
.LBB2_2:
0x42: {  	p0 =	sne.s32 s20, $0xEE00;
	[tilespmem:s19+$0x470] =	vst v0  }
0x43: {  	[tilespmem:s19+$0x400] =	vst v0  }
0x44: {  	[tilespmem:s19+$0x410] =	vst v0  }
.Ltmp2:
0x45: {  	[tilespmem:s19+$0x420] =	vst v0;
	(pc) =	sbr.rel @p0 .LBB2_2-.Ltmp2, $4  }
0x46: {  	[tilespmem:s19+$0x430] =	vst v0  }
0x47: {  	[tilespmem:s19+$0x440] =	vst v0  }
0x48: {  	[tilespmem:s19+$0x450] =	vst v0  }
0x49: {  	[tilespmem:s19+$0x460] =	vst v0;
	s19 =	sshra.s32 s20, $0x2;
	s20 =	sadd.s32 $0x200, s20  }
0x4a: {  	[tilespmem:s19+$0x470] =	vst v0  }
0x4b: {  	[tilespmem:s19+$0x400] =	vst v0  }
0x4c: {  	[tilespmem:s19+$0x410] =	vst v0  }
0x4d: {  	[tilespmem:s19+$0x420] =	vst v0  }
0x4e: {  	[tilespmem:s19+$0x430] =	vst v0  }
0x4f: {  	[tilespmem:s19+$0x440] =	vst v0  }
0x50: {  	[tilespmem:s19+$0x450] =	vst v0  }
0x51: {  	[tilespmem:s19+$0x460] =	vst v0  }
0x52: {  	[spmem:s21] =	stream.linear.scatter [tilespmem:s30], [sflag:$0xB], $0x3C00, $0x38;
	[tilespmem:$0x1F400] =	vst v63  }
0x53: {  	_ =	swait.ge [sflag:s22], $0x3C00  }
0x54: {  	[sflag:s22] =	ssyncset.done $0x0  }
0x55: {  	s20 =	rddreg [dreg:$0x5];
	[sflag:s22] =	ssyncadd.s32 $0xFFFFC400  }
0x56: {  	[spmem:s20] =	stream.linear.scatter [tilespmem:s30], [sflag:$0xB], $0x3C00, $0x38;
	[tilespmem:$0x1F400] =	vst v63  }
0x57: {  	_ =	swait.ge [sflag:s22], $0x3C00  }
0x58: {  	[sflag:s22] =	ssyncset.done $0x0  }
0x59: {  	s21 =	rddreg [dreg:$0x6];
	[sflag:s22] =	ssyncadd.s32 $0xFFFFC400  }
0x5a: {  	[spmem:s21] =	stream.linear.scatter [tilespmem:s30], [sflag:$0xB], $0x3C00, $0x38;
	[tilespmem:$0x1F400] =	vst v63  }
0x5b: {  	_ =	swait.ge [sflag:s22], $0x3C00  }
0x5c: {  	[sflag:s22] =	ssyncset.done $0x0  }
0x5d: {  	s20 =	rddreg [dreg:$0x7];
	[sflag:s22] =	ssyncadd.s32 $0xFFFFC400  }
0x5e: {  	[spmem:s20] =	stream.linear.scatter [tilespmem:s30], [sflag:$0xB], $0x3C00, $0x38;
	[tilespmem:$0x1F400] =	vst v63  }
0x5f: {  	_ =	swait.ge [sflag:s22], $0x3C00  }
0x60: {  	[sflag:s22] =	ssyncset.done $0x0  }
0x61: {  	s21 =	rddreg [dreg:$0x8];
	[sflag:s22] =	ssyncadd.s32 $0xFFFFC400  }
0x62: {  	[spmem:s21] =	stream.linear.scatter [tilespmem:s30], [sflag:$0xB], $0x3C00, $0x38;
	[tilespmem:$0x1F400] =	vst v63  }
0x63: {  	_ =	swait.ge [sflag:s22], $0x3C00  }
0x64: {  	[sflag:s22] =	ssyncset.done $0x0  }
0x65: {  	s20 =	rddreg [dreg:$0x16];
	[sflag:s22] =	ssyncadd.s32 $0xFFFFC400  }
0x66: {  	[spmem:s20] =	stream.linear.scatter [tilespmem:s30], [sflag:$0xB], $0x1000, $0x38;
	[tilespmem:$0x1F400] =	vst v63  }
0x67: {  	_ =	swait.ge [sflag:s22], $0x1000  }
0x68: {  	[sflag:s22] =	ssyncset.done $0x0  }
0x69: {  	[sflag:s22] =	ssyncadd.s32 $0xFFFFF000  }
0x6a: {  	[bflag:$0x0] =	sbarrier.arrive $0xFFFF  }
0x6b: {  	s19 =	simm.s32 $0x0;
	s20 =	rddreg [dreg:$0x9]  }
0x6c: {  	[tilespmem:s19], [sflag:$0x7] =	stream.linear.gather [hbm4b:s20+s19], $0x100, $0x38;
	[tilespmem:$0x1F400] =	vst v63  }
0x6d: {  	s21 =	rddreg [dreg:$0x17]  }
0x6e: {  	[tilespmem:s0], [sflag:$0x8] =	stream.linear.gather [hbm4b:s21+s19], $0x100, $0x38;
	[tilespmem:$0x1F400] =	vst v63  }
0x6f: {  	s22 =	rddreg [dreg:$0x18]  }
0x70: {  	[tilespmem:s3], [sflag:$0x9] =	stream.linear.gather [hbm4b:s22+s19], $0x100, $0x38;
	[tilespmem:$0x1F400] =	vst v63  }
0x71: {  	_ =	swait.ge [sflag:s7], $0x100  }
0x72: {  	[sflag:s7] =	ssyncset.done $0x0  }
0x73: {  	[sflag:s7] =	ssyncadd.s32 $0xFFFFFF00  }
0x74: {  	[tilespmem:s30], [sflag:$0x1] =	stream.indirect.gather [hbm4b:s1+s8], $0x80, s19, s8, $0xb8;
	[tilespmem:$0x1F400] =	vst v63  }
0x75: {  	_ =	swait.ge [sflag:s9], $0x100  }
0x76: {  	[sflag:s9] =	ssyncset.done $0x0  }
0x77: {  	s20 =	rddreg [dreg:$0xe];
	[sflag:s9] =	ssyncadd.s32 $0xFFFFFF00  }
0x78: {  	[tilespmem:s10], [sflag:$0x2] =	stream.indirect.gather [hbm4b:s1+s8], $0x80, s0, s8, $0xb8;
	[tilespmem:$0x1F400] =	vst v63  }
.LBB2_4:
0x79: {  	_ =	swait.ge [sflag:s12], $0x3C00  }
0x7a: {  	p0 =	seq.s32 s19, $0x0;
	[sflag:s12] =	ssyncset.done $0x0  }
0x7b: {  	s21 =	simm.s32 @!p0 $0x6;
	[sflag:s12] =	ssyncadd.s32 $0xFFFFC400  }
0x7c: {  	[spmem:s2] =	stream.indirect.scatter.add.f32 [tilespmem:s30], [sflag:$0x4], $0x80, s13, s8, $0xb8;
	[tilespmem:$0x1F400] =	vst v63  }
0x7d: {  	_ =	swait.ge @!p0 [sflag:s21], $0x3C00  }
0x7e: {  	[sflag:s21] =	ssyncset.done @!p0 $0x0  }
0x7f: {  	s22 =	sadd.s32 s19, s25;
	[sflag:s21] =	ssyncadd.s32 @!p0 $0xFFFFC400  }
0x80: {  	[tilespmem:s16], [sflag:$0xA] =	stream.linear.gather [hbm4b:s22+s4], $0x100, $0x38;
	[tilespmem:$0x1F400] =	vst v63  }
0x81: {  	_ =	swait.ge [sflag:s11], $0x100  }
0x82: {  	[sflag:s11] =	ssyncset.done $0x0  }
0x83: {  	[sflag:s11] =	ssyncadd.s32 $0xFFFFFF00  }
0x84: {  	[tilespmem:s26], [sflag:$0x3] =	stream.indirect.gather [hbm4b:s1+s8], $0x80, s3, s8, $0xb8;
	[tilespmem:$0x1F400] =	vst v63  }
0x85: {  	_ =	swait.ge [sflag:s28], $0x3C00  }
0x86: {  	[sflag:s28] =	ssyncset.done $0x0  }
0x87: {  	[sflag:s28] =	ssyncadd.s32 $0xFFFFC400  }
0x88: {  	[spmem:s2] =	stream.indirect.scatter.add.f32 [tilespmem:s10], [sflag:$0x5], $0x80, s29, s8, $0xb8;
	[tilespmem:$0x1F400] =	vst v63  }
0x89: {  	_ =	swait.ge [sflag:s6], $0x3C00  }
0x8a: {  	[sflag:s6] =	ssyncset.done $0x0  }
0x8b: {  	s22 =	sadd.s32 s19, s24;
	[sflag:s6] =	ssyncadd.s32 $0xFFFFC400  }
0x8c: {  	[tilespmem:s4], [sflag:$0x7] =	stream.linear.gather [hbm4b:s22+s4], $0x100, $0x38;
	[tilespmem:$0x1F400] =	vst v63  }
0x8d: {  	_ =	swait.ge [sflag:s31], $0x100  }
0x8e: {  	[sflag:s31] =	ssyncset.done $0x0  }
0x8f: {  	[sflag:s31] =	ssyncadd.s32 $0xFFFFFF00  }
0x90: {  	[tilespmem:s30], [sflag:$0x1] =	stream.indirect.gather [hbm4b:s1+s8], $0x80, s16, s8, $0xb8;
	[tilespmem:$0x1F400] =	vst v63  }
0x91: {  	_ =	swait.ge [sflag:s5], $0x3C00  }
0x92: {  	[sflag:s5] =	ssyncset.done $0x0  }
0x93: {  	[sflag:s5] =	ssyncadd.s32 $0xFFFFC400  }
0x94: {  	[spmem:s2] =	stream.indirect.scatter.add.f32 [tilespmem:s26], [sflag:$0x6], $0x80, s14, s8, $0xb8;
	[tilespmem:$0x1F400] =	vst v63  }
0x95: {  	_ =	swait.ge [sflag:s15], $0x3C00  }
0x96: {  	[sflag:s15] =	ssyncset.done $0x0;
	s22 =	rddreg [dreg:$0x15]  }
0x97: {  	[sflag:s15] =	ssyncadd.s32 $0xFFFFC400;
	s21 =	sadd.s32 s19, s22  }
0x98: {  	[tilespmem:s0], [sflag:$0x8] =	stream.linear.gather [hbm4b:s21+s4], $0x100, $0x38;
	[tilespmem:$0x1F400] =	vst v63  }
0x99: {  	_ =	swait.ge [sflag:s7], $0x100  }
0x9a: {  	[sflag:s7] =	ssyncset.done $0x0  }
0x9b: {  	[sflag:s7] =	ssyncadd.s32 $0xFFFFFF00  }
0x9c: {  	[tilespmem:s10], [sflag:$0x2] =	stream.indirect.gather [hbm4b:s1+s8], $0x80, s4, s8, $0xb8;
	[tilespmem:$0x1F400] =	vst v63  }
0x9d: {  	_ =	swait.ge [sflag:s12], $0x3C00  }
0x9e: {  	[sflag:s12] =	ssyncset.done $0x0  }
0x9f: {  	[sflag:s12] =	ssyncadd.s32 $0xFFFFC400  }
0xa0: {  	[spmem:s2] =	stream.indirect.scatter.add.f32 [tilespmem:s30], [sflag:$0x4], $0x80, s17, s8, $0xb8;
	[tilespmem:$0x1F400] =	vst v63  }
0xa1: {  	_ =	swait.ge [sflag:s18], $0x3C00  }
0xa2: {  	[sflag:s18] =	ssyncset.done $0x0;
	s22 =	rddreg [dreg:$0x14]  }
0xa3: {  	[sflag:s18] =	ssyncadd.s32 $0xFFFFC400;
	s21 =	sadd.s32 s19, s22  }
0xa4: {  	[tilespmem:s3], [sflag:$0x9] =	stream.linear.gather [hbm4b:s21+s4], $0x100, $0x38;
	[tilespmem:$0x1F400] =	vst v63  }
0xa5: {  	_ =	swait.ge [sflag:s9], $0x100  }
0xa6: {  	[sflag:s9] =	ssyncset.done $0x0  }
0xa7: {  	[sflag:s9] =	ssyncadd.s32 $0xFFFFFF00  }
0xa8: {  	[tilespmem:s26], [sflag:$0x3] =	stream.indirect.gather [hbm4b:s1+s8], $0x80, s0, s8, $0xb8;
	[tilespmem:$0x1F400] =	vst v63  }
0xa9: {  	_ =	swait.ge [sflag:s28], $0x3C00  }
0xaa: {  	[sflag:s28] =	ssyncset.done $0x0  }
0xab: {  	[sflag:s28] =	ssyncadd.s32 $0xFFFFC400  }
0xac: {  	[spmem:s2] =	stream.indirect.scatter.add.f32 [tilespmem:s10], [sflag:$0x5], $0x80, s13, s8, $0xb8;
	[tilespmem:$0x1F400] =	vst v63  }
0xad: {  	_ =	swait.ge [sflag:s6], $0x3C00  }
0xae: {  	[sflag:s6] =	ssyncset.done $0x0;
	s22 =	rddreg [dreg:$0x13]  }
0xaf: {  	[sflag:s6] =	ssyncadd.s32 $0xFFFFC400;
	s21 =	sadd.s32 s19, s22  }
0xb0: {  	[tilespmem:s16], [sflag:$0xA] =	stream.linear.gather [hbm4b:s21+s4], $0x100, $0x38;
	[tilespmem:$0x1F400] =	vst v63  }
0xb1: {  	_ =	swait.ge [sflag:s11], $0x100  }
0xb2: {  	[sflag:s11] =	ssyncset.done $0x0  }
0xb3: {  	[sflag:s11] =	ssyncadd.s32 $0xFFFFFF00  }
0xb4: {  	[tilespmem:s30], [sflag:$0x1] =	stream.indirect.gather [hbm4b:s1+s8], $0x80, s3, s8, $0xb8;
	[tilespmem:$0x1F400] =	vst v63  }
0xb5: {  	_ =	swait.ge [sflag:s5], $0x3C00  }
0xb6: {  	[sflag:s5] =	ssyncset.done $0x0  }
0xb7: {  	[sflag:s5] =	ssyncadd.s32 $0xFFFFC400  }
0xb8: {  	[spmem:s2] =	stream.indirect.scatter.add.f32 [tilespmem:s26], [sflag:$0x6], $0x80, s29, s8, $0xb8;
	[tilespmem:$0x1F400] =	vst v63  }
0xb9: {  	_ =	swait.ge [sflag:s15], $0x3C00  }
0xba: {  	[sflag:s15] =	ssyncset.done $0x0;
	s22 =	rddreg [dreg:$0x12]  }
0xbb: {  	[sflag:s15] =	ssyncadd.s32 $0xFFFFC400;
	s21 =	sadd.s32 s19, s22  }
0xbc: {  	[tilespmem:s4], [sflag:$0x7] =	stream.linear.gather [hbm4b:s21+s4], $0x100, $0x38;
	[tilespmem:$0x1F400] =	vst v63  }
0xbd: {  	_ =	swait.ge [sflag:s31], $0x100  }
0xbe: {  	[sflag:s31] =	ssyncset.done $0x0  }
0xbf: {  	[sflag:s31] =	ssyncadd.s32 $0xFFFFFF00  }
0xc0: {  	[tilespmem:s10], [sflag:$0x2] =	stream.indirect.gather [hbm4b:s1+s8], $0x80, s16, s8, $0xb8;
	[tilespmem:$0x1F400] =	vst v63  }
0xc1: {  	_ =	swait.ge [sflag:s12], $0x3C00  }
0xc2: {  	[sflag:s12] =	ssyncset.done $0x0  }
0xc3: {  	[sflag:s12] =	ssyncadd.s32 $0xFFFFC400  }
0xc4: {  	[spmem:s2] =	stream.indirect.scatter.add.f32 [tilespmem:s30], [sflag:$0x4], $0x80, s14, s8, $0xb8;
	[tilespmem:$0x1F400] =	vst v63  }
0xc5: {  	_ =	swait.ge [sflag:s18], $0x3C00  }
0xc6: {  	[sflag:s18] =	ssyncset.done $0x0;
	s22 =	rddreg [dreg:$0x11]  }
0xc7: {  	[sflag:s18] =	ssyncadd.s32 $0xFFFFC400;
	s21 =	sadd.s32 s19, s22  }
0xc8: {  	[tilespmem:s0], [sflag:$0x8] =	stream.linear.gather [hbm4b:s21+s4], $0x100, $0x38;
	[tilespmem:$0x1F400] =	vst v63  }
0xc9: {  	_ =	swait.ge [sflag:s7], $0x100  }
0xca: {  	[sflag:s7] =	ssyncset.done $0x0  }
0xcb: {  	[sflag:s7] =	ssyncadd.s32 $0xFFFFFF00  }
0xcc: {  	[tilespmem:s26], [sflag:$0x3] =	stream.indirect.gather [hbm4b:s1+s8], $0x80, s4, s8, $0xb8;
	[tilespmem:$0x1F400] =	vst v63  }
0xcd: {  	_ =	swait.ge [sflag:s28], $0x3C00  }
0xce: {  	[sflag:s28] =	ssyncset.done $0x0  }
0xcf: {  	[sflag:s28] =	ssyncadd.s32 $0xFFFFC400  }
0xd0: {  	[spmem:s2] =	stream.indirect.scatter.add.f32 [tilespmem:s10], [sflag:$0x5], $0x80, s17, s8, $0xb8;
	[tilespmem:$0x1F400] =	vst v63  }
0xd1: {  	_ =	swait.ge [sflag:s6], $0x3C00  }
0xd2: {  	[sflag:s6] =	ssyncset.done $0x0;
	s22 =	rddreg [dreg:$0x10]  }
0xd3: {  	[sflag:s6] =	ssyncadd.s32 $0xFFFFC400;
	s21 =	sadd.s32 s19, s22  }
0xd4: {  	[tilespmem:s3], [sflag:$0x9] =	stream.linear.gather [hbm4b:s21+s4], $0x100, $0x38;
	[tilespmem:$0x1F400] =	vst v63  }
0xd5: {  	_ =	swait.ge [sflag:s9], $0x100  }
0xd6: {  	[sflag:s9] =	ssyncset.done $0x0  }
0xd7: {  	[sflag:s9] =	ssyncadd.s32 $0xFFFFFF00  }
0xd8: {  	[tilespmem:s30], [sflag:$0x1] =	stream.indirect.gather [hbm4b:s1+s8], $0x80, s0, s8, $0xb8;
	[tilespmem:$0x1F400] =	vst v63  }
0xd9: {  	_ =	swait.ge [sflag:s5], $0x3C00  }
0xda: {  	[sflag:s5] =	ssyncset.done $0x0  }
0xdb: {  	[sflag:s5] =	ssyncadd.s32 $0xFFFFC400  }
0xdc: {  	[spmem:s2] =	stream.indirect.scatter.add.f32 [tilespmem:s26], [sflag:$0x6], $0x80, s13, s8, $0xb8;
	[tilespmem:$0x1F400] =	vst v63  }
0xdd: {  	_ =	swait.ge [sflag:s15], $0x3C00  }
0xde: {  	[sflag:s15] =	ssyncset.done $0x0;
	s22 =	rddreg [dreg:$0xf]  }
0xdf: {  	[sflag:s15] =	ssyncadd.s32 $0xFFFFC400;
	s21 =	sadd.s32 s19, s22  }
0xe0: {  	[tilespmem:s16], [sflag:$0xA] =	stream.linear.gather [hbm4b:s21+s4], $0x100, $0x38;
	[tilespmem:$0x1F400] =	vst v63  }
0xe1: {  	_ =	swait.ge [sflag:s11], $0x100  }
0xe2: {  	[sflag:s11] =	ssyncset.done $0x0  }
0xe3: {  	[sflag:s11] =	ssyncadd.s32 $0xFFFFFF00  }
0xe4: {  	[tilespmem:s10], [sflag:$0x2] =	stream.indirect.gather [hbm4b:s1+s8], $0x80, s3, s8, $0xb8;
	[tilespmem:$0x1F400] =	vst v63  }
0xe5: {  	_ =	swait.ge [sflag:s12], $0x3C00  }
0xe6: {  	[sflag:s12] =	ssyncset.done $0x0  }
0xe7: {  	[sflag:s12] =	ssyncadd.s32 $0xFFFFC400  }
0xe8: {  	[spmem:s2] =	stream.indirect.scatter.add.f32 [tilespmem:s30], [sflag:$0x4], $0x80, s29, s8, $0xb8;
	[tilespmem:$0x1F400] =	vst v63  }
0xe9: {  	p0 =	seq.s32 s19, $0x900;
	_ =	swait.ge [sflag:s18], $0x3C00  }
0xea: {  	s21 =	sshrl.u32 @!p0 s20, $0x3;
	[sflag:s18] =	ssyncset.done $0x0  }
0xeb: {  	s22 =	simm.s32 @!p0 $0x0;
	s21 =	sadd.s32 @!p0 s23, s21;
	[sflag:s18] =	ssyncadd.s32 $0xFFFFC400  }
0xec: {  	[tilespmem:s22], [sflag:$0x7] =	stream.linear.gather @!p0 [hbm4b:s21+s22], $0x100, $0x38;
	[tilespmem:$0x1F400] =	vst v63  }
0xed: {  	_ =	swait.ge [sflag:s31], $0x100  }
0xee: {  	[sflag:s31] =	ssyncset.done $0x0  }
0xef: {  	[sflag:s31] =	ssyncadd.s32 $0xFFFFFF00  }
0xf0: {  	[tilespmem:s26], [sflag:$0x3] =	stream.indirect.gather [hbm4b:s1+s8], $0x80, s16, s8, $0xb8;
	[tilespmem:$0x1F400] =	vst v63  }
0xf1: {  	_ =	swait.ge [sflag:s28], $0x3C00  }
0xf2: {  	[sflag:s28] =	ssyncset.done $0x0  }
.Ltmp3:
0xf3: {  	[sflag:s28] =	ssyncadd.s32 $0xFFFFC400;
	(pc) =	sbr.rel @p0 .LBB2_6-.Ltmp3, $4  }
0xf4: {  	[spmem:s2] =	stream.indirect.scatter.add.f32 [tilespmem:s10], [sflag:$0x5], $0x80, s14, s8, $0xb8;
	[tilespmem:$0x1F400] =	vst v63  }
0xf5: {  	_ =	swait.ge [sflag:s6], $0x3C00  }
0xf6: {  	[sflag:s6] =	ssyncset.done $0x0  }
0xf7: {  	[sflag:s6] =	ssyncadd.s32 $0xFFFFC400  }
0xf8: {  	s21 =	rddreg [dreg:$0xd]  }
0xf9: {  	s21 =	sadd.s32 s19, s21  }
0xfa: {  	[tilespmem:s0], [sflag:$0x8] =	stream.linear.gather [hbm4b:s21+s4], $0x100, $0x38;
	[tilespmem:$0x1F400] =	vst v63  }
0xfb: {  	_ =	swait.ge [sflag:s7], $0x100  }
0xfc: {  	[sflag:s7] =	ssyncset.done $0x0  }
0xfd: {  	[sflag:s7] =	ssyncadd.s32 $0xFFFFFF00  }
0xfe: {  	[tilespmem:s30], [sflag:$0x1] =	stream.indirect.gather [hbm4b:s1+s8], $0x80, s4, s8, $0xb8;
	[tilespmem:$0x1F400] =	vst v63  }
0xff: {  	_ =	swait.ge [sflag:s5], $0x3C00  }
0x100: {  	[sflag:s5] =	ssyncset.done $0x0  }
0x101: {  	[sflag:s5] =	ssyncadd.s32 $0xFFFFC400  }
0x102: {  	[spmem:s2] =	stream.indirect.scatter.add.f32 [tilespmem:s26], [sflag:$0x6], $0x80, s17, s8, $0xb8;
	[tilespmem:$0x1F400] =	vst v63  }
0x103: {  	_ =	swait.ge [sflag:s15], $0x3C00  }
0x104: {  	[sflag:s15] =	ssyncset.done $0x0;
	s22 =	rddreg [dreg:$0xc]  }
0x105: {  	[sflag:s15] =	ssyncadd.s32 $0xFFFFC400;
	s21 =	sadd.s32 s19, s22  }
0x106: {  	[tilespmem:s3], [sflag:$0x9] =	stream.linear.gather [hbm4b:s21+s4], $0x100, $0x38;
	[tilespmem:$0x1F400] =	vst v63  }
.Ltmp4:
0x107: {  	_ = 	snop;
	(pc) =	sbr.rel .LBB2_4-.Ltmp4, $4  }
0x108: {  	_ =	swait.ge [sflag:s9], $0x100  }
0x109: {  	[sflag:s9] =	ssyncset.done $0x0  }
0x10a: {  	s20 =	sadd.s32 $0xC00, s20;
	s19 =	sadd.s32 $0x180, s19;
	[sflag:s9] =	ssyncadd.s32 $0xFFFFFF00  }
0x10b: {  	[tilespmem:s10], [sflag:$0x2] =	stream.indirect.gather [hbm4b:s1+s8], $0x80, s0, s8, $0xb8;
	[tilespmem:$0x1F400] =	vst v63  }
.LBB2_7:
0x10c: {  	_ =	sfence.sel $0x180000  }
0x10d: {  	[bflag:$0x0] =	sbarrier.arrive $0xFFFF  }
0x10e: {  	_ =	strace $0x90000047  }
0x10f: {  	s0 =	stileid.u32;
	[bflag:$0x2] =	sbarrier.arrive $0xFFFF  }
0x110: {  	p0 =	sne.s32 s0, $0x0;
	s0 =	rddreg [dreg:$0x3]  }
0x111: {  	s0 =	sadd.s32 @!p0 $0x100000, s0  }
0x112: {  	[sflag:s0] =	ssyncadd.tile.s32 @!p0 $0x1;
	_ =	shalt  }
.Lfunc_end2:
_tile_overlayer_lowered:
.L_overlay_start_2:
0x113: {  	(tag) =	ssettag $0x2  }
0x114: {  	s0 =	rddreg [dreg:$0x0];
	s2 =	stileid.u32  }
0x115: {  	s1 =	rddreg [dreg:$0x1];
	p0 =	sne.s32 s2, $0x0  }
0x116: {  	s3 =	rddreg [dreg:$0x2];
	[bflag:$0x3] =	sbarrier.arrive $0xFFFF;
	s2 =	simm.s32 @!p0 $0x1C0B  }
0x117: {  	[timem:s3], [sflag:s2] =	dma.local @!p0 [hbm:s0], s1  }
0x118: {  	s0 =	simm.s32 @!p0 $0xB  }
0x119: {  	_ =	swait.ge @!p0 [sflag:s0], s1  }
0x11a: {  	s1 =	ssub.s32 @!p0 $0x0, s1;
	[sflag:s0] =	ssyncset.done @!p0 $0x0  }
0x11b: {  	[sflag:s0] =	ssyncadd.s32 @!p0 s1  }
0x11c: {  	[bflag:$0x3] =	sbarrier.arrive $0xFFFF  }
0x11d: {  	_ =	shalt  }

</sc_bundles>
